<compile_context>
chip_gen: v7x
topology: tpu7x:2x2x1
jax: 0.10.2.dev20260603
libtpu: 0.0.44.dev20260713+nightly
codegen_flags: <defaults>
</compile_context>

<pallas_src>
import functools

import jax
import jax.numpy as jnp
from jax import lax
from jax.experimental import pallas as pl
from jax.experimental.pallas import tpu as pltpu
from jax.experimental.pallas import tpu_sc as plsc

N_ROWS = 16384
H_IN = 512
B = 16
CH = 64
CH_SHIFT = CH.bit_length() - 1
HALF = H_IN // 2
NVEC = HALF // 16
NW = 32
RB = 2048
NB = 4


def _seg_sum_body(embs_hbm, len_hbm, out_hbm, len_v, buf, acc, sem0, sem1):
    i_sub = lax.axis_index("s")
    h = lax.axis_index("c")
    col0 = h * HALF
    w = i_sub * 2 + h

    pltpu.sync_copy(len_hbm, len_v)
    split = len_v[pl.ds(B, 16)][0]
    q = split >> 4
    r0 = i_sub * q
    r1 = r0 + q

    zf = jnp.zeros((16,), jnp.float32)

    def zero_body(j, x):
        for c in range(NVEC):
            acc[j, pl.ds(c * 16, 16)] = zf
        return x

    lax.fori_loop(0, B, zero_body, 0)

    nch = (q + CH - 1) >> CH_SHIFT
    sems = (sem0, sem1)

    def chunk_src(i):
        off = r0 + i * CH
        cl = pl.multiple_of(jnp.minimum(off, N_ROWS - CH), 8)
        return embs_hbm.at[pl.ds(cl, CH), pl.ds(col0, HALF)]

    def start(i, slot):
        pltpu.async_copy(chunk_src(i), buf.at[slot], sems[slot])

    def wait(slot):
        pltpu.make_async_copy(
            embs_hbm.at[pl.ds(0, CH), pl.ds(col0, HALF)], buf.at[slot], sems[slot]
        ).wait()

    z = jnp.int32(0)

    def accum(i, slot):
        off = r0 + i * CH
        cl = jnp.minimum(off, N_ROWS - CH)
        active = i < nch
        c_lo = jnp.where(active, off, z)
        c_hi = jnp.where(active, jnp.minimum(off + CH, r1), z)

        def seg_body(j, cum):
            e_j = cum + len_v[pl.ds(j, 16)][0]
            lo = jnp.maximum(cum, c_lo) - cl
            hi = jnp.minimum(e_j, c_hi) - cl

            def row_body(r, a):
                return tuple(
                    a[c] + buf[slot, r, pl.ds(c * 16, 16)] for c in range(NVEC)
                )

            regs = lax.fori_loop(lo, hi, row_body, (zf,) * NVEC)

            @pl.when(hi > lo)
            def _():
                for c in range(NVEC):
                    plsc.addupdate(acc.at[j, pl.ds(c * 16, 16)], regs[c])

            return e_j

        lax.fori_loop(0, B, seg_body, z)

    @pl.when(nch > 0)
    def _():
        start(0, 0)

    def pair_body(p, x):
        i0 = 2 * p
        i1 = i0 + 1
        wait(0)

        @pl.when(i1 < nch)
        def _():
            start(i1, 1)

        accum(i0, 0)

        @pl.when(i1 < nch)
        def _():
            wait(1)

        @pl.when(i1 + 1 < nch)
        def _():
            start(i1 + 1, 0)

        accum(i1, 1)
        return x

    lax.fori_loop(0, (nch + 1) >> 1, pair_body, 0)

    for c_loc in range(2):
        pltpu.sync_copy(
            acc.at[:, pl.ds(c_loc * 128, 128)],
            out_hbm.at[pl.ds((w * 2 + c_loc) * B, B), :],
        )


def _make_seg_sum():
    mesh = plsc.VectorSubcoreMesh(core_axis_name="c", subcore_axis_name="s")
    return pl.kernel(
        _seg_sum_body,
        out_type=jax.ShapeDtypeStruct((NW * 2 * B, 128), jnp.float32),
        mesh=mesh,
        scratch_types=[
            pltpu.VMEM((2 * B,), jnp.int32),
            pltpu.VMEM((2, CH, HALF), jnp.float32),
            pltpu.VMEM((B, HALF), jnp.float32),
            pltpu.SemaphoreType.DMA,
            pltpu.SemaphoreType.DMA,
        ],
    )


def _partial_body(offs_ref, emb_ref, st_ref, en_ref, wm_ref, out_ref, acc_ref):
    i = pl.program_id(0)
    base = offs_ref[NB] + i * RB

    @pl.when(i == 0)
    def _():
        acc_ref[...] = jnp.zeros_like(acc_ref)

    @pl.when(base < offs_ref[NB + 1])
    def _():
        rows = base + lax.broadcasted_iota(jnp.int32, (B, RB), 1)
        mask = ((rows >= st_ref[...]) & (rows < en_ref[...])).astype(jnp.bfloat16)
        acc_ref[...] = acc_ref[...] + lax.dot_general(
            mask, emb_ref[...].astype(jnp.bfloat16), (((1,), (0,)), ((), ())),
            preferred_element_type=jnp.float32,
        )

    @pl.when(i == NB - 1)
    def _():
        out_ref[...] = lax.dot_general(
            acc_ref[...], wm_ref[...], (((1,), (1,)), ((), ())),
            preferred_element_type=jnp.float32,
        )


def _make_partial(h_out):
    grid_spec = pltpu.PrefetchScalarGridSpec(
        num_scalar_prefetch=1,
        grid=(NB,),
        in_specs=[
            pl.BlockSpec((RB, H_IN), lambda i, offs: (offs[i], 0)),
            pl.BlockSpec((B, 1), lambda i, offs: (0, 0)),
            pl.BlockSpec((B, 1), lambda i, offs: (0, 0)),
            pl.BlockSpec((h_out, H_IN), lambda i, offs: (0, 0)),
        ],
        out_specs=pl.BlockSpec((B, h_out), lambda i, offs: (0, 0)),
        scratch_shapes=[pltpu.VMEM((B, H_IN), jnp.float32)],
    )
    return pl.pallas_call(
        _partial_body,
        grid_spec=grid_spec,
        out_shape=jax.ShapeDtypeStruct((B, h_out), jnp.float32),
    )


def _tail_body(seg_ref, pm_ref, lenf_ref, wm_ref, bm_ref, bs_ref, we_ref, be_ref, out_ref):
    lenf = lenf_ref[...]
    summed = pm_ref[...] + lenf * bm_ref[...] + bs_ref[...]
    for c in range(4):
        h, c_loc = c >> 1, c & 1
        part = jnp.zeros((B, 128), jnp.float32)
        for i_sub in range(16):
            w = i_sub * 2 + h
            part = part + seg_ref[pl.ds(((w * 2 + c_loc) * B), B), :]
        summed = summed + lax.dot_general(
            part, wm_ref[:, pl.ds(c * 128, 128)],
            (((1,), (1,)), ((), ())),
            preferred_element_type=jnp.float32,
        )
    mean = summed / (lenf + 1.0)
    out = lax.dot_general(
        mean, we_ref[...], (((1,), (1,)), ((), ())),
        preferred_element_type=jnp.float32,
    )
    out_ref[...] = jnp.tanh(out + be_ref[...])


def kernel(embs, lengths, W_map, b_map, beg_seq_param, W_enc, b_enc):
    lengths = lengths.astype(jnp.int32)
    ends = jnp.cumsum(lengths)
    starts = ends - lengths
    total = ends[B - 1]
    split = jnp.maximum(total - NB * RB, (7 * total) >> 4)
    split = ((split + RB - 1) // RB) * RB
    max_blk = jnp.maximum((total + RB - 1) // RB - 1, split // RB)
    offs = jnp.minimum(split // RB + jnp.arange(NB, dtype=jnp.int32), max_blk)
    offs = jnp.concatenate([offs, split[None], total[None]]).astype(jnp.int32)

    len_ext = jnp.concatenate(
        [lengths, split[None], jnp.zeros((B - 1,), jnp.int32)])
    seg = _make_seg_sum()(embs, len_ext)
    h_out = W_map.shape[0]
    pmapped = _make_partial(h_out)(
        offs, embs, starts.reshape(B, 1), ends.reshape(B, 1), W_map)
    lenf = lengths.astype(jnp.float32).reshape(B, 1)
    out = pl.pallas_call(
        _tail_body,
        out_shape=jax.ShapeDtypeStruct((B, h_out), jnp.float32),
    )(seg, pmapped, lenf, W_map, b_map.reshape(1, h_out),
      beg_seq_param.reshape(1, h_out), W_enc, b_enc.reshape(1, h_out))
    return out

# --- scband reference (transcript-rebuilt; emitter-appended) ---
"""Pipeline reference for scband-emb-seq-encoder-19043884990827 (READ-ONLY COPY).

The authoritative reference and input builder live on the scoring server;
editing this copy changes nothing except your own understanding.
"""

import jax, jax.numpy as jnp
import numpy as np

PAD_MULT = 128


def setup_inputs(seed: int = 0) -> dict:
    key = jax.random.key(seed)
    ks = jax.random.split(key, 8)
    embs = jax.random.normal(ks[0], (16384, 512), dtype=jnp.float32)
    lengths = jax.random.randint(ks[1], (16,), 0, 1024, dtype=jnp.int64)
    W_map = jax.random.normal(ks[2], (1024, 512), dtype=jnp.float32) * 0.02
    b_map = jnp.zeros((1024,), dtype=jnp.float32)
    beg_seq_param = jax.random.uniform(ks[3], (1024,), dtype=jnp.float32, minval=-0.1, maxval=0.1)
    W_enc = jax.random.normal(ks[4], (1024, 1024), dtype=jnp.float32) * 0.02
    b_enc = jnp.zeros((1024,), dtype=jnp.float32)
    return {"embs": embs, "lengths": lengths, "W_map": W_map, "b_map": b_map,
            "beg_seq_param": beg_seq_param, "W_enc": W_enc, "b_enc": b_enc}


def reference(embs, lengths, W_map, b_map, beg_seq_param, W_enc, b_enc):
    # _prepare_input: emb_to_hidden_mapping (prev_output_size=512 != input_size=1024)
    embs = embs @ W_map.T + b_map  # [N, 1024]
    extra_len = 1  # add_beg_seq_token=True
    # _pad_embs_seq: lengths drawn in [0, 1024), so max_len <= 1023 + extra_len = 1024
    max_len = 1023 + extra_len
    if PAD_MULT and max_len % PAD_MULT != 0:
        max_len = (max_len // PAD_MULT + 1) * PAD_MULT
    B = lengths.shape[0]
    emb_sz = embs.shape[1]
    starts = jnp.cumsum(lengths) - lengths  # exclusive prefix sum of lengths
    pos = jnp.arange(max_len)
    src = starts[:, None] + pos[None, :] - extra_len
    valid = (pos[None, :] >= extra_len) & (pos[None, :] < lengths[:, None] + extra_len)
    src_clipped = jnp.clip(src, 0, embs.shape[0] - 1)
    seqs = embs[src_clipped] * valid[:, :, None].astype(embs.dtype)
    # beg-of-seq token at the start of every sequence (set AFTER scatter, overrides)
    seqs = seqs.at[:, 0, :].set(jnp.broadcast_to(beg_seq_param, (B, emb_sz)))
    len_tensor = lengths + extra_len
    # encoder: masked mean pooling over valid positions + Linear + tanh
    mask = (pos[None, :] < len_tensor[:, None]).astype(seqs.dtype)
    summed = jnp.sum(seqs * mask[:, :, None], axis=1)
    mean = summed / len_tensor.astype(seqs.dtype)[:, None]
    out = jnp.tanh(mean @ W_enc.T + b_enc)  # [B, 1024]
    return out

if __name__ == "__main__":
    import jax
    _d = setup_inputs()
    print(jax.jit(kernel)(*tuple(_d.values())))

</pallas_src>

<mosaic_0001>
#map = affine_map<(d0, d1) -> (0, 0)>
#map1 = affine_map<(d0, d1) -> (0)>
module attributes {stable_mosaic.version = 14 : i64} {
  func.func @_seg_sum_body(%arg0: i32, %arg1: i32, %arg2: memref<16384x512xf32, #tpu.memory_space<hbm>>, %arg3: memref<32xi32, #tpu.memory_space<hbm>>, %arg4: memref<1024x128xf32, #tpu.memory_space<hbm>>, %arg5: memref<32xi32, #tpu.memory_space<vmem>>, %arg6: memref<2x64x256xf32, #tpu.memory_space<vmem>>, %arg7: memref<16x256xf32, #tpu.memory_space<vmem>>, %arg8: memref<!tpu.dma_semaphore, #tpu.memory_space<semaphore_mem>>, %arg9: memref<!tpu.dma_semaphore, #tpu.memory_space<semaphore_mem>>) attributes {dimension_semantics = [#tpu.dimension_semantics<core_parallel>, #tpu.dimension_semantics<subcore_parallel>], iteration_bounds = array<i64: 2, 16>, scalar_prefetch = 0 : i64, scratch_operands = 5 : i64, tpu.core_type = #tpu.core_type<sc_vector_subcore>, window_params = [{transform_indices = #map}, {transform_indices = #map1}, {transform_indices = #map}]} {
    %mul3A = arith.constant 256 : i32
    %mul3A_0 = arith.muli %arg0, %mul3A : i32
    %mul3A_1 = arith.constant 2 : i32
    %mul3A_2 = arith.muli %arg1, %mul3A_1 : i32
    %add3A = arith.addi %mul3A_2, %arg0 : i32
    "tpu.region"() ({
      %run_scoped3A = tpu.sem_alloc : memref<!tpu.dma_semaphore, #tpu.memory_space<semaphore_mem>>
      tpu.enqueue_dma source(%arg3 : memref<32xi32, #tpu.memory_space<hbm>>) target(%arg5 : memref<32xi32, #tpu.memory_space<vmem>>) target_semaphore(%run_scoped3A : memref<!tpu.dma_semaphore, #tpu.memory_space<semaphore_mem>>)
      tpu.wait_dma2 semaphore(%run_scoped3A : memref<!tpu.dma_semaphore, #tpu.memory_space<semaphore_mem>>) src(%arg3 : memref<32xi32, #tpu.memory_space<hbm>>) dst(%arg5 : memref<32xi32, #tpu.memory_space<vmem>>)
      tpu.yield
    }) : () -> ()
    %get3A = arith.constant 16 : index
    %get3A_3 = tpu.vector_load %arg5[%get3A] {strides = array<i32>} : memref<32xi32, #tpu.memory_space<vmem>>, vector<16xi32>,
    %get3A_4 = vector.shape_cast %get3A_3 : vector<16xi32> to vector<16xi32>
    %slice3A = vector.extract_strided_slice %get3A_4 {offsets = [0], sizes = [1], strides = [1]} : vector<16xi32> to vector<1xi32>
    %squeeze3A = vector.extract %slice3A[0] : i32 from vector<1xi32>
    %shift_right_arithmetic3A = arith.constant 4 : i32
    %shift_right_arithmetic3A_5 = arith.shrsi %squeeze3A, %shift_right_arithmetic3A : i32
    %mul3A_6 = arith.muli %arg1, %shift_right_arithmetic3A_5 : i32
    %add3A_7 = arith.addi %mul3A_6, %shift_right_arithmetic3A_5 : i32
    %broadcast_in_dim3A = arith.constant 0.000000e+00 : f32
    %broadcast_in_dim3A_8 = vector.broadcast %broadcast_in_dim3A : f32 to vector<16xf32>
    %scan3A = arith.constant 0 : i32
    %scan3A_9 = arith.constant 0 : i32
    %scan3A_10 = arith.constant 16 : i32
    %scan3A_11 = arith.addi %scan3A_9, %scan3A_10 : i32
    %scan3A_12 = arith.constant 1 : i32
    scf.for %scan3A_47 = %scan3A_9 to %scan3A_11 step %scan3A_12  : i32 {
      %swap3A = arith.index_cast %scan3A_47 : i32 to index
      %swap3A_48 = arith.constant 0 : index
      %swap3A_49 = tpu.vector_load %arg7[%swap3A, %swap3A_48] {strides = array<i32>} : memref<16x256xf32, #tpu.memory_space<vmem>>, vector<1x16xf32>,
      %swap3A_50 = vector.shape_cast %swap3A_49 : vector<1x16xf32> to vector<16xf32>
      %swap3A_51 = vector.shape_cast %broadcast_in_dim3A_8 : vector<16xf32> to vector<1x16xf32>
      tpu.vector_store %arg7[%swap3A, %swap3A_48], %swap3A_51 {strides = array<i32>} : memref<16x256xf32, #tpu.memory_space<vmem>>, vector<1x16xf32>,
      %swap3A_52 = arith.index_cast %scan3A_47 : i32 to index
      %swap3A_53 = arith.constant 16 : index
      %swap3A_54 = tpu.vector_load %arg7[%swap3A_52, %swap3A_53] {strides = array<i32>} : memref<16x256xf32, #tpu.memory_space<vmem>>, vector<1x16xf32>,
      %swap3A_55 = vector.shape_cast %swap3A_54 : vector<1x16xf32> to vector<16xf32>
      %swap3A_56 = vector.shape_cast %broadcast_in_dim3A_8 : vector<16xf32> to vector<1x16xf32>
      tpu.vector_store %arg7[%swap3A_52, %swap3A_53], %swap3A_56 {strides = array<i32>} : memref<16x256xf32, #tpu.memory_space<vmem>>, vector<1x16xf32>,
      %swap3A_57 = arith.index_cast %scan3A_47 : i32 to index
      %swap3A_58 = arith.constant 32 : index
      %swap3A_59 = tpu.vector_load %arg7[%swap3A_57, %swap3A_58] {strides = array<i32>} : memref<16x256xf32, #tpu.memory_space<vmem>>, vector<1x16xf32>,
      %swap3A_60 = vector.shape_cast %swap3A_59 : vector<1x16xf32> to vector<16xf32>
      %swap3A_61 = vector.shape_cast %broadcast_in_dim3A_8 : vector<16xf32> to vector<1x16xf32>
      tpu.vector_store %arg7[%swap3A_57, %swap3A_58], %swap3A_61 {strides = array<i32>} : memref<16x256xf32, #tpu.memory_space<vmem>>, vector<1x16xf32>,
      %swap3A_62 = arith.index_cast %scan3A_47 : i32 to index
      %swap3A_63 = arith.constant 48 : index
      %swap3A_64 = tpu.vector_load %arg7[%swap3A_62, %swap3A_63] {strides = array<i32>} : memref<16x256xf32, #tpu.memory_space<vmem>>, vector<1x16xf32>,
      %swap3A_65 = vector.shape_cast %swap3A_64 : vector<1x16xf32> to vector<16xf32>
      %swap3A_66 = vector.shape_cast %broadcast_in_dim3A_8 : vector<16xf32> to vector<1x16xf32>
      tpu.vector_store %arg7[%swap3A_62, %swap3A_63], %swap3A_66 {strides = array<i32>} : memref<16x256xf32, #tpu.memory_space<vmem>>, vector<1x16xf32>,
      %swap3A_67 = arith.index_cast %scan3A_47 : i32 to index
      %swap3A_68 = arith.constant 64 : index
      %swap3A_69 = tpu.vector_load %arg7[%swap3A_67, %swap3A_68] {strides = array<i32>} : memref<16x256xf32, #tpu.memory_space<vmem>>, vector<1x16xf32>,
      %swap3A_70 = vector.shape_cast %swap3A_69 : vector<1x16xf32> to vector<16xf32>
      %swap3A_71 = vector.shape_cast %broadcast_in_dim3A_8 : vector<16xf32> to vector<1x16xf32>
      tpu.vector_store %arg7[%swap3A_67, %swap3A_68], %swap3A_71 {strides = array<i32>} : memref<16x256xf32, #tpu.memory_space<vmem>>, vector<1x16xf32>,
      %swap3A_72 = arith.index_cast %scan3A_47 : i32 to index
      %swap3A_73 = arith.constant 80 : index
      %swap3A_74 = tpu.vector_load %arg7[%swap3A_72, %swap3A_73] {strides = array<i32>} : memref<16x256xf32, #tpu.memory_space<vmem>>, vector<1x16xf32>,
      %swap3A_75 = vector.shape_cast %swap3A_74 : vector<1x16xf32> to vector<16xf32>
      %swap3A_76 = vector.shape_cast %broadcast_in_dim3A_8 : vector<16xf32> to vector<1x16xf32>
      tpu.vector_store %arg7[%swap3A_72, %swap3A_73], %swap3A_76 {strides = array<i32>} : memref<16x256xf32, #tpu.memory_space<vmem>>, vector<1x16xf32>,
      %swap3A_77 = arith.index_cast %scan3A_47 : i32 to index
      %swap3A_78 = arith.constant 96 : index
      %swap3A_79 = tpu.vector_load %arg7[%swap3A_77, %swap3A_78] {strides = array<i32>} : memref<16x256xf32, #tpu.memory_space<vmem>>, vector<1x16xf32>,
      %swap3A_80 = vector.shape_cast %swap3A_79 : vector<1x16xf32> to vector<16xf32>
      %swap3A_81 = vector.shape_cast %broadcast_in_dim3A_8 : vector<16xf32> to vector<1x16xf32>
      tpu.vector_store %arg7[%swap3A_77, %swap3A_78], %swap3A_81 {strides = array<i32>} : memref<16x256xf32, #tpu.memory_space<vmem>>, vector<1x16xf32>,
      %swap3A_82 = arith.index_cast %scan3A_47 : i32 to index
      %swap3A_83 = arith.constant 112 : index
      %swap3A_84 = tpu.vector_load %arg7[%swap3A_82, %swap3A_83] {strides = array<i32>} : memref<16x256xf32, #tpu.memory_space<vmem>>, vector<1x16xf32>,
      %swap3A_85 = vector.shape_cast %swap3A_84 : vector<1x16xf32> to vector<16xf32>
      %swap3A_86 = vector.shape_cast %broadcast_in_dim3A_8 : vector<16xf32> to vector<1x16xf32>
      tpu.vector_store %arg7[%swap3A_82, %swap3A_83], %swap3A_86 {strides = array<i32>} : memref<16x256xf32, #tpu.memory_space<vmem>>, vector<1x16xf32>,
      %swap3A_87 = arith.index_cast %scan3A_47 : i32 to index
      %swap3A_88 = arith.constant 128 : index
      %swap3A_89 = tpu.vector_load %arg7[%swap3A_87, %swap3A_88] {strides = array<i32>} : memref<16x256xf32, #tpu.memory_space<vmem>>, vector<1x16xf32>,
      %swap3A_90 = vector.shape_cast %swap3A_89 : vector<1x16xf32> to vector<16xf32>
      %swap3A_91 = vector.shape_cast %broadcast_in_dim3A_8 : vector<16xf32> to vector<1x16xf32>
      tpu.vector_store %arg7[%swap3A_87, %swap3A_88], %swap3A_91 {strides = array<i32>} : memref<16x256xf32, #tpu.memory_space<vmem>>, vector<1x16xf32>,
      %swap3A_92 = arith.index_cast %scan3A_47 : i32 to index
      %swap3A_93 = arith.constant 144 : index
      %swap3A_94 = tpu.vector_load %arg7[%swap3A_92, %swap3A_93] {strides = array<i32>} : memref<16x256xf32, #tpu.memory_space<vmem>>, vector<1x16xf32>,
      %swap3A_95 = vector.shape_cast %swap3A_94 : vector<1x16xf32> to vector<16xf32>
      %swap3A_96 = vector.shape_cast %broadcast_in_dim3A_8 : vector<16xf32> to vector<1x16xf32>
      tpu.vector_store %arg7[%swap3A_92, %swap3A_93], %swap3A_96 {strides = array<i32>} : memref<16x256xf32, #tpu.memory_space<vmem>>, vector<1x16xf32>,
      %swap3A_97 = arith.index_cast %scan3A_47 : i32 to index
      %swap3A_98 = arith.constant 160 : index
      %swap3A_99 = tpu.vector_load %arg7[%swap3A_97, %swap3A_98] {strides = array<i32>} : memref<16x256xf32, #tpu.memory_space<vmem>>, vector<1x16xf32>,
      %swap3A_100 = vector.shape_cast %swap3A_99 : vector<1x16xf32> to vector<16xf32>
      %swap3A_101 = vector.shape_cast %broadcast_in_dim3A_8 : vector<16xf32> to vector<1x16xf32>
      tpu.vector_store %arg7[%swap3A_97, %swap3A_98], %swap3A_101 {strides = array<i32>} : memref<16x256xf32, #tpu.memory_space<vmem>>, vector<1x16xf32>,
      %swap3A_102 = arith.index_cast %scan3A_47 : i32 to index
      %swap3A_103 = arith.constant 176 : index
      %swap3A_104 = tpu.vector_load %arg7[%swap3A_102, %swap3A_103] {strides = array<i32>} : memref<16x256xf32, #tpu.memory_space<vmem>>, vector<1x16xf32>,
      %swap3A_105 = vector.shape_cast %swap3A_104 : vector<1x16xf32> to vector<16xf32>
      %swap3A_106 = vector.shape_cast %broadcast_in_dim3A_8 : vector<16xf32> to vector<1x16xf32>
      tpu.vector_store %arg7[%swap3A_102, %swap3A_103], %swap3A_106 {strides = array<i32>} : memref<16x256xf32, #tpu.memory_space<vmem>>, vector<1x16xf32>,
      %swap3A_107 = arith.index_cast %scan3A_47 : i32 to index
      %swap3A_108 = arith.constant 192 : index
      %swap3A_109 = tpu.vector_load %arg7[%swap3A_107, %swap3A_108] {strides = array<i32>} : memref<16x256xf32, #tpu.memory_space<vmem>>, vector<1x16xf32>,
      %swap3A_110 = vector.shape_cast %swap3A_109 : vector<1x16xf32> to vector<16xf32>
      %swap3A_111 = vector.shape_cast %broadcast_in_dim3A_8 : vector<16xf32> to vector<1x16xf32>
      tpu.vector_store %arg7[%swap3A_107, %swap3A_108], %swap3A_111 {strides = array<i32>} : memref<16x256xf32, #tpu.memory_space<vmem>>, vector<1x16xf32>,
      %swap3A_112 = arith.index_cast %scan3A_47 : i32 to index
      %swap3A_113 = arith.constant 208 : index
      %swap3A_114 = tpu.vector_load %arg7[%swap3A_112, %swap3A_113] {strides = array<i32>} : memref<16x256xf32, #tpu.memory_space<vmem>>, vector<1x16xf32>,
      %swap3A_115 = vector.shape_cast %swap3A_114 : vector<1x16xf32> to vector<16xf32>
      %swap3A_116 = vector.shape_cast %broadcast_in_dim3A_8 : vector<16xf32> to vector<1x16xf32>
      tpu.vector_store %arg7[%swap3A_112, %swap3A_113], %swap3A_116 {strides = array<i32>} : memref<16x256xf32, #tpu.memory_space<vmem>>, vector<1x16xf32>,
      %swap3A_117 = arith.index_cast %scan3A_47 : i32 to index
      %swap3A_118 = arith.constant 224 : index
      %swap3A_119 = tpu.vector_load %arg7[%swap3A_117, %swap3A_118] {strides = array<i32>} : memref<16x256xf32, #tpu.memory_space<vmem>>, vector<1x16xf32>,
      %swap3A_120 = vector.shape_cast %swap3A_119 : vector<1x16xf32> to vector<16xf32>
      %swap3A_121 = vector.shape_cast %broadcast_in_dim3A_8 : vector<16xf32> to vector<1x16xf32>
      tpu.vector_store %arg7[%swap3A_117, %swap3A_118], %swap3A_121 {strides = array<i32>} : memref<16x256xf32, #tpu.memory_space<vmem>>, vector<1x16xf32>,
      %swap3A_122 = arith.index_cast %scan3A_47 : i32 to index
      %swap3A_123 = arith.constant 240 : index
      %swap3A_124 = tpu.vector_load %arg7[%swap3A_122, %swap3A_123] {strides = array<i32>} : memref<16x256xf32, #tpu.memory_space<vmem>>, vector<1x16xf32>,
      %swap3A_125 = vector.shape_cast %swap3A_124 : vector<1x16xf32> to vector<16xf32>
      %swap3A_126 = vector.shape_cast %broadcast_in_dim3A_8 : vector<16xf32> to vector<1x16xf32>
      tpu.vector_store %arg7[%swap3A_122, %swap3A_123], %swap3A_126 {strides = array<i32>} : memref<16x256xf32, #tpu.memory_space<vmem>>, vector<1x16xf32>,
    }
    %scan3A_13 = arith.constant 16 : i32
    %add3A_14 = arith.constant 64 : i32
    %add3A_15 = arith.addi %shift_right_arithmetic3A_5, %add3A_14 : i32
    %sub3A = arith.constant 1 : i32
    %sub3A_16 = arith.subi %add3A_15, %sub3A : i32
    %shift_right_arithmetic3A_17 = arith.constant 6 : i32
    %shift_right_arithmetic3A_18 = arith.shrsi %sub3A_16, %shift_right_arithmetic3A_17 : i32
    %gt3A = arith.constant 0 : i32
    %gt3A_19 = arith.cmpi sgt, %shift_right_arithmetic3A_18, %gt3A : i32
    %convert_element_type3A = arith.extui %gt3A_19 : i1 to i32
    %cond3A = arith.constant 0 : i32
    %cond3A_20 = arith.cmpi ne, %convert_element_type3A, %cond3A : i32
    scf.if %cond3A_20 {
      %add3A_47 = arith.constant 0 : i32
      %add3A_48 = arith.addi %mul3A_6, %add3A_47 : i32
      %min3A = arith.constant 16320 : i32
      %min3A_49 = arith.minsi %add3A_48, %min3A : i32
      %multiple_of3A = tpu.assume_multiple %min3A_49, 8 : i32
      %dma_start3A = arith.constant 0 : i32
      %dma_start3A_50 = arith.constant 0 : i32
      %dma_start3A_51 = arith.constant 0 : i32
      %dma_start3A_52 = tpu.memref_slice %arg6[%dma_start3A, %dma_start3A_50, %dma_start3A_51] : memref<2x64x256xf32, #tpu.memory_space<vmem>> -> memref<1x64x256xf32, #tpu.memory_space<vmem>>
      %dma_start3A_53 = tpu.memref_squeeze %dma_start3A_52 : memref<1x64x256xf32, #tpu.memory_space<vmem>> -> memref<64x256xf32, #tpu.memory_space<vmem>>
      %dma_start3A_54 = tpu.memref_slice %arg2[%multiple_of3A, %mul3A_0] : memref<16384x512xf32, #tpu.memory_space<hbm>> -> memref<64x256xf32, #tpu.memory_space<hbm>>
      %dma_start3A_55 = arith.constant 0 : i32
      %dma_start3A_56 = arith.constant 0 : i32
      %dma_start3A_57 = tpu.memref_slice %arg6[%dma_start3A, %dma_start3A_55, %dma_start3A_56] : memref<2x64x256xf32, #tpu.memory_space<vmem>> -> memref<1x64x256xf32, #tpu.memory_space<vmem>>
      %dma_start3A_58 = tpu.memref_squeeze %dma_start3A_57 : memref<1x64x256xf32, #tpu.memory_space<vmem>> -> memref<64x256xf32, #tpu.memory_space<vmem>>
      %dma_start3A_59 = tpu.memref_slice %arg2[%multiple_of3A, %mul3A_0] : memref<16384x512xf32, #tpu.memory_space<hbm>> -> memref<64x256xf32, #tpu.memory_space<hbm>>
      tpu.enqueue_dma source(%dma_start3A_59 : memref<64x256xf32, #tpu.memory_space<hbm>>) target(%dma_start3A_58 : memref<64x256xf32, #tpu.memory_space<vmem>>) target_semaphore(%arg8 : memref<!tpu.dma_semaphore, #tpu.memory_space<semaphore_mem>>)
    } else {
    }
    %add3A_21 = arith.constant 1 : i32
    %add3A_22 = arith.addi %shift_right_arithmetic3A_18, %add3A_21 : i32
    %shift_right_arithmetic3A_23 = arith.constant 1 : i32
    %shift_right_arithmetic3A_24 = arith.shrsi %add3A_22, %shift_right_arithmetic3A_23 : i32
    %while3A = arith.constant 0 : i32
    %while3A_25 = arith.constant 0 : i32
    %while3A_26 = arith.constant 0 : i32
    %while3A_27 = arith.subi %shift_right_arithmetic3A_24, %while3A_26 : i32
    %while3A_28 = arith.addi %while3A_26, %while3A_27 : i32
    %while3A_29 = arith.constant 1 : i32
    %while3A_30 = arith.divsi %while3A_27, %while3A_29 : i32
    %while3A_31 = arith.muli %while3A_30, %while3A_29 : i32
    %while3A_32 = arith.addi %while3A_26, %while3A_31 : i32
    %while3A_33 = arith.constant 1 : i32
    scf.for %while3A_47 = %while3A_26 to %while3A_32 step %while3A_33  : i32 {
      %mul3A_48 = arith.constant 2 : i32
      %mul3A_49 = arith.muli %mul3A_48, %while3A_47 : i32
      %add3A_50 = arith.constant 1 : i32
      %add3A_51 = arith.addi %mul3A_49, %add3A_50 : i32
      %dma_wait3A = arith.constant 0 : i32
      %dma_wait3A_52 = arith.constant 0 : i32
      %dma_wait3A_53 = arith.constant 0 : i32
      %dma_wait3A_54 = tpu.memref_slice %arg6[%dma_wait3A, %dma_wait3A_52, %dma_wait3A_53] : memref<2x64x256xf32, #tpu.memory_space<vmem>> -> memref<1x64x256xf32, #tpu.memory_space<vmem>>
      %dma_wait3A_55 = tpu.memref_squeeze %dma_wait3A_54 : memref<1x64x256xf32, #tpu.memory_space<vmem>> -> memref<64x256xf32, #tpu.memory_space<vmem>>
      %dma_wait3A_56 = arith.constant 0 : i32
      %dma_wait3A_57 = tpu.memref_slice %arg2[%dma_wait3A_56, %mul3A_0] : memref<16384x512xf32, #tpu.memory_space<hbm>> -> memref<64x256xf32, #tpu.memory_space<hbm>>
      %dma_wait3A_58 = arith.constant 0 : i32
      %dma_wait3A_59 = arith.constant 0 : i32
      %dma_wait3A_60 = tpu.memref_slice %arg6[%dma_wait3A, %dma_wait3A_58, %dma_wait3A_59] : memref<2x64x256xf32, #tpu.memory_space<vmem>> -> memref<1x64x256xf32, #tpu.memory_space<vmem>>
      %dma_wait3A_61 = tpu.memref_squeeze %dma_wait3A_60 : memref<1x64x256xf32, #tpu.memory_space<vmem>> -> memref<64x256xf32, #tpu.memory_space<vmem>>
      %dma_wait3A_62 = arith.constant 0 : i32
      %dma_wait3A_63 = tpu.memref_slice %arg2[%dma_wait3A_62, %mul3A_0] : memref<16384x512xf32, #tpu.memory_space<hbm>> -> memref<64x256xf32, #tpu.memory_space<hbm>>
      tpu.wait_dma2 semaphore(%arg8 : memref<!tpu.dma_semaphore, #tpu.memory_space<semaphore_mem>>) src(%dma_wait3A_63 : memref<64x256xf32, #tpu.memory_space<hbm>>) dst(%dma_wait3A_61 : memref<64x256xf32, #tpu.memory_space<vmem>>)
      %lt3A = arith.cmpi slt, %add3A_51, %shift_right_arithmetic3A_18 : i32
      %convert_element_type3A_64 = arith.extui %lt3A : i1 to i32
      %cond3A_65 = arith.constant 0 : i32
      %cond3A_66 = arith.cmpi ne, %convert_element_type3A_64, %cond3A_65 : i32
      scf.if %cond3A_66 {
        %mul3A_109 = arith.constant 64 : i32
        %mul3A_110 = arith.muli %add3A_51, %mul3A_109 : i32
        %add3A_111 = arith.addi %mul3A_6, %mul3A_110 : i32
        %min3A_112 = arith.constant 16320 : i32
        %min3A_113 = arith.minsi %add3A_111, %min3A_112 : i32
        %multiple_of3A = tpu.assume_multiple %min3A_113, 8 : i32
        %dma_start3A = arith.constant 1 : i32
        %dma_start3A_114 = arith.constant 0 : i32
        %dma_start3A_115 = arith.constant 0 : i32
        %dma_start3A_116 = tpu.memref_slice %arg6[%dma_start3A, %dma_start3A_114, %dma_start3A_115] : memref<2x64x256xf32, #tpu.memory_space<vmem>> -> memref<1x64x256xf32, #tpu.memory_space<vmem>>
        %dma_start3A_117 = tpu.memref_squeeze %dma_start3A_116 : memref<1x64x256xf32, #tpu.memory_space<vmem>> -> memref<64x256xf32, #tpu.memory_space<vmem>>
        %dma_start3A_118 = tpu.memref_slice %arg2[%multiple_of3A, %mul3A_0] : memref<16384x512xf32, #tpu.memory_space<hbm>> -> memref<64x256xf32, #tpu.memory_space<hbm>>
        %dma_start3A_119 = arith.constant 0 : i32
        %dma_start3A_120 = arith.constant 0 : i32
        %dma_start3A_121 = tpu.memref_slice %arg6[%dma_start3A, %dma_start3A_119, %dma_start3A_120] : memref<2x64x256xf32, #tpu.memory_space<vmem>> -> memref<1x64x256xf32, #tpu.memory_space<vmem>>
        %dma_start3A_122 = tpu.memref_squeeze %dma_start3A_121 : memref<1x64x256xf32, #tpu.memory_space<vmem>> -> memref<64x256xf32, #tpu.memory_space<vmem>>
        %dma_start3A_123 = tpu.memref_slice %arg2[%multiple_of3A, %mul3A_0] : memref<16384x512xf32, #tpu.memory_space<hbm>> -> memref<64x256xf32, #tpu.memory_space<hbm>>
        tpu.enqueue_dma source(%dma_start3A_123 : memref<64x256xf32, #tpu.memory_space<hbm>>) target(%dma_start3A_122 : memref<64x256xf32, #tpu.memory_space<vmem>>) target_semaphore(%arg9 : memref<!tpu.dma_semaphore, #tpu.memory_space<semaphore_mem>>)
      } else {
      }
      %mul3A_67 = arith.constant 64 : i32
      %mul3A_68 = arith.muli %mul3A_49, %mul3A_67 : i32
      %add3A_69 = arith.addi %mul3A_6, %mul3A_68 : i32
      %min3A = arith.constant 16320 : i32
      %min3A_70 = arith.minsi %add3A_69, %min3A : i32
      %lt3A_71 = arith.cmpi slt, %mul3A_49, %shift_right_arithmetic3A_18 : i32
      %select_n3A = arith.select %lt3A_71, %add3A_69, %while3A_25 : i32
      %add3A_72 = arith.constant 64 : i32
      %add3A_73 = arith.addi %add3A_69, %add3A_72 : i32
      %min3A_74 = arith.minsi %add3A_73, %add3A_7 : i32
      %select_n3A_75 = arith.select %lt3A_71, %min3A_74, %while3A_25 : i32
      %scan3A_76 = arith.constant 0 : i32
      %scan3A_77 = arith.constant 16 : i32
      %scan3A_78 = arith.addi %scan3A_76, %scan3A_77 : i32
      %scan3A_79 = arith.constant 1 : i32
      %scan3A_80 = scf.for %scan3A_109 = %scan3A_76 to %scan3A_78 step %scan3A_79 iter_args(%scan3A_110 = %while3A_25) -> (i32)  : i32 {
        %get3A_111 = arith.index_cast %scan3A_109 : i32 to index
        %get3A_112 = tpu.vector_load %arg5[%get3A_111] {strides = array<i32>} : memref<32xi32, #tpu.memory_space<vmem>>, vector<16xi32>,
        %get3A_113 = vector.shape_cast %get3A_112 : vector<16xi32> to vector<16xi32>
        %slice3A_114 = vector.extract_strided_slice %get3A_113 {offsets = [0], sizes = [1], strides = [1]} : vector<16xi32> to vector<1xi32>
        %squeeze3A_115 = vector.extract %slice3A_114[0] : i32 from vector<1xi32>
        %add3A_116 = arith.addi %scan3A_110, %squeeze3A_115 : i32
        %max3A = arith.maxsi %scan3A_110, %select_n3A : i32
        %sub3A_117 = arith.subi %max3A, %min3A_70 : i32
        %min3A_118 = arith.minsi %add3A_116, %select_n3A_75 : i32
        %sub3A_119 = arith.subi %min3A_118, %min3A_70 : i32
        %while3A_120 = arith.subi %sub3A_119, %sub3A_117 : i32
        %while3A_121 = arith.addi %sub3A_117, %while3A_120 : i32
        %while3A_122 = arith.constant 1 : i32
        %while3A_123 = arith.divsi %while3A_120, %while3A_122 : i32
        %while3A_124 = arith.muli %while3A_123, %while3A_122 : i32
        %while3A_125 = arith.addi %sub3A_117, %while3A_124 : i32
        %while3A_126 = arith.constant 1 : i32
        %while3A_127:16 = scf.for %while3A_134 = %sub3A_117 to %while3A_125 step %while3A_126 iter_args(%while3A_135 = %broadcast_in_dim3A_8, %while3A_136 = %broadcast_in_dim3A_8, %while3A_137 = %broadcast_in_dim3A_8, %while3A_138 = %broadcast_in_dim3A_8, %while3A_139 = %broadcast_in_dim3A_8, %while3A_140 = %broadcast_in_dim3A_8, %while3A_141 = %broadcast_in_dim3A_8, %while3A_142 = %broadcast_in_dim3A_8, %while3A_143 = %broadcast_in_dim3A_8, %while3A_144 = %broadcast_in_dim3A_8, %while3A_145 = %broadcast_in_dim3A_8, %while3A_146 = %broadcast_in_dim3A_8, %while3A_147 = %broadcast_in_dim3A_8, %while3A_148 = %broadcast_in_dim3A_8, %while3A_149 = %broadcast_in_dim3A_8, %while3A_150 = %broadcast_in_dim3A_8) -> (vector<16xf32>, vector<16xf32>, vector<16xf32>, vector<16xf32>, vector<16xf32>, vector<16xf32>, vector<16xf32>, vector<16xf32>, vector<16xf32>, vector<16xf32>, vector<16xf32>, vector<16xf32>, vector<16xf32>, vector<16xf32>, vector<16xf32>, vector<16xf32>)  : i32 {
          %get3A_151 = arith.constant 0 : i32
          %get3A_152 = arith.index_cast %get3A_151 : i32 to index
          %get3A_153 = arith.index_cast %while3A_134 : i32 to index
          %get3A_154 = arith.constant 0 : index
          %get3A_155 = tpu.vector_load %arg6[%get3A_152, %get3A_153, %get3A_154] {strides = array<i32>} : memref<2x64x256xf32, #tpu.memory_space<vmem>>, vector<1x1x16xf32>,
          %get3A_156 = vector.shape_cast %get3A_155 : vector<1x1x16xf32> to vector<16xf32>
          %add3A_157 = arith.addf %while3A_135, %get3A_156 : vector<16xf32>
          %get3A_158 = arith.constant 0 : i32
          %get3A_159 = arith.index_cast %get3A_158 : i32 to index
          %get3A_160 = arith.index_cast %while3A_134 : i32 to index
          %get3A_161 = arith.constant 16 : index
          %get3A_162 = tpu.vector_load %arg6[%get3A_159, %get3A_160, %get3A_161] {strides = array<i32>} : memref<2x64x256xf32, #tpu.memory_space<vmem>>, vector<1x1x16xf32>,
          %get3A_163 = vector.shape_cast %get3A_162 : vector<1x1x16xf32> to vector<16xf32>
          %add3A_164 = arith.addf %while3A_136, %get3A_163 : vector<16xf32>
          %get3A_165 = arith.constant 0 : i32
          %get3A_166 = arith.index_cast %get3A_165 : i32 to index
          %get3A_167 = arith.index_cast %while3A_134 : i32 to index
          %get3A_168 = arith.constant 32 : index
          %get3A_169 = tpu.vector_load %arg6[%get3A_166, %get3A_167, %get3A_168] {strides = array<i32>} : memref<2x64x256xf32, #tpu.memory_space<vmem>>, vector<1x1x16xf32>,
          %get3A_170 = vector.shape_cast %get3A_169 : vector<1x1x16xf32> to vector<16xf32>
          %add3A_171 = arith.addf %while3A_137, %get3A_170 : vector<16xf32>
          %get3A_172 = arith.constant 0 : i32
          %get3A_173 = arith.index_cast %get3A_172 : i32 to index
          %get3A_174 = arith.index_cast %while3A_134 : i32 to index
          %get3A_175 = arith.constant 48 : index
          %get3A_176 = tpu.vector_load %arg6[%get3A_173, %get3A_174, %get3A_175] {strides = array<i32>} : memref<2x64x256xf32, #tpu.memory_space<vmem>>, vector<1x1x16xf32>,
          %get3A_177 = vector.shape_cast %get3A_176 : vector<1x1x16xf32> to vector<16xf32>
          %add3A_178 = arith.addf %while3A_138, %get3A_177 : vector<16xf32>
          %get3A_179 = arith.constant 0 : i32
          %get3A_180 = arith.index_cast %get3A_179 : i32 to index
          %get3A_181 = arith.index_cast %while3A_134 : i32 to index
          %get3A_182 = arith.constant 64 : index
          %get3A_183 = tpu.vector_load %arg6[%get3A_180, %get3A_181, %get3A_182] {strides = array<i32>} : memref<2x64x256xf32, #tpu.memory_space<vmem>>, vector<1x1x16xf32>,
          %get3A_184 = vector.shape_cast %get3A_183 : vector<1x1x16xf32> to vector<16xf32>
          %add3A_185 = arith.addf %while3A_139, %get3A_184 : vector<16xf32>
          %get3A_186 = arith.constant 0 : i32
          %get3A_187 = arith.index_cast %get3A_186 : i32 to index
          %get3A_188 = arith.index_cast %while3A_134 : i32 to index
          %get3A_189 = arith.constant 80 : index
          %get3A_190 = tpu.vector_load %arg6[%get3A_187, %get3A_188, %get3A_189] {strides = array<i32>} : memref<2x64x256xf32, #tpu.memory_space<vmem>>, vector<1x1x16xf32>,
          %get3A_191 = vector.shape_cast %get3A_190 : vector<1x1x16xf32> to vector<16xf32>
          %add3A_192 = arith.addf %while3A_140, %get3A_191 : vector<16xf32>
          %get3A_193 = arith.constant 0 : i32
          %get3A_194 = arith.index_cast %get3A_193 : i32 to index
          %get3A_195 = arith.index_cast %while3A_134 : i32 to index
          %get3A_196 = arith.constant 96 : index
          %get3A_197 = tpu.vector_load %arg6[%get3A_194, %get3A_195, %get3A_196] {strides = array<i32>} : memref<2x64x256xf32, #tpu.memory_space<vmem>>, vector<1x1x16xf32>,
          %get3A_198 = vector.shape_cast %get3A_197 : vector<1x1x16xf32> to vector<16xf32>
          %add3A_199 = arith.addf %while3A_141, %get3A_198 : vector<16xf32>
          %get3A_200 = arith.constant 0 : i32
          %get3A_201 = arith.index_cast %get3A_200 : i32 to index
          %get3A_202 = arith.index_cast %while3A_134 : i32 to index
          %get3A_203 = arith.constant 112 : index
          %get3A_204 = tpu.vector_load %arg6[%get3A_201, %get3A_202, %get3A_203] {strides = array<i32>} : memref<2x64x256xf32, #tpu.memory_space<vmem>>, vector<1x1x16xf32>,
          %get3A_205 = vector.shape_cast %get3A_204 : vector<1x1x16xf32> to vector<16xf32>
          %add3A_206 = arith.addf %while3A_142, %get3A_205 : vector<16xf32>
          %get3A_207 = arith.constant 0 : i32
          %get3A_208 = arith.index_cast %get3A_207 : i32 to index
          %get3A_209 = arith.index_cast %while3A_134 : i32 to index
          %get3A_210 = arith.constant 128 : index
          %get3A_211 = tpu.vector_load %arg6[%get3A_208, %get3A_209, %get3A_210] {strides = array<i32>} : memref<2x64x256xf32, #tpu.memory_space<vmem>>, vector<1x1x16xf32>,
          %get3A_212 = vector.shape_cast %get3A_211 : vector<1x1x16xf32> to vector<16xf32>
          %add3A_213 = arith.addf %while3A_143, %get3A_212 : vector<16xf32>
          %get3A_214 = arith.constant 0 : i32
          %get3A_215 = arith.index_cast %get3A_214 : i32 to index
          %get3A_216 = arith.index_cast %while3A_134 : i32 to index
          %get3A_217 = arith.constant 144 : index
          %get3A_218 = tpu.vector_load %arg6[%get3A_215, %get3A_216, %get3A_217] {strides = array<i32>} : memref<2x64x256xf32, #tpu.memory_space<vmem>>, vector<1x1x16xf32>,
          %get3A_219 = vector.shape_cast %get3A_218 : vector<1x1x16xf32> to vector<16xf32>
          %add3A_220 = arith.addf %while3A_144, %get3A_219 : vector<16xf32>
          %get3A_221 = arith.constant 0 : i32
          %get3A_222 = arith.index_cast %get3A_221 : i32 to index
          %get3A_223 = arith.index_cast %while3A_134 : i32 to index
          %get3A_224 = arith.constant 160 : index
          %get3A_225 = tpu.vector_load %arg6[%get3A_222, %get3A_223, %get3A_224] {strides = array<i32>} : memref<2x64x256xf32, #tpu.memory_space<vmem>>, vector<1x1x16xf32>,
          %get3A_226 = vector.shape_cast %get3A_225 : vector<1x1x16xf32> to vector<16xf32>
          %add3A_227 = arith.addf %while3A_145, %get3A_226 : vector<16xf32>
          %get3A_228 = arith.constant 0 : i32
          %get3A_229 = arith.index_cast %get3A_228 : i32 to index
          %get3A_230 = arith.index_cast %while3A_134 : i32 to index
          %get3A_231 = arith.constant 176 : index
          %get3A_232 = tpu.vector_load %arg6[%get3A_229, %get3A_230, %get3A_231] {strides = array<i32>} : memref<2x64x256xf32, #tpu.memory_space<vmem>>, vector<1x1x16xf32>,
          %get3A_233 = vector.shape_cast %get3A_232 : vector<1x1x16xf32> to vector<16xf32>
          %add3A_234 = arith.addf %while3A_146, %get3A_233 : vector<16xf32>
          %get3A_235 = arith.constant 0 : i32
          %get3A_236 = arith.index_cast %get3A_235 : i32 to index
          %get3A_237 = arith.index_cast %while3A_134 : i32 to index
          %get3A_238 = arith.constant 192 : index
          %get3A_239 = tpu.vector_load %arg6[%get3A_236, %get3A_237, %get3A_238] {strides = array<i32>} : memref<2x64x256xf32, #tpu.memory_space<vmem>>, vector<1x1x16xf32>,
          %get3A_240 = vector.shape_cast %get3A_239 : vector<1x1x16xf32> to vector<16xf32>
          %add3A_241 = arith.addf %while3A_147, %get3A_240 : vector<16xf32>
          %get3A_242 = arith.constant 0 : i32
          %get3A_243 = arith.index_cast %get3A_242 : i32 to index
          %get3A_244 = arith.index_cast %while3A_134 : i32 to index
          %get3A_245 = arith.constant 208 : index
          %get3A_246 = tpu.vector_load %arg6[%get3A_243, %get3A_244, %get3A_245] {strides = array<i32>} : memref<2x64x256xf32, #tpu.memory_space<vmem>>, vector<1x1x16xf32>,
          %get3A_247 = vector.shape_cast %get3A_246 : vector<1x1x16xf32> to vector<16xf32>
          %add3A_248 = arith.addf %while3A_148, %get3A_247 : vector<16xf32>
          %get3A_249 = arith.constant 0 : i32
          %get3A_250 = arith.index_cast %get3A_249 : i32 to index
          %get3A_251 = arith.index_cast %while3A_134 : i32 to index
          %get3A_252 = arith.constant 224 : index
          %get3A_253 = tpu.vector_load %arg6[%get3A_250, %get3A_251, %get3A_252] {strides = array<i32>} : memref<2x64x256xf32, #tpu.memory_space<vmem>>, vector<1x1x16xf32>,
          %get3A_254 = vector.shape_cast %get3A_253 : vector<1x1x16xf32> to vector<16xf32>
          %add3A_255 = arith.addf %while3A_149, %get3A_254 : vector<16xf32>
          %get3A_256 = arith.constant 0 : i32
          %get3A_257 = arith.index_cast %get3A_256 : i32 to index
          %get3A_258 = arith.index_cast %while3A_134 : i32 to index
          %get3A_259 = arith.constant 240 : index
          %get3A_260 = tpu.vector_load %arg6[%get3A_257, %get3A_258, %get3A_259] {strides = array<i32>} : memref<2x64x256xf32, #tpu.memory_space<vmem>>, vector<1x1x16xf32>,
          %get3A_261 = vector.shape_cast %get3A_260 : vector<1x1x16xf32> to vector<16xf32>
          %add3A_262 = arith.addf %while3A_150, %get3A_261 : vector<16xf32>
          scf.yield %add3A_157, %add3A_164, %add3A_171, %add3A_178, %add3A_185, %add3A_192, %add3A_199, %add3A_206, %add3A_213, %add3A_220, %add3A_227, %add3A_234, %add3A_241, %add3A_248, %add3A_255, %add3A_262 : vector<16xf32>, vector<16xf32>, vector<16xf32>, vector<16xf32>, vector<16xf32>, vector<16xf32>, vector<16xf32>, vector<16xf32>, vector<16xf32>, vector<16xf32>, vector<16xf32>, vector<16xf32>, vector<16xf32>, vector<16xf32>, vector<16xf32>, vector<16xf32>
        }
        %while3A_128 = arith.constant 1 : i32
        %while3A_129:16 = scf.for %while3A_134 = %while3A_125 to %while3A_121 step %while3A_128 iter_args(%while3A_135 = %while3A_127#0, %while3A_136 = %while3A_127#1, %while3A_137 = %while3A_127#2, %while3A_138 = %while3A_127#3, %while3A_139 = %while3A_127#4, %while3A_140 = %while3A_127#5, %while3A_141 = %while3A_127#6, %while3A_142 = %while3A_127#7, %while3A_143 = %while3A_127#8, %while3A_144 = %while3A_127#9, %while3A_145 = %while3A_127#10, %while3A_146 = %while3A_127#11, %while3A_147 = %while3A_127#12, %while3A_148 = %while3A_127#13, %while3A_149 = %while3A_127#14, %while3A_150 = %while3A_127#15) -> (vector<16xf32>, vector<16xf32>, vector<16xf32>, vector<16xf32>, vector<16xf32>, vector<16xf32>, vector<16xf32>, vector<16xf32>, vector<16xf32>, vector<16xf32>, vector<16xf32>, vector<16xf32>, vector<16xf32>, vector<16xf32>, vector<16xf32>, vector<16xf32>)  : i32 {
          %get3A_151 = arith.constant 0 : i32
          %get3A_152 = arith.index_cast %get3A_151 : i32 to index
          %get3A_153 = arith.index_cast %while3A_134 : i32 to index
          %get3A_154 = arith.constant 0 : index
          %get3A_155 = tpu.vector_load %arg6[%get3A_152, %get3A_153, %get3A_154] {strides = array<i32>} : memref<2x64x256xf32, #tpu.memory_space<vmem>>, vector<1x1x16xf32>,
          %get3A_156 = vector.shape_cast %get3A_155 : vector<1x1x16xf32> to vector<16xf32>
          %add3A_157 = arith.addf %while3A_135, %get3A_156 : vector<16xf32>
          %get3A_158 = arith.constant 0 : i32
          %get3A_159 = arith.index_cast %get3A_158 : i32 to index
          %get3A_160 = arith.index_cast %while3A_134 : i32 to index
          %get3A_161 = arith.constant 16 : index
          %get3A_162 = tpu.vector_load %arg6[%get3A_159, %get3A_160, %get3A_161] {strides = array<i32>} : memref<2x64x256xf32, #tpu.memory_space<vmem>>, vector<1x1x16xf32>,
          %get3A_163 = vector.shape_cast %get3A_162 : vector<1x1x16xf32> to vector<16xf32>
          %add3A_164 = arith.addf %while3A_136, %get3A_163 : vector<16xf32>
          %get3A_165 = arith.constant 0 : i32
          %get3A_166 = arith.index_cast %get3A_165 : i32 to index
          %get3A_167 = arith.index_cast %while3A_134 : i32 to index
          %get3A_168 = arith.constant 32 : index
          %get3A_169 = tpu.vector_load %arg6[%get3A_166, %get3A_167, %get3A_168] {strides = array<i32>} : memref<2x64x256xf32, #tpu.memory_space<vmem>>, vector<1x1x16xf32>,
          %get3A_170 = vector.shape_cast %get3A_169 : vector<1x1x16xf32> to vector<16xf32>
          %add3A_171 = arith.addf %while3A_137, %get3A_170 : vector<16xf32>
          %get3A_172 = arith.constant 0 : i32
          %get3A_173 = arith.index_cast %get3A_172 : i32 to index
          %get3A_174 = arith.index_cast %while3A_134 : i32 to index
          %get3A_175 = arith.constant 48 : index
          %get3A_176 = tpu.vector_load %arg6[%get3A_173, %get3A_174, %get3A_175] {strides = array<i32>} : memref<2x64x256xf32, #tpu.memory_space<vmem>>, vector<1x1x16xf32>,
          %get3A_177 = vector.shape_cast %get3A_176 : vector<1x1x16xf32> to vector<16xf32>
          %add3A_178 = arith.addf %while3A_138, %get3A_177 : vector<16xf32>
          %get3A_179 = arith.constant 0 : i32
          %get3A_180 = arith.index_cast %get3A_179 : i32 to index
          %get3A_181 = arith.index_cast %while3A_134 : i32 to index
          %get3A_182 = arith.constant 64 : index
          %get3A_183 = tpu.vector_load %arg6[%get3A_180, %get3A_181, %get3A_182] {strides = array<i32>} : memref<2x64x256xf32, #tpu.memory_space<vmem>>, vector<1x1x16xf32>,
          %get3A_184 = vector.shape_cast %get3A_183 : vector<1x1x16xf32> to vector<16xf32>
          %add3A_185 = arith.addf %while3A_139, %get3A_184 : vector<16xf32>
          %get3A_186 = arith.constant 0 : i32
          %get3A_187 = arith.index_cast %get3A_186 : i32 to index
          %get3A_188 = arith.index_cast %while3A_134 : i32 to index
          %get3A_189 = arith.constant 80 : index
          %get3A_190 = tpu.vector_load %arg6[%get3A_187, %get3A_188, %get3A_189] {strides = array<i32>} : memref<2x64x256xf32, #tpu.memory_space<vmem>>, vector<1x1x16xf32>,
          %get3A_191 = vector.shape_cast %get3A_190 : vector<1x1x16xf32> to vector<16xf32>
          %add3A_192 = arith.addf %while3A_140, %get3A_191 : vector<16xf32>
          %get3A_193 = arith.constant 0 : i32
          %get3A_194 = arith.index_cast %get3A_193 : i32 to index
          %get3A_195 = arith.index_cast %while3A_134 : i32 to index
          %get3A_196 = arith.constant 96 : index
          %get3A_197 = tpu.vector_load %arg6[%get3A_194, %get3A_195, %get3A_196] {strides = array<i32>} : memref<2x64x256xf32, #tpu.memory_space<vmem>>, vector<1x1x16xf32>,
          %get3A_198 = vector.shape_cast %get3A_197 : vector<1x1x16xf32> to vector<16xf32>
          %add3A_199 = arith.addf %while3A_141, %get3A_198 : vector<16xf32>
          %get3A_200 = arith.constant 0 : i32
          %get3A_201 = arith.index_cast %get3A_200 : i32 to index
          %get3A_202 = arith.index_cast %while3A_134 : i32 to index
          %get3A_203 = arith.constant 112 : index
          %get3A_204 = tpu.vector_load %arg6[%get3A_201, %get3A_202, %get3A_203] {strides = array<i32>} : memref<2x64x256xf32, #tpu.memory_space<vmem>>, vector<1x1x16xf32>,
          %get3A_205 = vector.shape_cast %get3A_204 : vector<1x1x16xf32> to vector<16xf32>
          %add3A_206 = arith.addf %while3A_142, %get3A_205 : vector<16xf32>
          %get3A_207 = arith.constant 0 : i32
          %get3A_208 = arith.index_cast %get3A_207 : i32 to index
          %get3A_209 = arith.index_cast %while3A_134 : i32 to index
          %get3A_210 = arith.constant 128 : index
          %get3A_211 = tpu.vector_load %arg6[%get3A_208, %get3A_209, %get3A_210] {strides = array<i32>} : memref<2x64x256xf32, #tpu.memory_space<vmem>>, vector<1x1x16xf32>,
          %get3A_212 = vector.shape_cast %get3A_211 : vector<1x1x16xf32> to vector<16xf32>
          %add3A_213 = arith.addf %while3A_143, %get3A_212 : vector<16xf32>
          %get3A_214 = arith.constant 0 : i32
          %get3A_215 = arith.index_cast %get3A_214 : i32 to index
          %get3A_216 = arith.index_cast %while3A_134 : i32 to index
          %get3A_217 = arith.constant 144 : index
          %get3A_218 = tpu.vector_load %arg6[%get3A_215, %get3A_216, %get3A_217] {strides = array<i32>} : memref<2x64x256xf32, #tpu.memory_space<vmem>>, vector<1x1x16xf32>,
          %get3A_219 = vector.shape_cast %get3A_218 : vector<1x1x16xf32> to vector<16xf32>
          %add3A_220 = arith.addf %while3A_144, %get3A_219 : vector<16xf32>
          %get3A_221 = arith.constant 0 : i32
          %get3A_222 = arith.index_cast %get3A_221 : i32 to index
          %get3A_223 = arith.index_cast %while3A_134 : i32 to index
          %get3A_224 = arith.constant 160 : index
          %get3A_225 = tpu.vector_load %arg6[%get3A_222, %get3A_223, %get3A_224] {strides = array<i32>} : memref<2x64x256xf32, #tpu.memory_space<vmem>>, vector<1x1x16xf32>,
          %get3A_226 = vector.shape_cast %get3A_225 : vector<1x1x16xf32> to vector<16xf32>
          %add3A_227 = arith.addf %while3A_145, %get3A_226 : vector<16xf32>
          %get3A_228 = arith.constant 0 : i32
          %get3A_229 = arith.index_cast %get3A_228 : i32 to index
          %get3A_230 = arith.index_cast %while3A_134 : i32 to index
          %get3A_231 = arith.constant 176 : index
          %get3A_232 = tpu.vector_load %arg6[%get3A_229, %get3A_230, %get3A_231] {strides = array<i32>} : memref<2x64x256xf32, #tpu.memory_space<vmem>>, vector<1x1x16xf32>,
          %get3A_233 = vector.shape_cast %get3A_232 : vector<1x1x16xf32> to vector<16xf32>
          %add3A_234 = arith.addf %while3A_146, %get3A_233 : vector<16xf32>
          %get3A_235 = arith.constant 0 : i32
          %get3A_236 = arith.index_cast %get3A_235 : i32 to index
          %get3A_237 = arith.index_cast %while3A_134 : i32 to index
          %get3A_238 = arith.constant 192 : index
          %get3A_239 = tpu.vector_load %arg6[%get3A_236, %get3A_237, %get3A_238] {strides = array<i32>} : memref<2x64x256xf32, #tpu.memory_space<vmem>>, vector<1x1x16xf32>,
          %get3A_240 = vector.shape_cast %get3A_239 : vector<1x1x16xf32> to vector<16xf32>
          %add3A_241 = arith.addf %while3A_147, %get3A_240 : vector<16xf32>
          %get3A_242 = arith.constant 0 : i32
          %get3A_243 = arith.index_cast %get3A_242 : i32 to index
          %get3A_244 = arith.index_cast %while3A_134 : i32 to index
          %get3A_245 = arith.constant 208 : index
          %get3A_246 = tpu.vector_load %arg6[%get3A_243, %get3A_244, %get3A_245] {strides = array<i32>} : memref<2x64x256xf32, #tpu.memory_space<vmem>>, vector<1x1x16xf32>,
          %get3A_247 = vector.shape_cast %get3A_246 : vector<1x1x16xf32> to vector<16xf32>
          %add3A_248 = arith.addf %while3A_148, %get3A_247 : vector<16xf32>
          %get3A_249 = arith.constant 0 : i32
          %get3A_250 = arith.index_cast %get3A_249 : i32 to index
          %get3A_251 = arith.index_cast %while3A_134 : i32 to index
          %get3A_252 = arith.constant 224 : index
          %get3A_253 = tpu.vector_load %arg6[%get3A_250, %get3A_251, %get3A_252] {strides = array<i32>} : memref<2x64x256xf32, #tpu.memory_space<vmem>>, vector<1x1x16xf32>,
          %get3A_254 = vector.shape_cast %get3A_253 : vector<1x1x16xf32> to vector<16xf32>
          %add3A_255 = arith.addf %while3A_149, %get3A_254 : vector<16xf32>
          %get3A_256 = arith.constant 0 : i32
          %get3A_257 = arith.index_cast %get3A_256 : i32 to index
          %get3A_258 = arith.index_cast %while3A_134 : i32 to index
          %get3A_259 = arith.constant 240 : index
          %get3A_260 = tpu.vector_load %arg6[%get3A_257, %get3A_258, %get3A_259] {strides = array<i32>} : memref<2x64x256xf32, #tpu.memory_space<vmem>>, vector<1x1x16xf32>,
          %get3A_261 = vector.shape_cast %get3A_260 : vector<1x1x16xf32> to vector<16xf32>
          %add3A_262 = arith.addf %while3A_150, %get3A_261 : vector<16xf32>
          scf.yield %add3A_157, %add3A_164, %add3A_171, %add3A_178, %add3A_185, %add3A_192, %add3A_199, %add3A_206, %add3A_213, %add3A_220, %add3A_227, %add3A_234, %add3A_241, %add3A_248, %add3A_255, %add3A_262 : vector<16xf32>, vector<16xf32>, vector<16xf32>, vector<16xf32>, vector<16xf32>, vector<16xf32>, vector<16xf32>, vector<16xf32>, vector<16xf32>, vector<16xf32>, vector<16xf32>, vector<16xf32>, vector<16xf32>, vector<16xf32>, vector<16xf32>, vector<16xf32>
        }
        %gt3A_130 = arith.cmpi sgt, %sub3A_119, %sub3A_117 : i32
        %convert_element_type3A_131 = arith.extui %gt3A_130 : i1 to i32
        %cond3A_132 = arith.constant 0 : i32
        %cond3A_133 = arith.cmpi ne, %convert_element_type3A_131, %cond3A_132 : i32
        scf.if %cond3A_133 {
          %swap3A = arith.index_cast %scan3A_109 : i32 to index
          %swap3A_134 = arith.constant 0 : index
          %swap3A_135 = tpu.vector_load %arg7[%swap3A, %swap3A_134] {strides = array<i32>} : memref<16x256xf32, #tpu.memory_space<vmem>>, vector<1x16xf32>,
          %swap3A_136 = vector.shape_cast %swap3A_135 : vector<1x16xf32> to vector<16xf32>
          %swap3A_137 = vector.shape_cast %while3A_129#0 : vector<16xf32> to vector<1x16xf32>
          tpu.vector_store %arg7[%swap3A, %swap3A_134], %swap3A_137 {add = true, strides = array<i32>} : memref<16x256xf32, #tpu.memory_space<vmem>>, vector<1x16xf32>,
          %swap3A_138 = arith.index_cast %scan3A_109 : i32 to index
          %swap3A_139 = arith.constant 16 : index
          %swap3A_140 = tpu.vector_load %arg7[%swap3A_138, %swap3A_139] {strides = array<i32>} : memref<16x256xf32, #tpu.memory_space<vmem>>, vector<1x16xf32>,
          %swap3A_141 = vector.shape_cast %swap3A_140 : vector<1x16xf32> to vector<16xf32>
          %swap3A_142 = vector.shape_cast %while3A_129#1 : vector<16xf32> to vector<1x16xf32>
          tpu.vector_store %arg7[%swap3A_138, %swap3A_139], %swap3A_142 {add = true, strides = array<i32>} : memref<16x256xf32, #tpu.memory_space<vmem>>, vector<1x16xf32>,
          %swap3A_143 = arith.index_cast %scan3A_109 : i32 to index
          %swap3A_144 = arith.constant 32 : index
          %swap3A_145 = tpu.vector_load %arg7[%swap3A_143, %swap3A_144] {strides = array<i32>} : memref<16x256xf32, #tpu.memory_space<vmem>>, vector<1x16xf32>,
          %swap3A_146 = vector.shape_cast %swap3A_145 : vector<1x16xf32> to vector<16xf32>
          %swap3A_147 = vector.shape_cast %while3A_129#2 : vector<16xf32> to vector<1x16xf32>
          tpu.vector_store %arg7[%swap3A_143, %swap3A_144], %swap3A_147 {add = true, strides = array<i32>} : memref<16x256xf32, #tpu.memory_space<vmem>>, vector<1x16xf32>,
          %swap3A_148 = arith.index_cast %scan3A_109 : i32 to index
          %swap3A_149 = arith.constant 48 : index
          %swap3A_150 = tpu.vector_load %arg7[%swap3A_148, %swap3A_149] {strides = array<i32>} : memref<16x256xf32, #tpu.memory_space<vmem>>, vector<1x16xf32>,
          %swap3A_151 = vector.shape_cast %swap3A_150 : vector<1x16xf32> to vector<16xf32>
          %swap3A_152 = vector.shape_cast %while3A_129#3 : vector<16xf32> to vector<1x16xf32>
          tpu.vector_store %arg7[%swap3A_148, %swap3A_149], %swap3A_152 {add = true, strides = array<i32>} : memref<16x256xf32, #tpu.memory_space<vmem>>, vector<1x16xf32>,
          %swap3A_153 = arith.index_cast %scan3A_109 : i32 to index
          %swap3A_154 = arith.constant 64 : index
          %swap3A_155 = tpu.vector_load %arg7[%swap3A_153, %swap3A_154] {strides = array<i32>} : memref<16x256xf32, #tpu.memory_space<vmem>>, vector<1x16xf32>,
          %swap3A_156 = vector.shape_cast %swap3A_155 : vector<1x16xf32> to vector<16xf32>
          %swap3A_157 = vector.shape_cast %while3A_129#4 : vector<16xf32> to vector<1x16xf32>
          tpu.vector_store %arg7[%swap3A_153, %swap3A_154], %swap3A_157 {add = true, strides = array<i32>} : memref<16x256xf32, #tpu.memory_space<vmem>>, vector<1x16xf32>,
          %swap3A_158 = arith.index_cast %scan3A_109 : i32 to index
          %swap3A_159 = arith.constant 80 : index
          %swap3A_160 = tpu.vector_load %arg7[%swap3A_158, %swap3A_159] {strides = array<i32>} : memref<16x256xf32, #tpu.memory_space<vmem>>, vector<1x16xf32>,
          %swap3A_161 = vector.shape_cast %swap3A_160 : vector<1x16xf32> to vector<16xf32>
          %swap3A_162 = vector.shape_cast %while3A_129#5 : vector<16xf32> to vector<1x16xf32>
          tpu.vector_store %arg7[%swap3A_158, %swap3A_159], %swap3A_162 {add = true, strides = array<i32>} : memref<16x256xf32, #tpu.memory_space<vmem>>, vector<1x16xf32>,
          %swap3A_163 = arith.index_cast %scan3A_109 : i32 to index
          %swap3A_164 = arith.constant 96 : index
          %swap3A_165 = tpu.vector_load %arg7[%swap3A_163, %swap3A_164] {strides = array<i32>} : memref<16x256xf32, #tpu.memory_space<vmem>>, vector<1x16xf32>,
          %swap3A_166 = vector.shape_cast %swap3A_165 : vector<1x16xf32> to vector<16xf32>
          %swap3A_167 = vector.shape_cast %while3A_129#6 : vector<16xf32> to vector<1x16xf32>
          tpu.vector_store %arg7[%swap3A_163, %swap3A_164], %swap3A_167 {add = true, strides = array<i32>} : memref<16x256xf32, #tpu.memory_space<vmem>>, vector<1x16xf32>,
          %swap3A_168 = arith.index_cast %scan3A_109 : i32 to index
          %swap3A_169 = arith.constant 112 : index
          %swap3A_170 = tpu.vector_load %arg7[%swap3A_168, %swap3A_169] {strides = array<i32>} : memref<16x256xf32, #tpu.memory_space<vmem>>, vector<1x16xf32>,
          %swap3A_171 = vector.shape_cast %swap3A_170 : vector<1x16xf32> to vector<16xf32>
          %swap3A_172 = vector.shape_cast %while3A_129#7 : vector<16xf32> to vector<1x16xf32>
          tpu.vector_store %arg7[%swap3A_168, %swap3A_169], %swap3A_172 {add = true, strides = array<i32>} : memref<16x256xf32, #tpu.memory_space<vmem>>, vector<1x16xf32>,
          %swap3A_173 = arith.index_cast %scan3A_109 : i32 to index
          %swap3A_174 = arith.constant 128 : index
          %swap3A_175 = tpu.vector_load %arg7[%swap3A_173, %swap3A_174] {strides = array<i32>} : memref<16x256xf32, #tpu.memory_space<vmem>>, vector<1x16xf32>,
          %swap3A_176 = vector.shape_cast %swap3A_175 : vector<1x16xf32> to vector<16xf32>
          %swap3A_177 = vector.shape_cast %while3A_129#8 : vector<16xf32> to vector<1x16xf32>
          tpu.vector_store %arg7[%swap3A_173, %swap3A_174], %swap3A_177 {add = true, strides = array<i32>} : memref<16x256xf32, #tpu.memory_space<vmem>>, vector<1x16xf32>,
          %swap3A_178 = arith.index_cast %scan3A_109 : i32 to index
          %swap3A_179 = arith.constant 144 : index
          %swap3A_180 = tpu.vector_load %arg7[%swap3A_178, %swap3A_179] {strides = array<i32>} : memref<16x256xf32, #tpu.memory_space<vmem>>, vector<1x16xf32>,
          %swap3A_181 = vector.shape_cast %swap3A_180 : vector<1x16xf32> to vector<16xf32>
          %swap3A_182 = vector.shape_cast %while3A_129#9 : vector<16xf32> to vector<1x16xf32>
          tpu.vector_store %arg7[%swap3A_178, %swap3A_179], %swap3A_182 {add = true, strides = array<i32>} : memref<16x256xf32, #tpu.memory_space<vmem>>, vector<1x16xf32>,
          %swap3A_183 = arith.index_cast %scan3A_109 : i32 to index
          %swap3A_184 = arith.constant 160 : index
          %swap3A_185 = tpu.vector_load %arg7[%swap3A_183, %swap3A_184] {strides = array<i32>} : memref<16x256xf32, #tpu.memory_space<vmem>>, vector<1x16xf32>,
          %swap3A_186 = vector.shape_cast %swap3A_185 : vector<1x16xf32> to vector<16xf32>
          %swap3A_187 = vector.shape_cast %while3A_129#10 : vector<16xf32> to vector<1x16xf32>
          tpu.vector_store %arg7[%swap3A_183, %swap3A_184], %swap3A_187 {add = true, strides = array<i32>} : memref<16x256xf32, #tpu.memory_space<vmem>>, vector<1x16xf32>,
          %swap3A_188 = arith.index_cast %scan3A_109 : i32 to index
          %swap3A_189 = arith.constant 176 : index
          %swap3A_190 = tpu.vector_load %arg7[%swap3A_188, %swap3A_189] {strides = array<i32>} : memref<16x256xf32, #tpu.memory_space<vmem>>, vector<1x16xf32>,
          %swap3A_191 = vector.shape_cast %swap3A_190 : vector<1x16xf32> to vector<16xf32>
          %swap3A_192 = vector.shape_cast %while3A_129#11 : vector<16xf32> to vector<1x16xf32>
          tpu.vector_store %arg7[%swap3A_188, %swap3A_189], %swap3A_192 {add = true, strides = array<i32>} : memref<16x256xf32, #tpu.memory_space<vmem>>, vector<1x16xf32>,
          %swap3A_193 = arith.index_cast %scan3A_109 : i32 to index
          %swap3A_194 = arith.constant 192 : index
          %swap3A_195 = tpu.vector_load %arg7[%swap3A_193, %swap3A_194] {strides = array<i32>} : memref<16x256xf32, #tpu.memory_space<vmem>>, vector<1x16xf32>,
          %swap3A_196 = vector.shape_cast %swap3A_195 : vector<1x16xf32> to vector<16xf32>
          %swap3A_197 = vector.shape_cast %while3A_129#12 : vector<16xf32> to vector<1x16xf32>
          tpu.vector_store %arg7[%swap3A_193, %swap3A_194], %swap3A_197 {add = true, strides = array<i32>} : memref<16x256xf32, #tpu.memory_space<vmem>>, vector<1x16xf32>,
          %swap3A_198 = arith.index_cast %scan3A_109 : i32 to index
          %swap3A_199 = arith.constant 208 : index
          %swap3A_200 = tpu.vector_load %arg7[%swap3A_198, %swap3A_199] {strides = array<i32>} : memref<16x256xf32, #tpu.memory_space<vmem>>, vector<1x16xf32>,
          %swap3A_201 = vector.shape_cast %swap3A_200 : vector<1x16xf32> to vector<16xf32>
          %swap3A_202 = vector.shape_cast %while3A_129#13 : vector<16xf32> to vector<1x16xf32>
          tpu.vector_store %arg7[%swap3A_198, %swap3A_199], %swap3A_202 {add = true, strides = array<i32>} : memref<16x256xf32, #tpu.memory_space<vmem>>, vector<1x16xf32>,
          %swap3A_203 = arith.index_cast %scan3A_109 : i32 to index
          %swap3A_204 = arith.constant 224 : index
          %swap3A_205 = tpu.vector_load %arg7[%swap3A_203, %swap3A_204] {strides = array<i32>} : memref<16x256xf32, #tpu.memory_space<vmem>>, vector<1x16xf32>,
          %swap3A_206 = vector.shape_cast %swap3A_205 : vector<1x16xf32> to vector<16xf32>
          %swap3A_207 = vector.shape_cast %while3A_129#14 : vector<16xf32> to vector<1x16xf32>
          tpu.vector_store %arg7[%swap3A_203, %swap3A_204], %swap3A_207 {add = true, strides = array<i32>} : memref<16x256xf32, #tpu.memory_space<vmem>>, vector<1x16xf32>,
          %swap3A_208 = arith.index_cast %scan3A_109 : i32 to index
          %swap3A_209 = arith.constant 240 : index
          %swap3A_210 = tpu.vector_load %arg7[%swap3A_208, %swap3A_209] {strides = array<i32>} : memref<16x256xf32, #tpu.memory_space<vmem>>, vector<1x16xf32>,
          %swap3A_211 = vector.shape_cast %swap3A_210 : vector<1x16xf32> to vector<16xf32>
          %swap3A_212 = vector.shape_cast %while3A_129#15 : vector<16xf32> to vector<1x16xf32>
          tpu.vector_store %arg7[%swap3A_208, %swap3A_209], %swap3A_212 {add = true, strides = array<i32>} : memref<16x256xf32, #tpu.memory_space<vmem>>, vector<1x16xf32>,
        } else {
        }
        scf.yield %add3A_116 : i32
      }
      %scan3A_81 = arith.constant 16 : i32
      %lt3A_82 = arith.cmpi slt, %add3A_51, %shift_right_arithmetic3A_18 : i32
      %convert_element_type3A_83 = arith.extui %lt3A_82 : i1 to i32
      %cond3A_84 = arith.constant 0 : i32
      %cond3A_85 = arith.cmpi ne, %convert_element_type3A_83, %cond3A_84 : i32
      scf.if %cond3A_85 {
        %dma_wait3A_109 = arith.constant 1 : i32
        %dma_wait3A_110 = arith.constant 0 : i32
        %dma_wait3A_111 = arith.constant 0 : i32
        %dma_wait3A_112 = tpu.memref_slice %arg6[%dma_wait3A_109, %dma_wait3A_110, %dma_wait3A_111] : memref<2x64x256xf32, #tpu.memory_space<vmem>> -> memref<1x64x256xf32, #tpu.memory_space<vmem>>
        %dma_wait3A_113 = tpu.memref_squeeze %dma_wait3A_112 : memref<1x64x256xf32, #tpu.memory_space<vmem>> -> memref<64x256xf32, #tpu.memory_space<vmem>>
        %dma_wait3A_114 = arith.constant 0 : i32
        %dma_wait3A_115 = tpu.memref_slice %arg2[%dma_wait3A_114, %mul3A_0] : memref<16384x512xf32, #tpu.memory_space<hbm>> -> memref<64x256xf32, #tpu.memory_space<hbm>>
        %dma_wait3A_116 = arith.constant 0 : i32
        %dma_wait3A_117 = arith.constant 0 : i32
        %dma_wait3A_118 = tpu.memref_slice %arg6[%dma_wait3A_109, %dma_wait3A_116, %dma_wait3A_117] : memref<2x64x256xf32, #tpu.memory_space<vmem>> -> memref<1x64x256xf32, #tpu.memory_space<vmem>>
        %dma_wait3A_119 = tpu.memref_squeeze %dma_wait3A_118 : memref<1x64x256xf32, #tpu.memory_space<vmem>> -> memref<64x256xf32, #tpu.memory_space<vmem>>
        %dma_wait3A_120 = arith.constant 0 : i32
        %dma_wait3A_121 = tpu.memref_slice %arg2[%dma_wait3A_120, %mul3A_0] : memref<16384x512xf32, #tpu.memory_space<hbm>> -> memref<64x256xf32, #tpu.memory_space<hbm>>
        tpu.wait_dma2 semaphore(%arg9 : memref<!tpu.dma_semaphore, #tpu.memory_space<semaphore_mem>>) src(%dma_wait3A_121 : memref<64x256xf32, #tpu.memory_space<hbm>>) dst(%dma_wait3A_119 : memref<64x256xf32, #tpu.memory_space<vmem>>)
      } else {
      }
      %add3A_86 = arith.constant 1 : i32
      %add3A_87 = arith.addi %add3A_51, %add3A_86 : i32
      %lt3A_88 = arith.cmpi slt, %add3A_87, %shift_right_arithmetic3A_18 : i32
      %convert_element_type3A_89 = arith.extui %lt3A_88 : i1 to i32
      %cond3A_90 = arith.constant 0 : i32
      %cond3A_91 = arith.cmpi ne, %convert_element_type3A_89, %cond3A_90 : i32
      scf.if %cond3A_91 {
        %add3A_109 = arith.constant 1 : i32
        %add3A_110 = arith.addi %add3A_51, %add3A_109 : i32
        %mul3A_111 = arith.constant 64 : i32
        %mul3A_112 = arith.muli %add3A_110, %mul3A_111 : i32
        %add3A_113 = arith.addi %mul3A_6, %mul3A_112 : i32
        %min3A_114 = arith.constant 16320 : i32
        %min3A_115 = arith.minsi %add3A_113, %min3A_114 : i32
        %multiple_of3A = tpu.assume_multiple %min3A_115, 8 : i32
        %dma_start3A = arith.constant 0 : i32
        %dma_start3A_116 = arith.constant 0 : i32
        %dma_start3A_117 = arith.constant 0 : i32
        %dma_start3A_118 = tpu.memref_slice %arg6[%dma_start3A, %dma_start3A_116, %dma_start3A_117] : memref<2x64x256xf32, #tpu.memory_space<vmem>> -> memref<1x64x256xf32, #tpu.memory_space<vmem>>
        %dma_start3A_119 = tpu.memref_squeeze %dma_start3A_118 : memref<1x64x256xf32, #tpu.memory_space<vmem>> -> memref<64x256xf32, #tpu.memory_space<vmem>>
        %dma_start3A_120 = tpu.memref_slice %arg2[%multiple_of3A, %mul3A_0] : memref<16384x512xf32, #tpu.memory_space<hbm>> -> memref<64x256xf32, #tpu.memory_space<hbm>>
        %dma_start3A_121 = arith.constant 0 : i32
        %dma_start3A_122 = arith.constant 0 : i32
        %dma_start3A_123 = tpu.memref_slice %arg6[%dma_start3A, %dma_start3A_121, %dma_start3A_122] : memref<2x64x256xf32, #tpu.memory_space<vmem>> -> memref<1x64x256xf32, #tpu.memory_space<vmem>>
        %dma_start3A_124 = tpu.memref_squeeze %dma_start3A_123 : memref<1x64x256xf32, #tpu.memory_space<vmem>> -> memref<64x256xf32, #tpu.memory_space<vmem>>
        %dma_start3A_125 = tpu.memref_slice %arg2[%multiple_of3A, %mul3A_0] : memref<16384x512xf32, #tpu.memory_space<hbm>> -> memref<64x256xf32, #tpu.memory_space<hbm>>
        tpu.enqueue_dma source(%dma_start3A_125 : memref<64x256xf32, #tpu.memory_space<hbm>>) target(%dma_start3A_124 : memref<64x256xf32, #tpu.memory_space<vmem>>) target_semaphore(%arg8 : memref<!tpu.dma_semaphore, #tpu.memory_space<semaphore_mem>>)
      } else {
      }
      %mul3A_92 = arith.constant 64 : i32
      %mul3A_93 = arith.muli %add3A_51, %mul3A_92 : i32
      %add3A_94 = arith.addi %mul3A_6, %mul3A_93 : i32
      %min3A_95 = arith.constant 16320 : i32
      %min3A_96 = arith.minsi %add3A_94, %min3A_95 : i32
      %lt3A_97 = arith.cmpi slt, %add3A_51, %shift_right_arithmetic3A_18 : i32
      %select_n3A_98 = arith.select %lt3A_97, %add3A_94, %while3A_25 : i32
      %add3A_99 = arith.constant 64 : i32
      %add3A_100 = arith.addi %add3A_94, %add3A_99 : i32
      %min3A_101 = arith.minsi %add3A_100, %add3A_7 : i32
      %select_n3A_102 = arith.select %lt3A_97, %min3A_101, %while3A_25 : i32
      %scan3A_103 = arith.constant 0 : i32
      %scan3A_104 = arith.constant 16 : i32
      %scan3A_105 = arith.addi %scan3A_103, %scan3A_104 : i32
      %scan3A_106 = arith.constant 1 : i32
      %scan3A_107 = scf.for %scan3A_109 = %scan3A_103 to %scan3A_105 step %scan3A_106 iter_args(%scan3A_110 = %while3A_25) -> (i32)  : i32 {
        %get3A_111 = arith.index_cast %scan3A_109 : i32 to index
        %get3A_112 = tpu.vector_load %arg5[%get3A_111] {strides = array<i32>} : memref<32xi32, #tpu.memory_space<vmem>>, vector<16xi32>,
        %get3A_113 = vector.shape_cast %get3A_112 : vector<16xi32> to vector<16xi32>
        %slice3A_114 = vector.extract_strided_slice %get3A_113 {offsets = [0], sizes = [1], strides = [1]} : vector<16xi32> to vector<1xi32>
        %squeeze3A_115 = vector.extract %slice3A_114[0] : i32 from vector<1xi32>
        %add3A_116 = arith.addi %scan3A_110, %squeeze3A_115 : i32
        %max3A = arith.maxsi %scan3A_110, %select_n3A_98 : i32
        %sub3A_117 = arith.subi %max3A, %min3A_96 : i32
        %min3A_118 = arith.minsi %add3A_116, %select_n3A_102 : i32
        %sub3A_119 = arith.subi %min3A_118, %min3A_96 : i32
        %while3A_120 = arith.subi %sub3A_119, %sub3A_117 : i32
        %while3A_121 = arith.addi %sub3A_117, %while3A_120 : i32
        %while3A_122 = arith.constant 1 : i32
        %while3A_123 = arith.divsi %while3A_120, %while3A_122 : i32
        %while3A_124 = arith.muli %while3A_123, %while3A_122 : i32
        %while3A_125 = arith.addi %sub3A_117, %while3A_124 : i32
        %while3A_126 = arith.constant 1 : i32
        %while3A_127:16 = scf.for %while3A_134 = %sub3A_117 to %while3A_125 step %while3A_126 iter_args(%while3A_135 = %broadcast_in_dim3A_8, %while3A_136 = %broadcast_in_dim3A_8, %while3A_137 = %broadcast_in_dim3A_8, %while3A_138 = %broadcast_in_dim3A_8, %while3A_139 = %broadcast_in_dim3A_8, %while3A_140 = %broadcast_in_dim3A_8, %while3A_141 = %broadcast_in_dim3A_8, %while3A_142 = %broadcast_in_dim3A_8, %while3A_143 = %broadcast_in_dim3A_8, %while3A_144 = %broadcast_in_dim3A_8, %while3A_145 = %broadcast_in_dim3A_8, %while3A_146 = %broadcast_in_dim3A_8, %while3A_147 = %broadcast_in_dim3A_8, %while3A_148 = %broadcast_in_dim3A_8, %while3A_149 = %broadcast_in_dim3A_8, %while3A_150 = %broadcast_in_dim3A_8) -> (vector<16xf32>, vector<16xf32>, vector<16xf32>, vector<16xf32>, vector<16xf32>, vector<16xf32>, vector<16xf32>, vector<16xf32>, vector<16xf32>, vector<16xf32>, vector<16xf32>, vector<16xf32>, vector<16xf32>, vector<16xf32>, vector<16xf32>, vector<16xf32>)  : i32 {
          %get3A_151 = arith.constant 1 : i32
          %get3A_152 = arith.index_cast %get3A_151 : i32 to index
          %get3A_153 = arith.index_cast %while3A_134 : i32 to index
          %get3A_154 = arith.constant 0 : index
          %get3A_155 = tpu.vector_load %arg6[%get3A_152, %get3A_153, %get3A_154] {strides = array<i32>} : memref<2x64x256xf32, #tpu.memory_space<vmem>>, vector<1x1x16xf32>,
          %get3A_156 = vector.shape_cast %get3A_155 : vector<1x1x16xf32> to vector<16xf32>
          %add3A_157 = arith.addf %while3A_135, %get3A_156 : vector<16xf32>
          %get3A_158 = arith.constant 1 : i32
          %get3A_159 = arith.index_cast %get3A_158 : i32 to index
          %get3A_160 = arith.index_cast %while3A_134 : i32 to index
          %get3A_161 = arith.constant 16 : index
          %get3A_162 = tpu.vector_load %arg6[%get3A_159, %get3A_160, %get3A_161] {strides = array<i32>} : memref<2x64x256xf32, #tpu.memory_space<vmem>>, vector<1x1x16xf32>,
          %get3A_163 = vector.shape_cast %get3A_162 : vector<1x1x16xf32> to vector<16xf32>
          %add3A_164 = arith.addf %while3A_136, %get3A_163 : vector<16xf32>
          %get3A_165 = arith.constant 1 : i32
          %get3A_166 = arith.index_cast %get3A_165 : i32 to index
          %get3A_167 = arith.index_cast %while3A_134 : i32 to index
          %get3A_168 = arith.constant 32 : index
          %get3A_169 = tpu.vector_load %arg6[%get3A_166, %get3A_167, %get3A_168] {strides = array<i32>} : memref<2x64x256xf32, #tpu.memory_space<vmem>>, vector<1x1x16xf32>,
          %get3A_170 = vector.shape_cast %get3A_169 : vector<1x1x16xf32> to vector<16xf32>
          %add3A_171 = arith.addf %while3A_137, %get3A_170 : vector<16xf32>
          %get3A_172 = arith.constant 1 : i32
          %get3A_173 = arith.index_cast %get3A_172 : i32 to index
          %get3A_174 = arith.index_cast %while3A_134 : i32 to index
          %get3A_175 = arith.constant 48 : index
          %get3A_176 = tpu.vector_load %arg6[%get3A_173, %get3A_174, %get3A_175] {strides = array<i32>} : memref<2x64x256xf32, #tpu.memory_space<vmem>>, vector<1x1x16xf32>,
          %get3A_177 = vector.shape_cast %get3A_176 : vector<1x1x16xf32> to vector<16xf32>
          %add3A_178 = arith.addf %while3A_138, %get3A_177 : vector<16xf32>
          %get3A_179 = arith.constant 1 : i32
          %get3A_180 = arith.index_cast %get3A_179 : i32 to index
          %get3A_181 = arith.index_cast %while3A_134 : i32 to index
          %get3A_182 = arith.constant 64 : index
          %get3A_183 = tpu.vector_load %arg6[%get3A_180, %get3A_181, %get3A_182] {strides = array<i32>} : memref<2x64x256xf32, #tpu.memory_space<vmem>>, vector<1x1x16xf32>,
          %get3A_184 = vector.shape_cast %get3A_183 : vector<1x1x16xf32> to vector<16xf32>
          %add3A_185 = arith.addf %while3A_139, %get3A_184 : vector<16xf32>
          %get3A_186 = arith.constant 1 : i32
          %get3A_187 = arith.index_cast %get3A_186 : i32 to index
          %get3A_188 = arith.index_cast %while3A_134 : i32 to index
          %get3A_189 = arith.constant 80 : index
          %get3A_190 = tpu.vector_load %arg6[%get3A_187, %get3A_188, %get3A_189] {strides = array<i32>} : memref<2x64x256xf32, #tpu.memory_space<vmem>>, vector<1x1x16xf32>,
          %get3A_191 = vector.shape_cast %get3A_190 : vector<1x1x16xf32> to vector<16xf32>
          %add3A_192 = arith.addf %while3A_140, %get3A_191 : vector<16xf32>
          %get3A_193 = arith.constant 1 : i32
          %get3A_194 = arith.index_cast %get3A_193 : i32 to index
          %get3A_195 = arith.index_cast %while3A_134 : i32 to index
          %get3A_196 = arith.constant 96 : index
          %get3A_197 = tpu.vector_load %arg6[%get3A_194, %get3A_195, %get3A_196] {strides = array<i32>} : memref<2x64x256xf32, #tpu.memory_space<vmem>>, vector<1x1x16xf32>,
          %get3A_198 = vector.shape_cast %get3A_197 : vector<1x1x16xf32> to vector<16xf32>
          %add3A_199 = arith.addf %while3A_141, %get3A_198 : vector<16xf32>
          %get3A_200 = arith.constant 1 : i32
          %get3A_201 = arith.index_cast %get3A_200 : i32 to index
          %get3A_202 = arith.index_cast %while3A_134 : i32 to index
          %get3A_203 = arith.constant 112 : index
          %get3A_204 = tpu.vector_load %arg6[%get3A_201, %get3A_202, %get3A_203] {strides = array<i32>} : memref<2x64x256xf32, #tpu.memory_space<vmem>>, vector<1x1x16xf32>,
          %get3A_205 = vector.shape_cast %get3A_204 : vector<1x1x16xf32> to vector<16xf32>
          %add3A_206 = arith.addf %while3A_142, %get3A_205 : vector<16xf32>
          %get3A_207 = arith.constant 1 : i32
          %get3A_208 = arith.index_cast %get3A_207 : i32 to index
          %get3A_209 = arith.index_cast %while3A_134 : i32 to index
          %get3A_210 = arith.constant 128 : index
          %get3A_211 = tpu.vector_load %arg6[%get3A_208, %get3A_209, %get3A_210] {strides = array<i32>} : memref<2x64x256xf32, #tpu.memory_space<vmem>>, vector<1x1x16xf32>,
          %get3A_212 = vector.shape_cast %get3A_211 : vector<1x1x16xf32> to vector<16xf32>
          %add3A_213 = arith.addf %while3A_143, %get3A_212 : vector<16xf32>
          %get3A_214 = arith.constant 1 : i32
          %get3A_215 = arith.index_cast %get3A_214 : i32 to index
          %get3A_216 = arith.index_cast %while3A_134 : i32 to index
          %get3A_217 = arith.constant 144 : index
          %get3A_218 = tpu.vector_load %arg6[%get3A_215, %get3A_216, %get3A_217] {strides = array<i32>} : memref<2x64x256xf32, #tpu.memory_space<vmem>>, vector<1x1x16xf32>,
          %get3A_219 = vector.shape_cast %get3A_218 : vector<1x1x16xf32> to vector<16xf32>
          %add3A_220 = arith.addf %while3A_144, %get3A_219 : vector<16xf32>
          %get3A_221 = arith.constant 1 : i32
          %get3A_222 = arith.index_cast %get3A_221 : i32 to index
          %get3A_223 = arith.index_cast %while3A_134 : i32 to index
          %get3A_224 = arith.constant 160 : index
          %get3A_225 = tpu.vector_load %arg6[%get3A_222, %get3A_223, %get3A_224] {strides = array<i32>} : memref<2x64x256xf32, #tpu.memory_space<vmem>>, vector<1x1x16xf32>,
          %get3A_226 = vector.shape_cast %get3A_225 : vector<1x1x16xf32> to vector<16xf32>
          %add3A_227 = arith.addf %while3A_145, %get3A_226 : vector<16xf32>
          %get3A_228 = arith.constant 1 : i32
          %get3A_229 = arith.index_cast %get3A_228 : i32 to index
          %get3A_230 = arith.index_cast %while3A_134 : i32 to index
          %get3A_231 = arith.constant 176 : index
          %get3A_232 = tpu.vector_load %arg6[%get3A_229, %get3A_230, %get3A_231] {strides = array<i32>} : memref<2x64x256xf32, #tpu.memory_space<vmem>>, vector<1x1x16xf32>,
          %get3A_233 = vector.shape_cast %get3A_232 : vector<1x1x16xf32> to vector<16xf32>
          %add3A_234 = arith.addf %while3A_146, %get3A_233 : vector<16xf32>
          %get3A_235 = arith.constant 1 : i32
          %get3A_236 = arith.index_cast %get3A_235 : i32 to index
          %get3A_237 = arith.index_cast %while3A_134 : i32 to index
          %get3A_238 = arith.constant 192 : index
          %get3A_239 = tpu.vector_load %arg6[%get3A_236, %get3A_237, %get3A_238] {strides = array<i32>} : memref<2x64x256xf32, #tpu.memory_space<vmem>>, vector<1x1x16xf32>,
          %get3A_240 = vector.shape_cast %get3A_239 : vector<1x1x16xf32> to vector<16xf32>
          %add3A_241 = arith.addf %while3A_147, %get3A_240 : vector<16xf32>
          %get3A_242 = arith.constant 1 : i32
          %get3A_243 = arith.index_cast %get3A_242 : i32 to index
          %get3A_244 = arith.index_cast %while3A_134 : i32 to index
          %get3A_245 = arith.constant 208 : index
          %get3A_246 = tpu.vector_load %arg6[%get3A_243, %get3A_244, %get3A_245] {strides = array<i32>} : memref<2x64x256xf32, #tpu.memory_space<vmem>>, vector<1x1x16xf32>,
          %get3A_247 = vector.shape_cast %get3A_246 : vector<1x1x16xf32> to vector<16xf32>
          %add3A_248 = arith.addf %while3A_148, %get3A_247 : vector<16xf32>
          %get3A_249 = arith.constant 1 : i32
          %get3A_250 = arith.index_cast %get3A_249 : i32 to index
          %get3A_251 = arith.index_cast %while3A_134 : i32 to index
          %get3A_252 = arith.constant 224 : index
          %get3A_253 = tpu.vector_load %arg6[%get3A_250, %get3A_251, %get3A_252] {strides = array<i32>} : memref<2x64x256xf32, #tpu.memory_space<vmem>>, vector<1x1x16xf32>,
          %get3A_254 = vector.shape_cast %get3A_253 : vector<1x1x16xf32> to vector<16xf32>
          %add3A_255 = arith.addf %while3A_149, %get3A_254 : vector<16xf32>
          %get3A_256 = arith.constant 1 : i32
          %get3A_257 = arith.index_cast %get3A_256 : i32 to index
          %get3A_258 = arith.index_cast %while3A_134 : i32 to index
          %get3A_259 = arith.constant 240 : index
          %get3A_260 = tpu.vector_load %arg6[%get3A_257, %get3A_258, %get3A_259] {strides = array<i32>} : memref<2x64x256xf32, #tpu.memory_space<vmem>>, vector<1x1x16xf32>,
          %get3A_261 = vector.shape_cast %get3A_260 : vector<1x1x16xf32> to vector<16xf32>
          %add3A_262 = arith.addf %while3A_150, %get3A_261 : vector<16xf32>
          scf.yield %add3A_157, %add3A_164, %add3A_171, %add3A_178, %add3A_185, %add3A_192, %add3A_199, %add3A_206, %add3A_213, %add3A_220, %add3A_227, %add3A_234, %add3A_241, %add3A_248, %add3A_255, %add3A_262 : vector<16xf32>, vector<16xf32>, vector<16xf32>, vector<16xf32>, vector<16xf32>, vector<16xf32>, vector<16xf32>, vector<16xf32>, vector<16xf32>, vector<16xf32>, vector<16xf32>, vector<16xf32>, vector<16xf32>, vector<16xf32>, vector<16xf32>, vector<16xf32>
        }
        %while3A_128 = arith.constant 1 : i32
        %while3A_129:16 = scf.for %while3A_134 = %while3A_125 to %while3A_121 step %while3A_128 iter_args(%while3A_135 = %while3A_127#0, %while3A_136 = %while3A_127#1, %while3A_137 = %while3A_127#2, %while3A_138 = %while3A_127#3, %while3A_139 = %while3A_127#4, %while3A_140 = %while3A_127#5, %while3A_141 = %while3A_127#6, %while3A_142 = %while3A_127#7, %while3A_143 = %while3A_127#8, %while3A_144 = %while3A_127#9, %while3A_145 = %while3A_127#10, %while3A_146 = %while3A_127#11, %while3A_147 = %while3A_127#12, %while3A_148 = %while3A_127#13, %while3A_149 = %while3A_127#14, %while3A_150 = %while3A_127#15) -> (vector<16xf32>, vector<16xf32>, vector<16xf32>, vector<16xf32>, vector<16xf32>, vector<16xf32>, vector<16xf32>, vector<16xf32>, vector<16xf32>, vector<16xf32>, vector<16xf32>, vector<16xf32>, vector<16xf32>, vector<16xf32>, vector<16xf32>, vector<16xf32>)  : i32 {
          %get3A_151 = arith.constant 1 : i32
          %get3A_152 = arith.index_cast %get3A_151 : i32 to index
          %get3A_153 = arith.index_cast %while3A_134 : i32 to index
          %get3A_154 = arith.constant 0 : index
          %get3A_155 = tpu.vector_load %arg6[%get3A_152, %get3A_153, %get3A_154] {strides = array<i32>} : memref<2x64x256xf32, #tpu.memory_space<vmem>>, vector<1x1x16xf32>,
          %get3A_156 = vector.shape_cast %get3A_155 : vector<1x1x16xf32> to vector<16xf32>
          %add3A_157 = arith.addf %while3A_135, %get3A_156 : vector<16xf32>
          %get3A_158 = arith.constant 1 : i32
          %get3A_159 = arith.index_cast %get3A_158 : i32 to index
          %get3A_160 = arith.index_cast %while3A_134 : i32 to index
          %get3A_161 = arith.constant 16 : index
          %get3A_162 = tpu.vector_load %arg6[%get3A_159, %get3A_160, %get3A_161] {strides = array<i32>} : memref<2x64x256xf32, #tpu.memory_space<vmem>>, vector<1x1x16xf32>,
          %get3A_163 = vector.shape_cast %get3A_162 : vector<1x1x16xf32> to vector<16xf32>
          %add3A_164 = arith.addf %while3A_136, %get3A_163 : vector<16xf32>
          %get3A_165 = arith.constant 1 : i32
          %get3A_166 = arith.index_cast %get3A_165 : i32 to index
          %get3A_167 = arith.index_cast %while3A_134 : i32 to index
          %get3A_168 = arith.constant 32 : index
          %get3A_169 = tpu.vector_load %arg6[%get3A_166, %get3A_167, %get3A_168] {strides = array<i32>} : memref<2x64x256xf32, #tpu.memory_space<vmem>>, vector<1x1x16xf32>,
          %get3A_170 = vector.shape_cast %get3A_169 : vector<1x1x16xf32> to vector<16xf32>
          %add3A_171 = arith.addf %while3A_137, %get3A_170 : vector<16xf32>
          %get3A_172 = arith.constant 1 : i32
          %get3A_173 = arith.index_cast %get3A_172 : i32 to index
          %get3A_174 = arith.index_cast %while3A_134 : i32 to index
          %get3A_175 = arith.constant 48 : index
          %get3A_176 = tpu.vector_load %arg6[%get3A_173, %get3A_174, %get3A_175] {strides = array<i32>} : memref<2x64x256xf32, #tpu.memory_space<vmem>>, vector<1x1x16xf32>,
          %get3A_177 = vector.shape_cast %get3A_176 : vector<1x1x16xf32> to vector<16xf32>
          %add3A_178 = arith.addf %while3A_138, %get3A_177 : vector<16xf32>
          %get3A_179 = arith.constant 1 : i32
          %get3A_180 = arith.index_cast %get3A_179 : i32 to index
          %get3A_181 = arith.index_cast %while3A_134 : i32 to index
          %get3A_182 = arith.constant 64 : index
          %get3A_183 = tpu.vector_load %arg6[%get3A_180, %get3A_181, %get3A_182] {strides = array<i32>} : memref<2x64x256xf32, #tpu.memory_space<vmem>>, vector<1x1x16xf32>,
          %get3A_184 = vector.shape_cast %get3A_183 : vector<1x1x16xf32> to vector<16xf32>
          %add3A_185 = arith.addf %while3A_139, %get3A_184 : vector<16xf32>
          %get3A_186 = arith.constant 1 : i32
          %get3A_187 = arith.index_cast %get3A_186 : i32 to index
          %get3A_188 = arith.index_cast %while3A_134 : i32 to index
          %get3A_189 = arith.constant 80 : index
          %get3A_190 = tpu.vector_load %arg6[%get3A_187, %get3A_188, %get3A_189] {strides = array<i32>} : memref<2x64x256xf32, #tpu.memory_space<vmem>>, vector<1x1x16xf32>,
          %get3A_191 = vector.shape_cast %get3A_190 : vector<1x1x16xf32> to vector<16xf32>
          %add3A_192 = arith.addf %while3A_140, %get3A_191 : vector<16xf32>
          %get3A_193 = arith.constant 1 : i32
          %get3A_194 = arith.index_cast %get3A_193 : i32 to index
          %get3A_195 = arith.index_cast %while3A_134 : i32 to index
          %get3A_196 = arith.constant 96 : index
          %get3A_197 = tpu.vector_load %arg6[%get3A_194, %get3A_195, %get3A_196] {strides = array<i32>} : memref<2x64x256xf32, #tpu.memory_space<vmem>>, vector<1x1x16xf32>,
          %get3A_198 = vector.shape_cast %get3A_197 : vector<1x1x16xf32> to vector<16xf32>
          %add3A_199 = arith.addf %while3A_141, %get3A_198 : vector<16xf32>
          %get3A_200 = arith.constant 1 : i32
          %get3A_201 = arith.index_cast %get3A_200 : i32 to index
          %get3A_202 = arith.index_cast %while3A_134 : i32 to index
          %get3A_203 = arith.constant 112 : index
          %get3A_204 = tpu.vector_load %arg6[%get3A_201, %get3A_202, %get3A_203] {strides = array<i32>} : memref<2x64x256xf32, #tpu.memory_space<vmem>>, vector<1x1x16xf32>,
          %get3A_205 = vector.shape_cast %get3A_204 : vector<1x1x16xf32> to vector<16xf32>
          %add3A_206 = arith.addf %while3A_142, %get3A_205 : vector<16xf32>
          %get3A_207 = arith.constant 1 : i32
          %get3A_208 = arith.index_cast %get3A_207 : i32 to index
          %get3A_209 = arith.index_cast %while3A_134 : i32 to index
          %get3A_210 = arith.constant 128 : index
          %get3A_211 = tpu.vector_load %arg6[%get3A_208, %get3A_209, %get3A_210] {strides = array<i32>} : memref<2x64x256xf32, #tpu.memory_space<vmem>>, vector<1x1x16xf32>,
          %get3A_212 = vector.shape_cast %get3A_211 : vector<1x1x16xf32> to vector<16xf32>
          %add3A_213 = arith.addf %while3A_143, %get3A_212 : vector<16xf32>
          %get3A_214 = arith.constant 1 : i32
          %get3A_215 = arith.index_cast %get3A_214 : i32 to index
          %get3A_216 = arith.index_cast %while3A_134 : i32 to index
          %get3A_217 = arith.constant 144 : index
          %get3A_218 = tpu.vector_load %arg6[%get3A_215, %get3A_216, %get3A_217] {strides = array<i32>} : memref<2x64x256xf32, #tpu.memory_space<vmem>>, vector<1x1x16xf32>,
          %get3A_219 = vector.shape_cast %get3A_218 : vector<1x1x16xf32> to vector<16xf32>
          %add3A_220 = arith.addf %while3A_144, %get3A_219 : vector<16xf32>
          %get3A_221 = arith.constant 1 : i32
          %get3A_222 = arith.index_cast %get3A_221 : i32 to index
          %get3A_223 = arith.index_cast %while3A_134 : i32 to index
          %get3A_224 = arith.constant 160 : index
          %get3A_225 = tpu.vector_load %arg6[%get3A_222, %get3A_223, %get3A_224] {strides = array<i32>} : memref<2x64x256xf32, #tpu.memory_space<vmem>>, vector<1x1x16xf32>,
          %get3A_226 = vector.shape_cast %get3A_225 : vector<1x1x16xf32> to vector<16xf32>
          %add3A_227 = arith.addf %while3A_145, %get3A_226 : vector<16xf32>
          %get3A_228 = arith.constant 1 : i32
          %get3A_229 = arith.index_cast %get3A_228 : i32 to index
          %get3A_230 = arith.index_cast %while3A_134 : i32 to index
          %get3A_231 = arith.constant 176 : index
          %get3A_232 = tpu.vector_load %arg6[%get3A_229, %get3A_230, %get3A_231] {strides = array<i32>} : memref<2x64x256xf32, #tpu.memory_space<vmem>>, vector<1x1x16xf32>,
          %get3A_233 = vector.shape_cast %get3A_232 : vector<1x1x16xf32> to vector<16xf32>
          %add3A_234 = arith.addf %while3A_146, %get3A_233 : vector<16xf32>
          %get3A_235 = arith.constant 1 : i32
          %get3A_236 = arith.index_cast %get3A_235 : i32 to index
          %get3A_237 = arith.index_cast %while3A_134 : i32 to index
          %get3A_238 = arith.constant 192 : index
          %get3A_239 = tpu.vector_load %arg6[%get3A_236, %get3A_237, %get3A_238] {strides = array<i32>} : memref<2x64x256xf32, #tpu.memory_space<vmem>>, vector<1x1x16xf32>,
          %get3A_240 = vector.shape_cast %get3A_239 : vector<1x1x16xf32> to vector<16xf32>
          %add3A_241 = arith.addf %while3A_147, %get3A_240 : vector<16xf32>
          %get3A_242 = arith.constant 1 : i32
          %get3A_243 = arith.index_cast %get3A_242 : i32 to index
          %get3A_244 = arith.index_cast %while3A_134 : i32 to index
          %get3A_245 = arith.constant 208 : index
          %get3A_246 = tpu.vector_load %arg6[%get3A_243, %get3A_244, %get3A_245] {strides = array<i32>} : memref<2x64x256xf32, #tpu.memory_space<vmem>>, vector<1x1x16xf32>,
          %get3A_247 = vector.shape_cast %get3A_246 : vector<1x1x16xf32> to vector<16xf32>
          %add3A_248 = arith.addf %while3A_148, %get3A_247 : vector<16xf32>
          %get3A_249 = arith.constant 1 : i32
          %get3A_250 = arith.index_cast %get3A_249 : i32 to index
          %get3A_251 = arith.index_cast %while3A_134 : i32 to index
          %get3A_252 = arith.constant 224 : index
          %get3A_253 = tpu.vector_load %arg6[%get3A_250, %get3A_251, %get3A_252] {strides = array<i32>} : memref<2x64x256xf32, #tpu.memory_space<vmem>>, vector<1x1x16xf32>,
          %get3A_254 = vector.shape_cast %get3A_253 : vector<1x1x16xf32> to vector<16xf32>
          %add3A_255 = arith.addf %while3A_149, %get3A_254 : vector<16xf32>
          %get3A_256 = arith.constant 1 : i32
          %get3A_257 = arith.index_cast %get3A_256 : i32 to index
          %get3A_258 = arith.index_cast %while3A_134 : i32 to index
          %get3A_259 = arith.constant 240 : index
          %get3A_260 = tpu.vector_load %arg6[%get3A_257, %get3A_258, %get3A_259] {strides = array<i32>} : memref<2x64x256xf32, #tpu.memory_space<vmem>>, vector<1x1x16xf32>,
          %get3A_261 = vector.shape_cast %get3A_260 : vector<1x1x16xf32> to vector<16xf32>
          %add3A_262 = arith.addf %while3A_150, %get3A_261 : vector<16xf32>
          scf.yield %add3A_157, %add3A_164, %add3A_171, %add3A_178, %add3A_185, %add3A_192, %add3A_199, %add3A_206, %add3A_213, %add3A_220, %add3A_227, %add3A_234, %add3A_241, %add3A_248, %add3A_255, %add3A_262 : vector<16xf32>, vector<16xf32>, vector<16xf32>, vector<16xf32>, vector<16xf32>, vector<16xf32>, vector<16xf32>, vector<16xf32>, vector<16xf32>, vector<16xf32>, vector<16xf32>, vector<16xf32>, vector<16xf32>, vector<16xf32>, vector<16xf32>, vector<16xf32>
        }
        %gt3A_130 = arith.cmpi sgt, %sub3A_119, %sub3A_117 : i32
        %convert_element_type3A_131 = arith.extui %gt3A_130 : i1 to i32
        %cond3A_132 = arith.constant 0 : i32
        %cond3A_133 = arith.cmpi ne, %convert_element_type3A_131, %cond3A_132 : i32
        scf.if %cond3A_133 {
          %swap3A = arith.index_cast %scan3A_109 : i32 to index
          %swap3A_134 = arith.constant 0 : index
          %swap3A_135 = tpu.vector_load %arg7[%swap3A, %swap3A_134] {strides = array<i32>} : memref<16x256xf32, #tpu.memory_space<vmem>>, vector<1x16xf32>,
          %swap3A_136 = vector.shape_cast %swap3A_135 : vector<1x16xf32> to vector<16xf32>
          %swap3A_137 = vector.shape_cast %while3A_129#0 : vector<16xf32> to vector<1x16xf32>
          tpu.vector_store %arg7[%swap3A, %swap3A_134], %swap3A_137 {add = true, strides = array<i32>} : memref<16x256xf32, #tpu.memory_space<vmem>>, vector<1x16xf32>,
          %swap3A_138 = arith.index_cast %scan3A_109 : i32 to index
          %swap3A_139 = arith.constant 16 : index
          %swap3A_140 = tpu.vector_load %arg7[%swap3A_138, %swap3A_139] {strides = array<i32>} : memref<16x256xf32, #tpu.memory_space<vmem>>, vector<1x16xf32>,
          %swap3A_141 = vector.shape_cast %swap3A_140 : vector<1x16xf32> to vector<16xf32>
          %swap3A_142 = vector.shape_cast %while3A_129#1 : vector<16xf32> to vector<1x16xf32>
          tpu.vector_store %arg7[%swap3A_138, %swap3A_139], %swap3A_142 {add = true, strides = array<i32>} : memref<16x256xf32, #tpu.memory_space<vmem>>, vector<1x16xf32>,
          %swap3A_143 = arith.index_cast %scan3A_109 : i32 to index
          %swap3A_144 = arith.constant 32 : index
          %swap3A_145 = tpu.vector_load %arg7[%swap3A_143, %swap3A_144] {strides = array<i32>} : memref<16x256xf32, #tpu.memory_space<vmem>>, vector<1x16xf32>,
          %swap3A_146 = vector.shape_cast %swap3A_145 : vector<1x16xf32> to vector<16xf32>
          %swap3A_147 = vector.shape_cast %while3A_129#2 : vector<16xf32> to vector<1x16xf32>
          tpu.vector_store %arg7[%swap3A_143, %swap3A_144], %swap3A_147 {add = true, strides = array<i32>} : memref<16x256xf32, #tpu.memory_space<vmem>>, vector<1x16xf32>,
          %swap3A_148 = arith.index_cast %scan3A_109 : i32 to index
          %swap3A_149 = arith.constant 48 : index
          %swap3A_150 = tpu.vector_load %arg7[%swap3A_148, %swap3A_149] {strides = array<i32>} : memref<16x256xf32, #tpu.memory_space<vmem>>, vector<1x16xf32>,
          %swap3A_151 = vector.shape_cast %swap3A_150 : vector<1x16xf32> to vector<16xf32>
          %swap3A_152 = vector.shape_cast %while3A_129#3 : vector<16xf32> to vector<1x16xf32>
          tpu.vector_store %arg7[%swap3A_148, %swap3A_149], %swap3A_152 {add = true, strides = array<i32>} : memref<16x256xf32, #tpu.memory_space<vmem>>, vector<1x16xf32>,
          %swap3A_153 = arith.index_cast %scan3A_109 : i32 to index
          %swap3A_154 = arith.constant 64 : index
          %swap3A_155 = tpu.vector_load %arg7[%swap3A_153, %swap3A_154] {strides = array<i32>} : memref<16x256xf32, #tpu.memory_space<vmem>>, vector<1x16xf32>,
          %swap3A_156 = vector.shape_cast %swap3A_155 : vector<1x16xf32> to vector<16xf32>
          %swap3A_157 = vector.shape_cast %while3A_129#4 : vector<16xf32> to vector<1x16xf32>
          tpu.vector_store %arg7[%swap3A_153, %swap3A_154], %swap3A_157 {add = true, strides = array<i32>} : memref<16x256xf32, #tpu.memory_space<vmem>>, vector<1x16xf32>,
          %swap3A_158 = arith.index_cast %scan3A_109 : i32 to index
          %swap3A_159 = arith.constant 80 : index
          %swap3A_160 = tpu.vector_load %arg7[%swap3A_158, %swap3A_159] {strides = array<i32>} : memref<16x256xf32, #tpu.memory_space<vmem>>, vector<1x16xf32>,
          %swap3A_161 = vector.shape_cast %swap3A_160 : vector<1x16xf32> to vector<16xf32>
          %swap3A_162 = vector.shape_cast %while3A_129#5 : vector<16xf32> to vector<1x16xf32>
          tpu.vector_store %arg7[%swap3A_158, %swap3A_159], %swap3A_162 {add = true, strides = array<i32>} : memref<16x256xf32, #tpu.memory_space<vmem>>, vector<1x16xf32>,
          %swap3A_163 = arith.index_cast %scan3A_109 : i32 to index
          %swap3A_164 = arith.constant 96 : index
          %swap3A_165 = tpu.vector_load %arg7[%swap3A_163, %swap3A_164] {strides = array<i32>} : memref<16x256xf32, #tpu.memory_space<vmem>>, vector<1x16xf32>,
          %swap3A_166 = vector.shape_cast %swap3A_165 : vector<1x16xf32> to vector<16xf32>
          %swap3A_167 = vector.shape_cast %while3A_129#6 : vector<16xf32> to vector<1x16xf32>
          tpu.vector_store %arg7[%swap3A_163, %swap3A_164], %swap3A_167 {add = true, strides = array<i32>} : memref<16x256xf32, #tpu.memory_space<vmem>>, vector<1x16xf32>,
          %swap3A_168 = arith.index_cast %scan3A_109 : i32 to index
          %swap3A_169 = arith.constant 112 : index
          %swap3A_170 = tpu.vector_load %arg7[%swap3A_168, %swap3A_169] {strides = array<i32>} : memref<16x256xf32, #tpu.memory_space<vmem>>, vector<1x16xf32>,
          %swap3A_171 = vector.shape_cast %swap3A_170 : vector<1x16xf32> to vector<16xf32>
          %swap3A_172 = vector.shape_cast %while3A_129#7 : vector<16xf32> to vector<1x16xf32>
          tpu.vector_store %arg7[%swap3A_168, %swap3A_169], %swap3A_172 {add = true, strides = array<i32>} : memref<16x256xf32, #tpu.memory_space<vmem>>, vector<1x16xf32>,
          %swap3A_173 = arith.index_cast %scan3A_109 : i32 to index
          %swap3A_174 = arith.constant 128 : index
          %swap3A_175 = tpu.vector_load %arg7[%swap3A_173, %swap3A_174] {strides = array<i32>} : memref<16x256xf32, #tpu.memory_space<vmem>>, vector<1x16xf32>,
          %swap3A_176 = vector.shape_cast %swap3A_175 : vector<1x16xf32> to vector<16xf32>
          %swap3A_177 = vector.shape_cast %while3A_129#8 : vector<16xf32> to vector<1x16xf32>
          tpu.vector_store %arg7[%swap3A_173, %swap3A_174], %swap3A_177 {add = true, strides = array<i32>} : memref<16x256xf32, #tpu.memory_space<vmem>>, vector<1x16xf32>,
          %swap3A_178 = arith.index_cast %scan3A_109 : i32 to index
          %swap3A_179 = arith.constant 144 : index
          %swap3A_180 = tpu.vector_load %arg7[%swap3A_178, %swap3A_179] {strides = array<i32>} : memref<16x256xf32, #tpu.memory_space<vmem>>, vector<1x16xf32>,
          %swap3A_181 = vector.shape_cast %swap3A_180 : vector<1x16xf32> to vector<16xf32>
          %swap3A_182 = vector.shape_cast %while3A_129#9 : vector<16xf32> to vector<1x16xf32>
          tpu.vector_store %arg7[%swap3A_178, %swap3A_179], %swap3A_182 {add = true, strides = array<i32>} : memref<16x256xf32, #tpu.memory_space<vmem>>, vector<1x16xf32>,
          %swap3A_183 = arith.index_cast %scan3A_109 : i32 to index
          %swap3A_184 = arith.constant 160 : index
          %swap3A_185 = tpu.vector_load %arg7[%swap3A_183, %swap3A_184] {strides = array<i32>} : memref<16x256xf32, #tpu.memory_space<vmem>>, vector<1x16xf32>,
          %swap3A_186 = vector.shape_cast %swap3A_185 : vector<1x16xf32> to vector<16xf32>
          %swap3A_187 = vector.shape_cast %while3A_129#10 : vector<16xf32> to vector<1x16xf32>
          tpu.vector_store %arg7[%swap3A_183, %swap3A_184], %swap3A_187 {add = true, strides = array<i32>} : memref<16x256xf32, #tpu.memory_space<vmem>>, vector<1x16xf32>,
          %swap3A_188 = arith.index_cast %scan3A_109 : i32 to index
          %swap3A_189 = arith.constant 176 : index
          %swap3A_190 = tpu.vector_load %arg7[%swap3A_188, %swap3A_189] {strides = array<i32>} : memref<16x256xf32, #tpu.memory_space<vmem>>, vector<1x16xf32>,
          %swap3A_191 = vector.shape_cast %swap3A_190 : vector<1x16xf32> to vector<16xf32>
          %swap3A_192 = vector.shape_cast %while3A_129#11 : vector<16xf32> to vector<1x16xf32>
          tpu.vector_store %arg7[%swap3A_188, %swap3A_189], %swap3A_192 {add = true, strides = array<i32>} : memref<16x256xf32, #tpu.memory_space<vmem>>, vector<1x16xf32>,
          %swap3A_193 = arith.index_cast %scan3A_109 : i32 to index
          %swap3A_194 = arith.constant 192 : index
          %swap3A_195 = tpu.vector_load %arg7[%swap3A_193, %swap3A_194] {strides = array<i32>} : memref<16x256xf32, #tpu.memory_space<vmem>>, vector<1x16xf32>,
          %swap3A_196 = vector.shape_cast %swap3A_195 : vector<1x16xf32> to vector<16xf32>
          %swap3A_197 = vector.shape_cast %while3A_129#12 : vector<16xf32> to vector<1x16xf32>
          tpu.vector_store %arg7[%swap3A_193, %swap3A_194], %swap3A_197 {add = true, strides = array<i32>} : memref<16x256xf32, #tpu.memory_space<vmem>>, vector<1x16xf32>,
          %swap3A_198 = arith.index_cast %scan3A_109 : i32 to index
          %swap3A_199 = arith.constant 208 : index
          %swap3A_200 = tpu.vector_load %arg7[%swap3A_198, %swap3A_199] {strides = array<i32>} : memref<16x256xf32, #tpu.memory_space<vmem>>, vector<1x16xf32>,
          %swap3A_201 = vector.shape_cast %swap3A_200 : vector<1x16xf32> to vector<16xf32>
          %swap3A_202 = vector.shape_cast %while3A_129#13 : vector<16xf32> to vector<1x16xf32>
          tpu.vector_store %arg7[%swap3A_198, %swap3A_199], %swap3A_202 {add = true, strides = array<i32>} : memref<16x256xf32, #tpu.memory_space<vmem>>, vector<1x16xf32>,
          %swap3A_203 = arith.index_cast %scan3A_109 : i32 to index
          %swap3A_204 = arith.constant 224 : index
          %swap3A_205 = tpu.vector_load %arg7[%swap3A_203, %swap3A_204] {strides = array<i32>} : memref<16x256xf32, #tpu.memory_space<vmem>>, vector<1x16xf32>,
          %swap3A_206 = vector.shape_cast %swap3A_205 : vector<1x16xf32> to vector<16xf32>
          %swap3A_207 = vector.shape_cast %while3A_129#14 : vector<16xf32> to vector<1x16xf32>
          tpu.vector_store %arg7[%swap3A_203, %swap3A_204], %swap3A_207 {add = true, strides = array<i32>} : memref<16x256xf32, #tpu.memory_space<vmem>>, vector<1x16xf32>,
          %swap3A_208 = arith.index_cast %scan3A_109 : i32 to index
          %swap3A_209 = arith.constant 240 : index
          %swap3A_210 = tpu.vector_load %arg7[%swap3A_208, %swap3A_209] {strides = array<i32>} : memref<16x256xf32, #tpu.memory_space<vmem>>, vector<1x16xf32>,
          %swap3A_211 = vector.shape_cast %swap3A_210 : vector<1x16xf32> to vector<16xf32>
          %swap3A_212 = vector.shape_cast %while3A_129#15 : vector<16xf32> to vector<1x16xf32>
          tpu.vector_store %arg7[%swap3A_208, %swap3A_209], %swap3A_212 {add = true, strides = array<i32>} : memref<16x256xf32, #tpu.memory_space<vmem>>, vector<1x16xf32>,
        } else {
        }
        scf.yield %add3A_116 : i32
      }
      %scan3A_108 = arith.constant 16 : i32
    }
    %while3A_34 = arith.constant 1 : i32
    scf.for %while3A_47 = %while3A_32 to %while3A_28 step %while3A_34  : i32 {
      %mul3A_48 = arith.constant 2 : i32
      %mul3A_49 = arith.muli %mul3A_48, %while3A_47 : i32
      %add3A_50 = arith.constant 1 : i32
      %add3A_51 = arith.addi %mul3A_49, %add3A_50 : i32
      %dma_wait3A = arith.constant 0 : i32
      %dma_wait3A_52 = arith.constant 0 : i32
      %dma_wait3A_53 = arith.constant 0 : i32
      %dma_wait3A_54 = tpu.memref_slice %arg6[%dma_wait3A, %dma_wait3A_52, %dma_wait3A_53] : memref<2x64x256xf32, #tpu.memory_space<vmem>> -> memref<1x64x256xf32, #tpu.memory_space<vmem>>
      %dma_wait3A_55 = tpu.memref_squeeze %dma_wait3A_54 : memref<1x64x256xf32, #tpu.memory_space<vmem>> -> memref<64x256xf32, #tpu.memory_space<vmem>>
      %dma_wait3A_56 = arith.constant 0 : i32
      %dma_wait3A_57 = tpu.memref_slice %arg2[%dma_wait3A_56, %mul3A_0] : memref<16384x512xf32, #tpu.memory_space<hbm>> -> memref<64x256xf32, #tpu.memory_space<hbm>>
      %dma_wait3A_58 = arith.constant 0 : i32
      %dma_wait3A_59 = arith.constant 0 : i32
      %dma_wait3A_60 = tpu.memref_slice %arg6[%dma_wait3A, %dma_wait3A_58, %dma_wait3A_59] : memref<2x64x256xf32, #tpu.memory_space<vmem>> -> memref<1x64x256xf32, #tpu.memory_space<vmem>>
      %dma_wait3A_61 = tpu.memref_squeeze %dma_wait3A_60 : memref<1x64x256xf32, #tpu.memory_space<vmem>> -> memref<64x256xf32, #tpu.memory_space<vmem>>
      %dma_wait3A_62 = arith.constant 0 : i32
      %dma_wait3A_63 = tpu.memref_slice %arg2[%dma_wait3A_62, %mul3A_0] : memref<16384x512xf32, #tpu.memory_space<hbm>> -> memref<64x256xf32, #tpu.memory_space<hbm>>
      tpu.wait_dma2 semaphore(%arg8 : memref<!tpu.dma_semaphore, #tpu.memory_space<semaphore_mem>>) src(%dma_wait3A_63 : memref<64x256xf32, #tpu.memory_space<hbm>>) dst(%dma_wait3A_61 : memref<64x256xf32, #tpu.memory_space<vmem>>)
      %lt3A = arith.cmpi slt, %add3A_51, %shift_right_arithmetic3A_18 : i32
      %convert_element_type3A_64 = arith.extui %lt3A : i1 to i32
      %cond3A_65 = arith.constant 0 : i32
      %cond3A_66 = arith.cmpi ne, %convert_element_type3A_64, %cond3A_65 : i32
      scf.if %cond3A_66 {
        %mul3A_109 = arith.constant 64 : i32
        %mul3A_110 = arith.muli %add3A_51, %mul3A_109 : i32
        %add3A_111 = arith.addi %mul3A_6, %mul3A_110 : i32
        %min3A_112 = arith.constant 16320 : i32
        %min3A_113 = arith.minsi %add3A_111, %min3A_112 : i32
        %multiple_of3A = tpu.assume_multiple %min3A_113, 8 : i32
        %dma_start3A = arith.constant 1 : i32
        %dma_start3A_114 = arith.constant 0 : i32
        %dma_start3A_115 = arith.constant 0 : i32
        %dma_start3A_116 = tpu.memref_slice %arg6[%dma_start3A, %dma_start3A_114, %dma_start3A_115] : memref<2x64x256xf32, #tpu.memory_space<vmem>> -> memref<1x64x256xf32, #tpu.memory_space<vmem>>
        %dma_start3A_117 = tpu.memref_squeeze %dma_start3A_116 : memref<1x64x256xf32, #tpu.memory_space<vmem>> -> memref<64x256xf32, #tpu.memory_space<vmem>>
        %dma_start3A_118 = tpu.memref_slice %arg2[%multiple_of3A, %mul3A_0] : memref<16384x512xf32, #tpu.memory_space<hbm>> -> memref<64x256xf32, #tpu.memory_space<hbm>>
        %dma_start3A_119 = arith.constant 0 : i32
        %dma_start3A_120 = arith.constant 0 : i32
        %dma_start3A_121 = tpu.memref_slice %arg6[%dma_start3A, %dma_start3A_119, %dma_start3A_120] : memref<2x64x256xf32, #tpu.memory_space<vmem>> -> memref<1x64x256xf32, #tpu.memory_space<vmem>>
        %dma_start3A_122 = tpu.memref_squeeze %dma_start3A_121 : memref<1x64x256xf32, #tpu.memory_space<vmem>> -> memref<64x256xf32, #tpu.memory_space<vmem>>
        %dma_start3A_123 = tpu.memref_slice %arg2[%multiple_of3A, %mul3A_0] : memref<16384x512xf32, #tpu.memory_space<hbm>> -> memref<64x256xf32, #tpu.memory_space<hbm>>
        tpu.enqueue_dma source(%dma_start3A_123 : memref<64x256xf32, #tpu.memory_space<hbm>>) target(%dma_start3A_122 : memref<64x256xf32, #tpu.memory_space<vmem>>) target_semaphore(%arg9 : memref<!tpu.dma_semaphore, #tpu.memory_space<semaphore_mem>>)
      } else {
      }
      %mul3A_67 = arith.constant 64 : i32
      %mul3A_68 = arith.muli %mul3A_49, %mul3A_67 : i32
      %add3A_69 = arith.addi %mul3A_6, %mul3A_68 : i32
      %min3A = arith.constant 16320 : i32
      %min3A_70 = arith.minsi %add3A_69, %min3A : i32
      %lt3A_71 = arith.cmpi slt, %mul3A_49, %shift_right_arithmetic3A_18 : i32
      %select_n3A = arith.select %lt3A_71, %add3A_69, %while3A_25 : i32
      %add3A_72 = arith.constant 64 : i32
      %add3A_73 = arith.addi %add3A_69, %add3A_72 : i32
      %min3A_74 = arith.minsi %add3A_73, %add3A_7 : i32
      %select_n3A_75 = arith.select %lt3A_71, %min3A_74, %while3A_25 : i32
      %scan3A_76 = arith.constant 0 : i32
      %scan3A_77 = arith.constant 16 : i32
      %scan3A_78 = arith.addi %scan3A_76, %scan3A_77 : i32
      %scan3A_79 = arith.constant 1 : i32
      %scan3A_80 = scf.for %scan3A_109 = %scan3A_76 to %scan3A_78 step %scan3A_79 iter_args(%scan3A_110 = %while3A_25) -> (i32)  : i32 {
        %get3A_111 = arith.index_cast %scan3A_109 : i32 to index
        %get3A_112 = tpu.vector_load %arg5[%get3A_111] {strides = array<i32>} : memref<32xi32, #tpu.memory_space<vmem>>, vector<16xi32>,
        %get3A_113 = vector.shape_cast %get3A_112 : vector<16xi32> to vector<16xi32>
        %slice3A_114 = vector.extract_strided_slice %get3A_113 {offsets = [0], sizes = [1], strides = [1]} : vector<16xi32> to vector<1xi32>
        %squeeze3A_115 = vector.extract %slice3A_114[0] : i32 from vector<1xi32>
        %add3A_116 = arith.addi %scan3A_110, %squeeze3A_115 : i32
        %max3A = arith.maxsi %scan3A_110, %select_n3A : i32
        %sub3A_117 = arith.subi %max3A, %min3A_70 : i32
        %min3A_118 = arith.minsi %add3A_116, %select_n3A_75 : i32
        %sub3A_119 = arith.subi %min3A_118, %min3A_70 : i32
        %while3A_120 = arith.subi %sub3A_119, %sub3A_117 : i32
        %while3A_121 = arith.addi %sub3A_117, %while3A_120 : i32
        %while3A_122 = arith.constant 1 : i32
        %while3A_123 = arith.divsi %while3A_120, %while3A_122 : i32
        %while3A_124 = arith.muli %while3A_123, %while3A_122 : i32
        %while3A_125 = arith.addi %sub3A_117, %while3A_124 : i32
        %while3A_126 = arith.constant 1 : i32
        %while3A_127:16 = scf.for %while3A_134 = %sub3A_117 to %while3A_125 step %while3A_126 iter_args(%while3A_135 = %broadcast_in_dim3A_8, %while3A_136 = %broadcast_in_dim3A_8, %while3A_137 = %broadcast_in_dim3A_8, %while3A_138 = %broadcast_in_dim3A_8, %while3A_139 = %broadcast_in_dim3A_8, %while3A_140 = %broadcast_in_dim3A_8, %while3A_141 = %broadcast_in_dim3A_8, %while3A_142 = %broadcast_in_dim3A_8, %while3A_143 = %broadcast_in_dim3A_8, %while3A_144 = %broadcast_in_dim3A_8, %while3A_145 = %broadcast_in_dim3A_8, %while3A_146 = %broadcast_in_dim3A_8, %while3A_147 = %broadcast_in_dim3A_8, %while3A_148 = %broadcast_in_dim3A_8, %while3A_149 = %broadcast_in_dim3A_8, %while3A_150 = %broadcast_in_dim3A_8) -> (vector<16xf32>, vector<16xf32>, vector<16xf32>, vector<16xf32>, vector<16xf32>, vector<16xf32>, vector<16xf32>, vector<16xf32>, vector<16xf32>, vector<16xf32>, vector<16xf32>, vector<16xf32>, vector<16xf32>, vector<16xf32>, vector<16xf32>, vector<16xf32>)  : i32 {
          %get3A_151 = arith.constant 0 : i32
          %get3A_152 = arith.index_cast %get3A_151 : i32 to index
          %get3A_153 = arith.index_cast %while3A_134 : i32 to index
          %get3A_154 = arith.constant 0 : index
          %get3A_155 = tpu.vector_load %arg6[%get3A_152, %get3A_153, %get3A_154] {strides = array<i32>} : memref<2x64x256xf32, #tpu.memory_space<vmem>>, vector<1x1x16xf32>,
          %get3A_156 = vector.shape_cast %get3A_155 : vector<1x1x16xf32> to vector<16xf32>
          %add3A_157 = arith.addf %while3A_135, %get3A_156 : vector<16xf32>
          %get3A_158 = arith.constant 0 : i32
          %get3A_159 = arith.index_cast %get3A_158 : i32 to index
          %get3A_160 = arith.index_cast %while3A_134 : i32 to index
          %get3A_161 = arith.constant 16 : index
          %get3A_162 = tpu.vector_load %arg6[%get3A_159, %get3A_160, %get3A_161] {strides = array<i32>} : memref<2x64x256xf32, #tpu.memory_space<vmem>>, vector<1x1x16xf32>,
          %get3A_163 = vector.shape_cast %get3A_162 : vector<1x1x16xf32> to vector<16xf32>
          %add3A_164 = arith.addf %while3A_136, %get3A_163 : vector<16xf32>
          %get3A_165 = arith.constant 0 : i32
          %get3A_166 = arith.index_cast %get3A_165 : i32 to index
          %get3A_167 = arith.index_cast %while3A_134 : i32 to index
          %get3A_168 = arith.constant 32 : index
          %get3A_169 = tpu.vector_load %arg6[%get3A_166, %get3A_167, %get3A_168] {strides = array<i32>} : memref<2x64x256xf32, #tpu.memory_space<vmem>>, vector<1x1x16xf32>,
          %get3A_170 = vector.shape_cast %get3A_169 : vector<1x1x16xf32> to vector<16xf32>
          %add3A_171 = arith.addf %while3A_137, %get3A_170 : vector<16xf32>
          %get3A_172 = arith.constant 0 : i32
          %get3A_173 = arith.index_cast %get3A_172 : i32 to index
          %get3A_174 = arith.index_cast %while3A_134 : i32 to index
          %get3A_175 = arith.constant 48 : index
          %get3A_176 = tpu.vector_load %arg6[%get3A_173, %get3A_174, %get3A_175] {strides = array<i32>} : memref<2x64x256xf32, #tpu.memory_space<vmem>>, vector<1x1x16xf32>,
          %get3A_177 = vector.shape_cast %get3A_176 : vector<1x1x16xf32> to vector<16xf32>
          %add3A_178 = arith.addf %while3A_138, %get3A_177 : vector<16xf32>
          %get3A_179 = arith.constant 0 : i32
          %get3A_180 = arith.index_cast %get3A_179 : i32 to index
          %get3A_181 = arith.index_cast %while3A_134 : i32 to index
          %get3A_182 = arith.constant 64 : index
          %get3A_183 = tpu.vector_load %arg6[%get3A_180, %get3A_181, %get3A_182] {strides = array<i32>} : memref<2x64x256xf32, #tpu.memory_space<vmem>>, vector<1x1x16xf32>,
          %get3A_184 = vector.shape_cast %get3A_183 : vector<1x1x16xf32> to vector<16xf32>
          %add3A_185 = arith.addf %while3A_139, %get3A_184 : vector<16xf32>
          %get3A_186 = arith.constant 0 : i32
          %get3A_187 = arith.index_cast %get3A_186 : i32 to index
          %get3A_188 = arith.index_cast %while3A_134 : i32 to index
          %get3A_189 = arith.constant 80 : index
          %get3A_190 = tpu.vector_load %arg6[%get3A_187, %get3A_188, %get3A_189] {strides = array<i32>} : memref<2x64x256xf32, #tpu.memory_space<vmem>>, vector<1x1x16xf32>,
          %get3A_191 = vector.shape_cast %get3A_190 : vector<1x1x16xf32> to vector<16xf32>
          %add3A_192 = arith.addf %while3A_140, %get3A_191 : vector<16xf32>
          %get3A_193 = arith.constant 0 : i32
          %get3A_194 = arith.index_cast %get3A_193 : i32 to index
          %get3A_195 = arith.index_cast %while3A_134 : i32 to index
          %get3A_196 = arith.constant 96 : index
          %get3A_197 = tpu.vector_load %arg6[%get3A_194, %get3A_195, %get3A_196] {strides = array<i32>} : memref<2x64x256xf32, #tpu.memory_space<vmem>>, vector<1x1x16xf32>,
          %get3A_198 = vector.shape_cast %get3A_197 : vector<1x1x16xf32> to vector<16xf32>
          %add3A_199 = arith.addf %while3A_141, %get3A_198 : vector<16xf32>
          %get3A_200 = arith.constant 0 : i32
          %get3A_201 = arith.index_cast %get3A_200 : i32 to index
          %get3A_202 = arith.index_cast %while3A_134 : i32 to index
          %get3A_203 = arith.constant 112 : index
          %get3A_204 = tpu.vector_load %arg6[%get3A_201, %get3A_202, %get3A_203] {strides = array<i32>} : memref<2x64x256xf32, #tpu.memory_space<vmem>>, vector<1x1x16xf32>,
          %get3A_205 = vector.shape_cast %get3A_204 : vector<1x1x16xf32> to vector<16xf32>
          %add3A_206 = arith.addf %while3A_142, %get3A_205 : vector<16xf32>
          %get3A_207 = arith.constant 0 : i32
          %get3A_208 = arith.index_cast %get3A_207 : i32 to index
          %get3A_209 = arith.index_cast %while3A_134 : i32 to index
          %get3A_210 = arith.constant 128 : index
          %get3A_211 = tpu.vector_load %arg6[%get3A_208, %get3A_209, %get3A_210] {strides = array<i32>} : memref<2x64x256xf32, #tpu.memory_space<vmem>>, vector<1x1x16xf32>,
          %get3A_212 = vector.shape_cast %get3A_211 : vector<1x1x16xf32> to vector<16xf32>
          %add3A_213 = arith.addf %while3A_143, %get3A_212 : vector<16xf32>
          %get3A_214 = arith.constant 0 : i32
          %get3A_215 = arith.index_cast %get3A_214 : i32 to index
          %get3A_216 = arith.index_cast %while3A_134 : i32 to index
          %get3A_217 = arith.constant 144 : index
          %get3A_218 = tpu.vector_load %arg6[%get3A_215, %get3A_216, %get3A_217] {strides = array<i32>} : memref<2x64x256xf32, #tpu.memory_space<vmem>>, vector<1x1x16xf32>,
          %get3A_219 = vector.shape_cast %get3A_218 : vector<1x1x16xf32> to vector<16xf32>
          %add3A_220 = arith.addf %while3A_144, %get3A_219 : vector<16xf32>
          %get3A_221 = arith.constant 0 : i32
          %get3A_222 = arith.index_cast %get3A_221 : i32 to index
          %get3A_223 = arith.index_cast %while3A_134 : i32 to index
          %get3A_224 = arith.constant 160 : index
          %get3A_225 = tpu.vector_load %arg6[%get3A_222, %get3A_223, %get3A_224] {strides = array<i32>} : memref<2x64x256xf32, #tpu.memory_space<vmem>>, vector<1x1x16xf32>,
          %get3A_226 = vector.shape_cast %get3A_225 : vector<1x1x16xf32> to vector<16xf32>
          %add3A_227 = arith.addf %while3A_145, %get3A_226 : vector<16xf32>
          %get3A_228 = arith.constant 0 : i32
          %get3A_229 = arith.index_cast %get3A_228 : i32 to index
          %get3A_230 = arith.index_cast %while3A_134 : i32 to index
          %get3A_231 = arith.constant 176 : index
          %get3A_232 = tpu.vector_load %arg6[%get3A_229, %get3A_230, %get3A_231] {strides = array<i32>} : memref<2x64x256xf32, #tpu.memory_space<vmem>>, vector<1x1x16xf32>,
          %get3A_233 = vector.shape_cast %get3A_232 : vector<1x1x16xf32> to vector<16xf32>
          %add3A_234 = arith.addf %while3A_146, %get3A_233 : vector<16xf32>
          %get3A_235 = arith.constant 0 : i32
          %get3A_236 = arith.index_cast %get3A_235 : i32 to index
          %get3A_237 = arith.index_cast %while3A_134 : i32 to index
          %get3A_238 = arith.constant 192 : index
          %get3A_239 = tpu.vector_load %arg6[%get3A_236, %get3A_237, %get3A_238] {strides = array<i32>} : memref<2x64x256xf32, #tpu.memory_space<vmem>>, vector<1x1x16xf32>,
          %get3A_240 = vector.shape_cast %get3A_239 : vector<1x1x16xf32> to vector<16xf32>
          %add3A_241 = arith.addf %while3A_147, %get3A_240 : vector<16xf32>
          %get3A_242 = arith.constant 0 : i32
          %get3A_243 = arith.index_cast %get3A_242 : i32 to index
          %get3A_244 = arith.index_cast %while3A_134 : i32 to index
          %get3A_245 = arith.constant 208 : index
          %get3A_246 = tpu.vector_load %arg6[%get3A_243, %get3A_244, %get3A_245] {strides = array<i32>} : memref<2x64x256xf32, #tpu.memory_space<vmem>>, vector<1x1x16xf32>,
          %get3A_247 = vector.shape_cast %get3A_246 : vector<1x1x16xf32> to vector<16xf32>
          %add3A_248 = arith.addf %while3A_148, %get3A_247 : vector<16xf32>
          %get3A_249 = arith.constant 0 : i32
          %get3A_250 = arith.index_cast %get3A_249 : i32 to index
          %get3A_251 = arith.index_cast %while3A_134 : i32 to index
          %get3A_252 = arith.constant 224 : index
          %get3A_253 = tpu.vector_load %arg6[%get3A_250, %get3A_251, %get3A_252] {strides = array<i32>} : memref<2x64x256xf32, #tpu.memory_space<vmem>>, vector<1x1x16xf32>,
          %get3A_254 = vector.shape_cast %get3A_253 : vector<1x1x16xf32> to vector<16xf32>
          %add3A_255 = arith.addf %while3A_149, %get3A_254 : vector<16xf32>
          %get3A_256 = arith.constant 0 : i32
          %get3A_257 = arith.index_cast %get3A_256 : i32 to index
          %get3A_258 = arith.index_cast %while3A_134 : i32 to index
          %get3A_259 = arith.constant 240 : index
          %get3A_260 = tpu.vector_load %arg6[%get3A_257, %get3A_258, %get3A_259] {strides = array<i32>} : memref<2x64x256xf32, #tpu.memory_space<vmem>>, vector<1x1x16xf32>,
          %get3A_261 = vector.shape_cast %get3A_260 : vector<1x1x16xf32> to vector<16xf32>
          %add3A_262 = arith.addf %while3A_150, %get3A_261 : vector<16xf32>
          scf.yield %add3A_157, %add3A_164, %add3A_171, %add3A_178, %add3A_185, %add3A_192, %add3A_199, %add3A_206, %add3A_213, %add3A_220, %add3A_227, %add3A_234, %add3A_241, %add3A_248, %add3A_255, %add3A_262 : vector<16xf32>, vector<16xf32>, vector<16xf32>, vector<16xf32>, vector<16xf32>, vector<16xf32>, vector<16xf32>, vector<16xf32>, vector<16xf32>, vector<16xf32>, vector<16xf32>, vector<16xf32>, vector<16xf32>, vector<16xf32>, vector<16xf32>, vector<16xf32>
        }
        %while3A_128 = arith.constant 1 : i32
        %while3A_129:16 = scf.for %while3A_134 = %while3A_125 to %while3A_121 step %while3A_128 iter_args(%while3A_135 = %while3A_127#0, %while3A_136 = %while3A_127#1, %while3A_137 = %while3A_127#2, %while3A_138 = %while3A_127#3, %while3A_139 = %while3A_127#4, %while3A_140 = %while3A_127#5, %while3A_141 = %while3A_127#6, %while3A_142 = %while3A_127#7, %while3A_143 = %while3A_127#8, %while3A_144 = %while3A_127#9, %while3A_145 = %while3A_127#10, %while3A_146 = %while3A_127#11, %while3A_147 = %while3A_127#12, %while3A_148 = %while3A_127#13, %while3A_149 = %while3A_127#14, %while3A_150 = %while3A_127#15) -> (vector<16xf32>, vector<16xf32>, vector<16xf32>, vector<16xf32>, vector<16xf32>, vector<16xf32>, vector<16xf32>, vector<16xf32>, vector<16xf32>, vector<16xf32>, vector<16xf32>, vector<16xf32>, vector<16xf32>, vector<16xf32>, vector<16xf32>, vector<16xf32>)  : i32 {
          %get3A_151 = arith.constant 0 : i32
          %get3A_152 = arith.index_cast %get3A_151 : i32 to index
          %get3A_153 = arith.index_cast %while3A_134 : i32 to index
          %get3A_154 = arith.constant 0 : index
          %get3A_155 = tpu.vector_load %arg6[%get3A_152, %get3A_153, %get3A_154] {strides = array<i32>} : memref<2x64x256xf32, #tpu.memory_space<vmem>>, vector<1x1x16xf32>,
          %get3A_156 = vector.shape_cast %get3A_155 : vector<1x1x16xf32> to vector<16xf32>
          %add3A_157 = arith.addf %while3A_135, %get3A_156 : vector<16xf32>
          %get3A_158 = arith.constant 0 : i32
          %get3A_159 = arith.index_cast %get3A_158 : i32 to index
          %get3A_160 = arith.index_cast %while3A_134 : i32 to index
          %get3A_161 = arith.constant 16 : index
          %get3A_162 = tpu.vector_load %arg6[%get3A_159, %get3A_160, %get3A_161] {strides = array<i32>} : memref<2x64x256xf32, #tpu.memory_space<vmem>>, vector<1x1x16xf32>,
          %get3A_163 = vector.shape_cast %get3A_162 : vector<1x1x16xf32> to vector<16xf32>
          %add3A_164 = arith.addf %while3A_136, %get3A_163 : vector<16xf32>
          %get3A_165 = arith.constant 0 : i32
          %get3A_166 = arith.index_cast %get3A_165 : i32 to index
          %get3A_167 = arith.index_cast %while3A_134 : i32 to index
          %get3A_168 = arith.constant 32 : index
          %get3A_169 = tpu.vector_load %arg6[%get3A_166, %get3A_167, %get3A_168] {strides = array<i32>} : memref<2x64x256xf32, #tpu.memory_space<vmem>>, vector<1x1x16xf32>,
          %get3A_170 = vector.shape_cast %get3A_169 : vector<1x1x16xf32> to vector<16xf32>
          %add3A_171 = arith.addf %while3A_137, %get3A_170 : vector<16xf32>
          %get3A_172 = arith.constant 0 : i32
          %get3A_173 = arith.index_cast %get3A_172 : i32 to index
          %get3A_174 = arith.index_cast %while3A_134 : i32 to index
          %get3A_175 = arith.constant 48 : index
          %get3A_176 = tpu.vector_load %arg6[%get3A_173, %get3A_174, %get3A_175] {strides = array<i32>} : memref<2x64x256xf32, #tpu.memory_space<vmem>>, vector<1x1x16xf32>,
          %get3A_177 = vector.shape_cast %get3A_176 : vector<1x1x16xf32> to vector<16xf32>
          %add3A_178 = arith.addf %while3A_138, %get3A_177 : vector<16xf32>
          %get3A_179 = arith.constant 0 : i32
          %get3A_180 = arith.index_cast %get3A_179 : i32 to index
          %get3A_181 = arith.index_cast %while3A_134 : i32 to index
          %get3A_182 = arith.constant 64 : index
          %get3A_183 = tpu.vector_load %arg6[%get3A_180, %get3A_181, %get3A_182] {strides = array<i32>} : memref<2x64x256xf32, #tpu.memory_space<vmem>>, vector<1x1x16xf32>,
          %get3A_184 = vector.shape_cast %get3A_183 : vector<1x1x16xf32> to vector<16xf32>
          %add3A_185 = arith.addf %while3A_139, %get3A_184 : vector<16xf32>
          %get3A_186 = arith.constant 0 : i32
          %get3A_187 = arith.index_cast %get3A_186 : i32 to index
          %get3A_188 = arith.index_cast %while3A_134 : i32 to index
          %get3A_189 = arith.constant 80 : index
          %get3A_190 = tpu.vector_load %arg6[%get3A_187, %get3A_188, %get3A_189] {strides = array<i32>} : memref<2x64x256xf32, #tpu.memory_space<vmem>>, vector<1x1x16xf32>,
          %get3A_191 = vector.shape_cast %get3A_190 : vector<1x1x16xf32> to vector<16xf32>
          %add3A_192 = arith.addf %while3A_140, %get3A_191 : vector<16xf32>
          %get3A_193 = arith.constant 0 : i32
          %get3A_194 = arith.index_cast %get3A_193 : i32 to index
          %get3A_195 = arith.index_cast %while3A_134 : i32 to index
          %get3A_196 = arith.constant 96 : index
          %get3A_197 = tpu.vector_load %arg6[%get3A_194, %get3A_195, %get3A_196] {strides = array<i32>} : memref<2x64x256xf32, #tpu.memory_space<vmem>>, vector<1x1x16xf32>,
          %get3A_198 = vector.shape_cast %get3A_197 : vector<1x1x16xf32> to vector<16xf32>
          %add3A_199 = arith.addf %while3A_141, %get3A_198 : vector<16xf32>
          %get3A_200 = arith.constant 0 : i32
          %get3A_201 = arith.index_cast %get3A_200 : i32 to index
          %get3A_202 = arith.index_cast %while3A_134 : i32 to index
          %get3A_203 = arith.constant 112 : index
          %get3A_204 = tpu.vector_load %arg6[%get3A_201, %get3A_202, %get3A_203] {strides = array<i32>} : memref<2x64x256xf32, #tpu.memory_space<vmem>>, vector<1x1x16xf32>,
          %get3A_205 = vector.shape_cast %get3A_204 : vector<1x1x16xf32> to vector<16xf32>
          %add3A_206 = arith.addf %while3A_142, %get3A_205 : vector<16xf32>
          %get3A_207 = arith.constant 0 : i32
          %get3A_208 = arith.index_cast %get3A_207 : i32 to index
          %get3A_209 = arith.index_cast %while3A_134 : i32 to index
          %get3A_210 = arith.constant 128 : index
          %get3A_211 = tpu.vector_load %arg6[%get3A_208, %get3A_209, %get3A_210] {strides = array<i32>} : memref<2x64x256xf32, #tpu.memory_space<vmem>>, vector<1x1x16xf32>,
          %get3A_212 = vector.shape_cast %get3A_211 : vector<1x1x16xf32> to vector<16xf32>
          %add3A_213 = arith.addf %while3A_143, %get3A_212 : vector<16xf32>
          %get3A_214 = arith.constant 0 : i32
          %get3A_215 = arith.index_cast %get3A_214 : i32 to index
          %get3A_216 = arith.index_cast %while3A_134 : i32 to index
          %get3A_217 = arith.constant 144 : index
          %get3A_218 = tpu.vector_load %arg6[%get3A_215, %get3A_216, %get3A_217] {strides = array<i32>} : memref<2x64x256xf32, #tpu.memory_space<vmem>>, vector<1x1x16xf32>,
          %get3A_219 = vector.shape_cast %get3A_218 : vector<1x1x16xf32> to vector<16xf32>
          %add3A_220 = arith.addf %while3A_144, %get3A_219 : vector<16xf32>
          %get3A_221 = arith.constant 0 : i32
          %get3A_222 = arith.index_cast %get3A_221 : i32 to index
          %get3A_223 = arith.index_cast %while3A_134 : i32 to index
          %get3A_224 = arith.constant 160 : index
          %get3A_225 = tpu.vector_load %arg6[%get3A_222, %get3A_223, %get3A_224] {strides = array<i32>} : memref<2x64x256xf32, #tpu.memory_space<vmem>>, vector<1x1x16xf32>,
          %get3A_226 = vector.shape_cast %get3A_225 : vector<1x1x16xf32> to vector<16xf32>
          %add3A_227 = arith.addf %while3A_145, %get3A_226 : vector<16xf32>
          %get3A_228 = arith.constant 0 : i32
          %get3A_229 = arith.index_cast %get3A_228 : i32 to index
          %get3A_230 = arith.index_cast %while3A_134 : i32 to index
          %get3A_231 = arith.constant 176 : index
          %get3A_232 = tpu.vector_load %arg6[%get3A_229, %get3A_230, %get3A_231] {strides = array<i32>} : memref<2x64x256xf32, #tpu.memory_space<vmem>>, vector<1x1x16xf32>,
          %get3A_233 = vector.shape_cast %get3A_232 : vector<1x1x16xf32> to vector<16xf32>
          %add3A_234 = arith.addf %while3A_146, %get3A_233 : vector<16xf32>
          %get3A_235 = arith.constant 0 : i32
          %get3A_236 = arith.index_cast %get3A_235 : i32 to index
          %get3A_237 = arith.index_cast %while3A_134 : i32 to index
          %get3A_238 = arith.constant 192 : index
          %get3A_239 = tpu.vector_load %arg6[%get3A_236, %get3A_237, %get3A_238] {strides = array<i32>} : memref<2x64x256xf32, #tpu.memory_space<vmem>>, vector<1x1x16xf32>,
          %get3A_240 = vector.shape_cast %get3A_239 : vector<1x1x16xf32> to vector<16xf32>
          %add3A_241 = arith.addf %while3A_147, %get3A_240 : vector<16xf32>
          %get3A_242 = arith.constant 0 : i32
          %get3A_243 = arith.index_cast %get3A_242 : i32 to index
          %get3A_244 = arith.index_cast %while3A_134 : i32 to index
          %get3A_245 = arith.constant 208 : index
          %get3A_246 = tpu.vector_load %arg6[%get3A_243, %get3A_244, %get3A_245] {strides = array<i32>} : memref<2x64x256xf32, #tpu.memory_space<vmem>>, vector<1x1x16xf32>,
          %get3A_247 = vector.shape_cast %get3A_246 : vector<1x1x16xf32> to vector<16xf32>
          %add3A_248 = arith.addf %while3A_148, %get3A_247 : vector<16xf32>
          %get3A_249 = arith.constant 0 : i32
          %get3A_250 = arith.index_cast %get3A_249 : i32 to index
          %get3A_251 = arith.index_cast %while3A_134 : i32 to index
          %get3A_252 = arith.constant 224 : index
          %get3A_253 = tpu.vector_load %arg6[%get3A_250, %get3A_251, %get3A_252] {strides = array<i32>} : memref<2x64x256xf32, #tpu.memory_space<vmem>>, vector<1x1x16xf32>,
          %get3A_254 = vector.shape_cast %get3A_253 : vector<1x1x16xf32> to vector<16xf32>
          %add3A_255 = arith.addf %while3A_149, %get3A_254 : vector<16xf32>
          %get3A_256 = arith.constant 0 : i32
          %get3A_257 = arith.index_cast %get3A_256 : i32 to index
          %get3A_258 = arith.index_cast %while3A_134 : i32 to index
          %get3A_259 = arith.constant 240 : index
          %get3A_260 = tpu.vector_load %arg6[%get3A_257, %get3A_258, %get3A_259] {strides = array<i32>} : memref<2x64x256xf32, #tpu.memory_space<vmem>>, vector<1x1x16xf32>,
          %get3A_261 = vector.shape_cast %get3A_260 : vector<1x1x16xf32> to vector<16xf32>
          %add3A_262 = arith.addf %while3A_150, %get3A_261 : vector<16xf32>
          scf.yield %add3A_157, %add3A_164, %add3A_171, %add3A_178, %add3A_185, %add3A_192, %add3A_199, %add3A_206, %add3A_213, %add3A_220, %add3A_227, %add3A_234, %add3A_241, %add3A_248, %add3A_255, %add3A_262 : vector<16xf32>, vector<16xf32>, vector<16xf32>, vector<16xf32>, vector<16xf32>, vector<16xf32>, vector<16xf32>, vector<16xf32>, vector<16xf32>, vector<16xf32>, vector<16xf32>, vector<16xf32>, vector<16xf32>, vector<16xf32>, vector<16xf32>, vector<16xf32>
        }
        %gt3A_130 = arith.cmpi sgt, %sub3A_119, %sub3A_117 : i32
        %convert_element_type3A_131 = arith.extui %gt3A_130 : i1 to i32
        %cond3A_132 = arith.constant 0 : i32
        %cond3A_133 = arith.cmpi ne, %convert_element_type3A_131, %cond3A_132 : i32
        scf.if %cond3A_133 {
          %swap3A = arith.index_cast %scan3A_109 : i32 to index
          %swap3A_134 = arith.constant 0 : index
          %swap3A_135 = tpu.vector_load %arg7[%swap3A, %swap3A_134] {strides = array<i32>} : memref<16x256xf32, #tpu.memory_space<vmem>>, vector<1x16xf32>,
          %swap3A_136 = vector.shape_cast %swap3A_135 : vector<1x16xf32> to vector<16xf32>
          %swap3A_137 = vector.shape_cast %while3A_129#0 : vector<16xf32> to vector<1x16xf32>
          tpu.vector_store %arg7[%swap3A, %swap3A_134], %swap3A_137 {add = true, strides = array<i32>} : memref<16x256xf32, #tpu.memory_space<vmem>>, vector<1x16xf32>,
          %swap3A_138 = arith.index_cast %scan3A_109 : i32 to index
          %swap3A_139 = arith.constant 16 : index
          %swap3A_140 = tpu.vector_load %arg7[%swap3A_138, %swap3A_139] {strides = array<i32>} : memref<16x256xf32, #tpu.memory_space<vmem>>, vector<1x16xf32>,
          %swap3A_141 = vector.shape_cast %swap3A_140 : vector<1x16xf32> to vector<16xf32>
          %swap3A_142 = vector.shape_cast %while3A_129#1 : vector<16xf32> to vector<1x16xf32>
          tpu.vector_store %arg7[%swap3A_138, %swap3A_139], %swap3A_142 {add = true, strides = array<i32>} : memref<16x256xf32, #tpu.memory_space<vmem>>, vector<1x16xf32>,
          %swap3A_143 = arith.index_cast %scan3A_109 : i32 to index
          %swap3A_144 = arith.constant 32 : index
          %swap3A_145 = tpu.vector_load %arg7[%swap3A_143, %swap3A_144] {strides = array<i32>} : memref<16x256xf32, #tpu.memory_space<vmem>>, vector<1x16xf32>,
          %swap3A_146 = vector.shape_cast %swap3A_145 : vector<1x16xf32> to vector<16xf32>
          %swap3A_147 = vector.shape_cast %while3A_129#2 : vector<16xf32> to vector<1x16xf32>
          tpu.vector_store %arg7[%swap3A_143, %swap3A_144], %swap3A_147 {add = true, strides = array<i32>} : memref<16x256xf32, #tpu.memory_space<vmem>>, vector<1x16xf32>,
          %swap3A_148 = arith.index_cast %scan3A_109 : i32 to index
          %swap3A_149 = arith.constant 48 : index
          %swap3A_150 = tpu.vector_load %arg7[%swap3A_148, %swap3A_149] {strides = array<i32>} : memref<16x256xf32, #tpu.memory_space<vmem>>, vector<1x16xf32>,
          %swap3A_151 = vector.shape_cast %swap3A_150 : vector<1x16xf32> to vector<16xf32>
          %swap3A_152 = vector.shape_cast %while3A_129#3 : vector<16xf32> to vector<1x16xf32>
          tpu.vector_store %arg7[%swap3A_148, %swap3A_149], %swap3A_152 {add = true, strides = array<i32>} : memref<16x256xf32, #tpu.memory_space<vmem>>, vector<1x16xf32>,
          %swap3A_153 = arith.index_cast %scan3A_109 : i32 to index
          %swap3A_154 = arith.constant 64 : index
          %swap3A_155 = tpu.vector_load %arg7[%swap3A_153, %swap3A_154] {strides = array<i32>} : memref<16x256xf32, #tpu.memory_space<vmem>>, vector<1x16xf32>,
          %swap3A_156 = vector.shape_cast %swap3A_155 : vector<1x16xf32> to vector<16xf32>
          %swap3A_157 = vector.shape_cast %while3A_129#4 : vector<16xf32> to vector<1x16xf32>
          tpu.vector_store %arg7[%swap3A_153, %swap3A_154], %swap3A_157 {add = true, strides = array<i32>} : memref<16x256xf32, #tpu.memory_space<vmem>>, vector<1x16xf32>,
          %swap3A_158 = arith.index_cast %scan3A_109 : i32 to index
          %swap3A_159 = arith.constant 80 : index
          %swap3A_160 = tpu.vector_load %arg7[%swap3A_158, %swap3A_159] {strides = array<i32>} : memref<16x256xf32, #tpu.memory_space<vmem>>, vector<1x16xf32>,
          %swap3A_161 = vector.shape_cast %swap3A_160 : vector<1x16xf32> to vector<16xf32>
          %swap3A_162 = vector.shape_cast %while3A_129#5 : vector<16xf32> to vector<1x16xf32>
          tpu.vector_store %arg7[%swap3A_158, %swap3A_159], %swap3A_162 {add = true, strides = array<i32>} : memref<16x256xf32, #tpu.memory_space<vmem>>, vector<1x16xf32>,
          %swap3A_163 = arith.index_cast %scan3A_109 : i32 to index
          %swap3A_164 = arith.constant 96 : index
          %swap3A_165 = tpu.vector_load %arg7[%swap3A_163, %swap3A_164] {strides = array<i32>} : memref<16x256xf32, #tpu.memory_space<vmem>>, vector<1x16xf32>,
          %swap3A_166 = vector.shape_cast %swap3A_165 : vector<1x16xf32> to vector<16xf32>
          %swap3A_167 = vector.shape_cast %while3A_129#6 : vector<16xf32> to vector<1x16xf32>
          tpu.vector_store %arg7[%swap3A_163, %swap3A_164], %swap3A_167 {add = true, strides = array<i32>} : memref<16x256xf32, #tpu.memory_space<vmem>>, vector<1x16xf32>,
          %swap3A_168 = arith.index_cast %scan3A_109 : i32 to index
          %swap3A_169 = arith.constant 112 : index
          %swap3A_170 = tpu.vector_load %arg7[%swap3A_168, %swap3A_169] {strides = array<i32>} : memref<16x256xf32, #tpu.memory_space<vmem>>, vector<1x16xf32>,
          %swap3A_171 = vector.shape_cast %swap3A_170 : vector<1x16xf32> to vector<16xf32>
          %swap3A_172 = vector.shape_cast %while3A_129#7 : vector<16xf32> to vector<1x16xf32>
          tpu.vector_store %arg7[%swap3A_168, %swap3A_169], %swap3A_172 {add = true, strides = array<i32>} : memref<16x256xf32, #tpu.memory_space<vmem>>, vector<1x16xf32>,
          %swap3A_173 = arith.index_cast %scan3A_109 : i32 to index
          %swap3A_174 = arith.constant 128 : index
          %swap3A_175 = tpu.vector_load %arg7[%swap3A_173, %swap3A_174] {strides = array<i32>} : memref<16x256xf32, #tpu.memory_space<vmem>>, vector<1x16xf32>,
          %swap3A_176 = vector.shape_cast %swap3A_175 : vector<1x16xf32> to vector<16xf32>
          %swap3A_177 = vector.shape_cast %while3A_129#8 : vector<16xf32> to vector<1x16xf32>
          tpu.vector_store %arg7[%swap3A_173, %swap3A_174], %swap3A_177 {add = true, strides = array<i32>} : memref<16x256xf32, #tpu.memory_space<vmem>>, vector<1x16xf32>,
          %swap3A_178 = arith.index_cast %scan3A_109 : i32 to index
          %swap3A_179 = arith.constant 144 : index
          %swap3A_180 = tpu.vector_load %arg7[%swap3A_178, %swap3A_179] {strides = array<i32>} : memref<16x256xf32, #tpu.memory_space<vmem>>, vector<1x16xf32>,
          %swap3A_181 = vector.shape_cast %swap3A_180 : vector<1x16xf32> to vector<16xf32>
          %swap3A_182 = vector.shape_cast %while3A_129#9 : vector<16xf32> to vector<1x16xf32>
          tpu.vector_store %arg7[%swap3A_178, %swap3A_179], %swap3A_182 {add = true, strides = array<i32>} : memref<16x256xf32, #tpu.memory_space<vmem>>, vector<1x16xf32>,
          %swap3A_183 = arith.index_cast %scan3A_109 : i32 to index
          %swap3A_184 = arith.constant 160 : index
          %swap3A_185 = tpu.vector_load %arg7[%swap3A_183, %swap3A_184] {strides = array<i32>} : memref<16x256xf32, #tpu.memory_space<vmem>>, vector<1x16xf32>,
          %swap3A_186 = vector.shape_cast %swap3A_185 : vector<1x16xf32> to vector<16xf32>
          %swap3A_187 = vector.shape_cast %while3A_129#10 : vector<16xf32> to vector<1x16xf32>
          tpu.vector_store %arg7[%swap3A_183, %swap3A_184], %swap3A_187 {add = true, strides = array<i32>} : memref<16x256xf32, #tpu.memory_space<vmem>>, vector<1x16xf32>,
          %swap3A_188 = arith.index_cast %scan3A_109 : i32 to index
          %swap3A_189 = arith.constant 176 : index
          %swap3A_190 = tpu.vector_load %arg7[%swap3A_188, %swap3A_189] {strides = array<i32>} : memref<16x256xf32, #tpu.memory_space<vmem>>, vector<1x16xf32>,
          %swap3A_191 = vector.shape_cast %swap3A_190 : vector<1x16xf32> to vector<16xf32>
          %swap3A_192 = vector.shape_cast %while3A_129#11 : vector<16xf32> to vector<1x16xf32>
          tpu.vector_store %arg7[%swap3A_188, %swap3A_189], %swap3A_192 {add = true, strides = array<i32>} : memref<16x256xf32, #tpu.memory_space<vmem>>, vector<1x16xf32>,
          %swap3A_193 = arith.index_cast %scan3A_109 : i32 to index
          %swap3A_194 = arith.constant 192 : index
          %swap3A_195 = tpu.vector_load %arg7[%swap3A_193, %swap3A_194] {strides = array<i32>} : memref<16x256xf32, #tpu.memory_space<vmem>>, vector<1x16xf32>,
          %swap3A_196 = vector.shape_cast %swap3A_195 : vector<1x16xf32> to vector<16xf32>
          %swap3A_197 = vector.shape_cast %while3A_129#12 : vector<16xf32> to vector<1x16xf32>
          tpu.vector_store %arg7[%swap3A_193, %swap3A_194], %swap3A_197 {add = true, strides = array<i32>} : memref<16x256xf32, #tpu.memory_space<vmem>>, vector<1x16xf32>,
          %swap3A_198 = arith.index_cast %scan3A_109 : i32 to index
          %swap3A_199 = arith.constant 208 : index
          %swap3A_200 = tpu.vector_load %arg7[%swap3A_198, %swap3A_199] {strides = array<i32>} : memref<16x256xf32, #tpu.memory_space<vmem>>, vector<1x16xf32>,
          %swap3A_201 = vector.shape_cast %swap3A_200 : vector<1x16xf32> to vector<16xf32>
          %swap3A_202 = vector.shape_cast %while3A_129#13 : vector<16xf32> to vector<1x16xf32>
          tpu.vector_store %arg7[%swap3A_198, %swap3A_199], %swap3A_202 {add = true, strides = array<i32>} : memref<16x256xf32, #tpu.memory_space<vmem>>, vector<1x16xf32>,
          %swap3A_203 = arith.index_cast %scan3A_109 : i32 to index
          %swap3A_204 = arith.constant 224 : index
          %swap3A_205 = tpu.vector_load %arg7[%swap3A_203, %swap3A_204] {strides = array<i32>} : memref<16x256xf32, #tpu.memory_space<vmem>>, vector<1x16xf32>,
          %swap3A_206 = vector.shape_cast %swap3A_205 : vector<1x16xf32> to vector<16xf32>
          %swap3A_207 = vector.shape_cast %while3A_129#14 : vector<16xf32> to vector<1x16xf32>
          tpu.vector_store %arg7[%swap3A_203, %swap3A_204], %swap3A_207 {add = true, strides = array<i32>} : memref<16x256xf32, #tpu.memory_space<vmem>>, vector<1x16xf32>,
          %swap3A_208 = arith.index_cast %scan3A_109 : i32 to index
          %swap3A_209 = arith.constant 240 : index
          %swap3A_210 = tpu.vector_load %arg7[%swap3A_208, %swap3A_209] {strides = array<i32>} : memref<16x256xf32, #tpu.memory_space<vmem>>, vector<1x16xf32>,
          %swap3A_211 = vector.shape_cast %swap3A_210 : vector<1x16xf32> to vector<16xf32>
          %swap3A_212 = vector.shape_cast %while3A_129#15 : vector<16xf32> to vector<1x16xf32>
          tpu.vector_store %arg7[%swap3A_208, %swap3A_209], %swap3A_212 {add = true, strides = array<i32>} : memref<16x256xf32, #tpu.memory_space<vmem>>, vector<1x16xf32>,
        } else {
        }
        scf.yield %add3A_116 : i32
      }
      %scan3A_81 = arith.constant 16 : i32
      %lt3A_82 = arith.cmpi slt, %add3A_51, %shift_right_arithmetic3A_18 : i32
      %convert_element_type3A_83 = arith.extui %lt3A_82 : i1 to i32
      %cond3A_84 = arith.constant 0 : i32
      %cond3A_85 = arith.cmpi ne, %convert_element_type3A_83, %cond3A_84 : i32
      scf.if %cond3A_85 {
        %dma_wait3A_109 = arith.constant 1 : i32
        %dma_wait3A_110 = arith.constant 0 : i32
        %dma_wait3A_111 = arith.constant 0 : i32
        %dma_wait3A_112 = tpu.memref_slice %arg6[%dma_wait3A_109, %dma_wait3A_110, %dma_wait3A_111] : memref<2x64x256xf32, #tpu.memory_space<vmem>> -> memref<1x64x256xf32, #tpu.memory_space<vmem>>
        %dma_wait3A_113 = tpu.memref_squeeze %dma_wait3A_112 : memref<1x64x256xf32, #tpu.memory_space<vmem>> -> memref<64x256xf32, #tpu.memory_space<vmem>>
        %dma_wait3A_114 = arith.constant 0 : i32
        %dma_wait3A_115 = tpu.memref_slice %arg2[%dma_wait3A_114, %mul3A_0] : memref<16384x512xf32, #tpu.memory_space<hbm>> -> memref<64x256xf32, #tpu.memory_space<hbm>>
        %dma_wait3A_116 = arith.constant 0 : i32
        %dma_wait3A_117 = arith.constant 0 : i32
        %dma_wait3A_118 = tpu.memref_slice %arg6[%dma_wait3A_109, %dma_wait3A_116, %dma_wait3A_117] : memref<2x64x256xf32, #tpu.memory_space<vmem>> -> memref<1x64x256xf32, #tpu.memory_space<vmem>>
        %dma_wait3A_119 = tpu.memref_squeeze %dma_wait3A_118 : memref<1x64x256xf32, #tpu.memory_space<vmem>> -> memref<64x256xf32, #tpu.memory_space<vmem>>
        %dma_wait3A_120 = arith.constant 0 : i32
        %dma_wait3A_121 = tpu.memref_slice %arg2[%dma_wait3A_120, %mul3A_0] : memref<16384x512xf32, #tpu.memory_space<hbm>> -> memref<64x256xf32, #tpu.memory_space<hbm>>
        tpu.wait_dma2 semaphore(%arg9 : memref<!tpu.dma_semaphore, #tpu.memory_space<semaphore_mem>>) src(%dma_wait3A_121 : memref<64x256xf32, #tpu.memory_space<hbm>>) dst(%dma_wait3A_119 : memref<64x256xf32, #tpu.memory_space<vmem>>)
      } else {
      }
      %add3A_86 = arith.constant 1 : i32
      %add3A_87 = arith.addi %add3A_51, %add3A_86 : i32
      %lt3A_88 = arith.cmpi slt, %add3A_87, %shift_right_arithmetic3A_18 : i32
      %convert_element_type3A_89 = arith.extui %lt3A_88 : i1 to i32
      %cond3A_90 = arith.constant 0 : i32
      %cond3A_91 = arith.cmpi ne, %convert_element_type3A_89, %cond3A_90 : i32
      scf.if %cond3A_91 {
        %add3A_109 = arith.constant 1 : i32
        %add3A_110 = arith.addi %add3A_51, %add3A_109 : i32
        %mul3A_111 = arith.constant 64 : i32
        %mul3A_112 = arith.muli %add3A_110, %mul3A_111 : i32
        %add3A_113 = arith.addi %mul3A_6, %mul3A_112 : i32
        %min3A_114 = arith.constant 16320 : i32
        %min3A_115 = arith.minsi %add3A_113, %min3A_114 : i32
        %multiple_of3A = tpu.assume_multiple %min3A_115, 8 : i32
        %dma_start3A = arith.constant 0 : i32
        %dma_start3A_116 = arith.constant 0 : i32
        %dma_start3A_117 = arith.constant 0 : i32
        %dma_start3A_118 = tpu.memref_slice %arg6[%dma_start3A, %dma_start3A_116, %dma_start3A_117] : memref<2x64x256xf32, #tpu.memory_space<vmem>> -> memref<1x64x256xf32, #tpu.memory_space<vmem>>
        %dma_start3A_119 = tpu.memref_squeeze %dma_start3A_118 : memref<1x64x256xf32, #tpu.memory_space<vmem>> -> memref<64x256xf32, #tpu.memory_space<vmem>>
        %dma_start3A_120 = tpu.memref_slice %arg2[%multiple_of3A, %mul3A_0] : memref<16384x512xf32, #tpu.memory_space<hbm>> -> memref<64x256xf32, #tpu.memory_space<hbm>>
        %dma_start3A_121 = arith.constant 0 : i32
        %dma_start3A_122 = arith.constant 0 : i32
        %dma_start3A_123 = tpu.memref_slice %arg6[%dma_start3A, %dma_start3A_121, %dma_start3A_122] : memref<2x64x256xf32, #tpu.memory_space<vmem>> -> memref<1x64x256xf32, #tpu.memory_space<vmem>>
        %dma_start3A_124 = tpu.memref_squeeze %dma_start3A_123 : memref<1x64x256xf32, #tpu.memory_space<vmem>> -> memref<64x256xf32, #tpu.memory_space<vmem>>
        %dma_start3A_125 = tpu.memref_slice %arg2[%multiple_of3A, %mul3A_0] : memref<16384x512xf32, #tpu.memory_space<hbm>> -> memref<64x256xf32, #tpu.memory_space<hbm>>
        tpu.enqueue_dma source(%dma_start3A_125 : memref<64x256xf32, #tpu.memory_space<hbm>>) target(%dma_start3A_124 : memref<64x256xf32, #tpu.memory_space<vmem>>) target_semaphore(%arg8 : memref<!tpu.dma_semaphore, #tpu.memory_space<semaphore_mem>>)
      } else {
      }
      %mul3A_92 = arith.constant 64 : i32
      %mul3A_93 = arith.muli %add3A_51, %mul3A_92 : i32
      %add3A_94 = arith.addi %mul3A_6, %mul3A_93 : i32
      %min3A_95 = arith.constant 16320 : i32
      %min3A_96 = arith.minsi %add3A_94, %min3A_95 : i32
      %lt3A_97 = arith.cmpi slt, %add3A_51, %shift_right_arithmetic3A_18 : i32
      %select_n3A_98 = arith.select %lt3A_97, %add3A_94, %while3A_25 : i32
      %add3A_99 = arith.constant 64 : i32
      %add3A_100 = arith.addi %add3A_94, %add3A_99 : i32
      %min3A_101 = arith.minsi %add3A_100, %add3A_7 : i32
      %select_n3A_102 = arith.select %lt3A_97, %min3A_101, %while3A_25 : i32
      %scan3A_103 = arith.constant 0 : i32
      %scan3A_104 = arith.constant 16 : i32
      %scan3A_105 = arith.addi %scan3A_103, %scan3A_104 : i32
      %scan3A_106 = arith.constant 1 : i32
      %scan3A_107 = scf.for %scan3A_109 = %scan3A_103 to %scan3A_105 step %scan3A_106 iter_args(%scan3A_110 = %while3A_25) -> (i32)  : i32 {
        %get3A_111 = arith.index_cast %scan3A_109 : i32 to index
        %get3A_112 = tpu.vector_load %arg5[%get3A_111] {strides = array<i32>} : memref<32xi32, #tpu.memory_space<vmem>>, vector<16xi32>,
        %get3A_113 = vector.shape_cast %get3A_112 : vector<16xi32> to vector<16xi32>
        %slice3A_114 = vector.extract_strided_slice %get3A_113 {offsets = [0], sizes = [1], strides = [1]} : vector<16xi32> to vector<1xi32>
        %squeeze3A_115 = vector.extract %slice3A_114[0] : i32 from vector<1xi32>
        %add3A_116 = arith.addi %scan3A_110, %squeeze3A_115 : i32
        %max3A = arith.maxsi %scan3A_110, %select_n3A_98 : i32
        %sub3A_117 = arith.subi %max3A, %min3A_96 : i32
        %min3A_118 = arith.minsi %add3A_116, %select_n3A_102 : i32
        %sub3A_119 = arith.subi %min3A_118, %min3A_96 : i32
        %while3A_120 = arith.subi %sub3A_119, %sub3A_117 : i32
        %while3A_121 = arith.addi %sub3A_117, %while3A_120 : i32
        %while3A_122 = arith.constant 1 : i32
        %while3A_123 = arith.divsi %while3A_120, %while3A_122 : i32
        %while3A_124 = arith.muli %while3A_123, %while3A_122 : i32
        %while3A_125 = arith.addi %sub3A_117, %while3A_124 : i32
        %while3A_126 = arith.constant 1 : i32
        %while3A_127:16 = scf.for %while3A_134 = %sub3A_117 to %while3A_125 step %while3A_126 iter_args(%while3A_135 = %broadcast_in_dim3A_8, %while3A_136 = %broadcast_in_dim3A_8, %while3A_137 = %broadcast_in_dim3A_8, %while3A_138 = %broadcast_in_dim3A_8, %while3A_139 = %broadcast_in_dim3A_8, %while3A_140 = %broadcast_in_dim3A_8, %while3A_141 = %broadcast_in_dim3A_8, %while3A_142 = %broadcast_in_dim3A_8, %while3A_143 = %broadcast_in_dim3A_8, %while3A_144 = %broadcast_in_dim3A_8, %while3A_145 = %broadcast_in_dim3A_8, %while3A_146 = %broadcast_in_dim3A_8, %while3A_147 = %broadcast_in_dim3A_8, %while3A_148 = %broadcast_in_dim3A_8, %while3A_149 = %broadcast_in_dim3A_8, %while3A_150 = %broadcast_in_dim3A_8) -> (vector<16xf32>, vector<16xf32>, vector<16xf32>, vector<16xf32>, vector<16xf32>, vector<16xf32>, vector<16xf32>, vector<16xf32>, vector<16xf32>, vector<16xf32>, vector<16xf32>, vector<16xf32>, vector<16xf32>, vector<16xf32>, vector<16xf32>, vector<16xf32>)  : i32 {
          %get3A_151 = arith.constant 1 : i32
          %get3A_152 = arith.index_cast %get3A_151 : i32 to index
          %get3A_153 = arith.index_cast %while3A_134 : i32 to index
          %get3A_154 = arith.constant 0 : index
          %get3A_155 = tpu.vector_load %arg6[%get3A_152, %get3A_153, %get3A_154] {strides = array<i32>} : memref<2x64x256xf32, #tpu.memory_space<vmem>>, vector<1x1x16xf32>,
          %get3A_156 = vector.shape_cast %get3A_155 : vector<1x1x16xf32> to vector<16xf32>
          %add3A_157 = arith.addf %while3A_135, %get3A_156 : vector<16xf32>
          %get3A_158 = arith.constant 1 : i32
          %get3A_159 = arith.index_cast %get3A_158 : i32 to index
          %get3A_160 = arith.index_cast %while3A_134 : i32 to index
          %get3A_161 = arith.constant 16 : index
          %get3A_162 = tpu.vector_load %arg6[%get3A_159, %get3A_160, %get3A_161] {strides = array<i32>} : memref<2x64x256xf32, #tpu.memory_space<vmem>>, vector<1x1x16xf32>,
          %get3A_163 = vector.shape_cast %get3A_162 : vector<1x1x16xf32> to vector<16xf32>
          %add3A_164 = arith.addf %while3A_136, %get3A_163 : vector<16xf32>
          %get3A_165 = arith.constant 1 : i32
          %get3A_166 = arith.index_cast %get3A_165 : i32 to index
          %get3A_167 = arith.index_cast %while3A_134 : i32 to index
          %get3A_168 = arith.constant 32 : index
          %get3A_169 = tpu.vector_load %arg6[%get3A_166, %get3A_167, %get3A_168] {strides = array<i32>} : memref<2x64x256xf32, #tpu.memory_space<vmem>>, vector<1x1x16xf32>,
          %get3A_170 = vector.shape_cast %get3A_169 : vector<1x1x16xf32> to vector<16xf32>
          %add3A_171 = arith.addf %while3A_137, %get3A_170 : vector<16xf32>
          %get3A_172 = arith.constant 1 : i32
          %get3A_173 = arith.index_cast %get3A_172 : i32 to index
          %get3A_174 = arith.index_cast %while3A_134 : i32 to index
          %get3A_175 = arith.constant 48 : index
          %get3A_176 = tpu.vector_load %arg6[%get3A_173, %get3A_174, %get3A_175] {strides = array<i32>} : memref<2x64x256xf32, #tpu.memory_space<vmem>>, vector<1x1x16xf32>,
          %get3A_177 = vector.shape_cast %get3A_176 : vector<1x1x16xf32> to vector<16xf32>
          %add3A_178 = arith.addf %while3A_138, %get3A_177 : vector<16xf32>
          %get3A_179 = arith.constant 1 : i32
          %get3A_180 = arith.index_cast %get3A_179 : i32 to index
          %get3A_181 = arith.index_cast %while3A_134 : i32 to index
          %get3A_182 = arith.constant 64 : index
          %get3A_183 = tpu.vector_load %arg6[%get3A_180, %get3A_181, %get3A_182] {strides = array<i32>} : memref<2x64x256xf32, #tpu.memory_space<vmem>>, vector<1x1x16xf32>,
          %get3A_184 = vector.shape_cast %get3A_183 : vector<1x1x16xf32> to vector<16xf32>
          %add3A_185 = arith.addf %while3A_139, %get3A_184 : vector<16xf32>
          %get3A_186 = arith.constant 1 : i32
          %get3A_187 = arith.index_cast %get3A_186 : i32 to index
          %get3A_188 = arith.index_cast %while3A_134 : i32 to index
          %get3A_189 = arith.constant 80 : index
          %get3A_190 = tpu.vector_load %arg6[%get3A_187, %get3A_188, %get3A_189] {strides = array<i32>} : memref<2x64x256xf32, #tpu.memory_space<vmem>>, vector<1x1x16xf32>,
          %get3A_191 = vector.shape_cast %get3A_190 : vector<1x1x16xf32> to vector<16xf32>
          %add3A_192 = arith.addf %while3A_140, %get3A_191 : vector<16xf32>
          %get3A_193 = arith.constant 1 : i32
          %get3A_194 = arith.index_cast %get3A_193 : i32 to index
          %get3A_195 = arith.index_cast %while3A_134 : i32 to index
          %get3A_196 = arith.constant 96 : index
          %get3A_197 = tpu.vector_load %arg6[%get3A_194, %get3A_195, %get3A_196] {strides = array<i32>} : memref<2x64x256xf32, #tpu.memory_space<vmem>>, vector<1x1x16xf32>,
          %get3A_198 = vector.shape_cast %get3A_197 : vector<1x1x16xf32> to vector<16xf32>
          %add3A_199 = arith.addf %while3A_141, %get3A_198 : vector<16xf32>
          %get3A_200 = arith.constant 1 : i32
          %get3A_201 = arith.index_cast %get3A_200 : i32 to index
          %get3A_202 = arith.index_cast %while3A_134 : i32 to index
          %get3A_203 = arith.constant 112 : index
          %get3A_204 = tpu.vector_load %arg6[%get3A_201, %get3A_202, %get3A_203] {strides = array<i32>} : memref<2x64x256xf32, #tpu.memory_space<vmem>>, vector<1x1x16xf32>,
          %get3A_205 = vector.shape_cast %get3A_204 : vector<1x1x16xf32> to vector<16xf32>
          %add3A_206 = arith.addf %while3A_142, %get3A_205 : vector<16xf32>
          %get3A_207 = arith.constant 1 : i32
          %get3A_208 = arith.index_cast %get3A_207 : i32 to index
          %get3A_209 = arith.index_cast %while3A_134 : i32 to index
          %get3A_210 = arith.constant 128 : index
          %get3A_211 = tpu.vector_load %arg6[%get3A_208, %get3A_209, %get3A_210] {strides = array<i32>} : memref<2x64x256xf32, #tpu.memory_space<vmem>>, vector<1x1x16xf32>,
          %get3A_212 = vector.shape_cast %get3A_211 : vector<1x1x16xf32> to vector<16xf32>
          %add3A_213 = arith.addf %while3A_143, %get3A_212 : vector<16xf32>
          %get3A_214 = arith.constant 1 : i32
          %get3A_215 = arith.index_cast %get3A_214 : i32 to index
          %get3A_216 = arith.index_cast %while3A_134 : i32 to index
          %get3A_217 = arith.constant 144 : index
          %get3A_218 = tpu.vector_load %arg6[%get3A_215, %get3A_216, %get3A_217] {strides = array<i32>} : memref<2x64x256xf32, #tpu.memory_space<vmem>>, vector<1x1x16xf32>,
          %get3A_219 = vector.shape_cast %get3A_218 : vector<1x1x16xf32> to vector<16xf32>
          %add3A_220 = arith.addf %while3A_144, %get3A_219 : vector<16xf32>
          %get3A_221 = arith.constant 1 : i32
          %get3A_222 = arith.index_cast %get3A_221 : i32 to index
          %get3A_223 = arith.index_cast %while3A_134 : i32 to index
          %get3A_224 = arith.constant 160 : index
          %get3A_225 = tpu.vector_load %arg6[%get3A_222, %get3A_223, %get3A_224] {strides = array<i32>} : memref<2x64x256xf32, #tpu.memory_space<vmem>>, vector<1x1x16xf32>,
          %get3A_226 = vector.shape_cast %get3A_225 : vector<1x1x16xf32> to vector<16xf32>
          %add3A_227 = arith.addf %while3A_145, %get3A_226 : vector<16xf32>
          %get3A_228 = arith.constant 1 : i32
          %get3A_229 = arith.index_cast %get3A_228 : i32 to index
          %get3A_230 = arith.index_cast %while3A_134 : i32 to index
          %get3A_231 = arith.constant 176 : index
          %get3A_232 = tpu.vector_load %arg6[%get3A_229, %get3A_230, %get3A_231] {strides = array<i32>} : memref<2x64x256xf32, #tpu.memory_space<vmem>>, vector<1x1x16xf32>,
          %get3A_233 = vector.shape_cast %get3A_232 : vector<1x1x16xf32> to vector<16xf32>
          %add3A_234 = arith.addf %while3A_146, %get3A_233 : vector<16xf32>
          %get3A_235 = arith.constant 1 : i32
          %get3A_236 = arith.index_cast %get3A_235 : i32 to index
          %get3A_237 = arith.index_cast %while3A_134 : i32 to index
          %get3A_238 = arith.constant 192 : index
          %get3A_239 = tpu.vector_load %arg6[%get3A_236, %get3A_237, %get3A_238] {strides = array<i32>} : memref<2x64x256xf32, #tpu.memory_space<vmem>>, vector<1x1x16xf32>,
          %get3A_240 = vector.shape_cast %get3A_239 : vector<1x1x16xf32> to vector<16xf32>
          %add3A_241 = arith.addf %while3A_147, %get3A_240 : vector<16xf32>
          %get3A_242 = arith.constant 1 : i32
          %get3A_243 = arith.index_cast %get3A_242 : i32 to index
          %get3A_244 = arith.index_cast %while3A_134 : i32 to index
          %get3A_245 = arith.constant 208 : index
          %get3A_246 = tpu.vector_load %arg6[%get3A_243, %get3A_244, %get3A_245] {strides = array<i32>} : memref<2x64x256xf32, #tpu.memory_space<vmem>>, vector<1x1x16xf32>,
          %get3A_247 = vector.shape_cast %get3A_246 : vector<1x1x16xf32> to vector<16xf32>
          %add3A_248 = arith.addf %while3A_148, %get3A_247 : vector<16xf32>
          %get3A_249 = arith.constant 1 : i32
          %get3A_250 = arith.index_cast %get3A_249 : i32 to index
          %get3A_251 = arith.index_cast %while3A_134 : i32 to index
          %get3A_252 = arith.constant 224 : index
          %get3A_253 = tpu.vector_load %arg6[%get3A_250, %get3A_251, %get3A_252] {strides = array<i32>} : memref<2x64x256xf32, #tpu.memory_space<vmem>>, vector<1x1x16xf32>,
          %get3A_254 = vector.shape_cast %get3A_253 : vector<1x1x16xf32> to vector<16xf32>
          %add3A_255 = arith.addf %while3A_149, %get3A_254 : vector<16xf32>
          %get3A_256 = arith.constant 1 : i32
          %get3A_257 = arith.index_cast %get3A_256 : i32 to index
          %get3A_258 = arith.index_cast %while3A_134 : i32 to index
          %get3A_259 = arith.constant 240 : index
          %get3A_260 = tpu.vector_load %arg6[%get3A_257, %get3A_258, %get3A_259] {strides = array<i32>} : memref<2x64x256xf32, #tpu.memory_space<vmem>>, vector<1x1x16xf32>,
          %get3A_261 = vector.shape_cast %get3A_260 : vector<1x1x16xf32> to vector<16xf32>
          %add3A_262 = arith.addf %while3A_150, %get3A_261 : vector<16xf32>
          scf.yield %add3A_157, %add3A_164, %add3A_171, %add3A_178, %add3A_185, %add3A_192, %add3A_199, %add3A_206, %add3A_213, %add3A_220, %add3A_227, %add3A_234, %add3A_241, %add3A_248, %add3A_255, %add3A_262 : vector<16xf32>, vector<16xf32>, vector<16xf32>, vector<16xf32>, vector<16xf32>, vector<16xf32>, vector<16xf32>, vector<16xf32>, vector<16xf32>, vector<16xf32>, vector<16xf32>, vector<16xf32>, vector<16xf32>, vector<16xf32>, vector<16xf32>, vector<16xf32>
        }
        %while3A_128 = arith.constant 1 : i32
        %while3A_129:16 = scf.for %while3A_134 = %while3A_125 to %while3A_121 step %while3A_128 iter_args(%while3A_135 = %while3A_127#0, %while3A_136 = %while3A_127#1, %while3A_137 = %while3A_127#2, %while3A_138 = %while3A_127#3, %while3A_139 = %while3A_127#4, %while3A_140 = %while3A_127#5, %while3A_141 = %while3A_127#6, %while3A_142 = %while3A_127#7, %while3A_143 = %while3A_127#8, %while3A_144 = %while3A_127#9, %while3A_145 = %while3A_127#10, %while3A_146 = %while3A_127#11, %while3A_147 = %while3A_127#12, %while3A_148 = %while3A_127#13, %while3A_149 = %while3A_127#14, %while3A_150 = %while3A_127#15) -> (vector<16xf32>, vector<16xf32>, vector<16xf32>, vector<16xf32>, vector<16xf32>, vector<16xf32>, vector<16xf32>, vector<16xf32>, vector<16xf32>, vector<16xf32>, vector<16xf32>, vector<16xf32>, vector<16xf32>, vector<16xf32>, vector<16xf32>, vector<16xf32>)  : i32 {
          %get3A_151 = arith.constant 1 : i32
          %get3A_152 = arith.index_cast %get3A_151 : i32 to index
          %get3A_153 = arith.index_cast %while3A_134 : i32 to index
          %get3A_154 = arith.constant 0 : index
          %get3A_155 = tpu.vector_load %arg6[%get3A_152, %get3A_153, %get3A_154] {strides = array<i32>} : memref<2x64x256xf32, #tpu.memory_space<vmem>>, vector<1x1x16xf32>,
          %get3A_156 = vector.shape_cast %get3A_155 : vector<1x1x16xf32> to vector<16xf32>
          %add3A_157 = arith.addf %while3A_135, %get3A_156 : vector<16xf32>
          %get3A_158 = arith.constant 1 : i32
          %get3A_159 = arith.index_cast %get3A_158 : i32 to index
          %get3A_160 = arith.index_cast %while3A_134 : i32 to index
          %get3A_161 = arith.constant 16 : index
          %get3A_162 = tpu.vector_load %arg6[%get3A_159, %get3A_160, %get3A_161] {strides = array<i32>} : memref<2x64x256xf32, #tpu.memory_space<vmem>>, vector<1x1x16xf32>,
          %get3A_163 = vector.shape_cast %get3A_162 : vector<1x1x16xf32> to vector<16xf32>
          %add3A_164 = arith.addf %while3A_136, %get3A_163 : vector<16xf32>
          %get3A_165 = arith.constant 1 : i32
          %get3A_166 = arith.index_cast %get3A_165 : i32 to index
          %get3A_167 = arith.index_cast %while3A_134 : i32 to index
          %get3A_168 = arith.constant 32 : index
          %get3A_169 = tpu.vector_load %arg6[%get3A_166, %get3A_167, %get3A_168] {strides = array<i32>} : memref<2x64x256xf32, #tpu.memory_space<vmem>>, vector<1x1x16xf32>,
          %get3A_170 = vector.shape_cast %get3A_169 : vector<1x1x16xf32> to vector<16xf32>
          %add3A_171 = arith.addf %while3A_137, %get3A_170 : vector<16xf32>
          %get3A_172 = arith.constant 1 : i32
          %get3A_173 = arith.index_cast %get3A_172 : i32 to index
          %get3A_174 = arith.index_cast %while3A_134 : i32 to index
          %get3A_175 = arith.constant 48 : index
          %get3A_176 = tpu.vector_load %arg6[%get3A_173, %get3A_174, %get3A_175] {strides = array<i32>} : memref<2x64x256xf32, #tpu.memory_space<vmem>>, vector<1x1x16xf32>,
          %get3A_177 = vector.shape_cast %get3A_176 : vector<1x1x16xf32> to vector<16xf32>
          %add3A_178 = arith.addf %while3A_138, %get3A_177 : vector<16xf32>
          %get3A_179 = arith.constant 1 : i32
          %get3A_180 = arith.index_cast %get3A_179 : i32 to index
          %get3A_181 = arith.index_cast %while3A_134 : i32 to index
          %get3A_182 = arith.constant 64 : index
          %get3A_183 = tpu.vector_load %arg6[%get3A_180, %get3A_181, %get3A_182] {strides = array<i32>} : memref<2x64x256xf32, #tpu.memory_space<vmem>>, vector<1x1x16xf32>,
          %get3A_184 = vector.shape_cast %get3A_183 : vector<1x1x16xf32> to vector<16xf32>
          %add3A_185 = arith.addf %while3A_139, %get3A_184 : vector<16xf32>
          %get3A_186 = arith.constant 1 : i32
          %get3A_187 = arith.index_cast %get3A_186 : i32 to index
          %get3A_188 = arith.index_cast %while3A_134 : i32 to index
          %get3A_189 = arith.constant 80 : index
          %get3A_190 = tpu.vector_load %arg6[%get3A_187, %get3A_188, %get3A_189] {strides = array<i32>} : memref<2x64x256xf32, #tpu.memory_space<vmem>>, vector<1x1x16xf32>,
          %get3A_191 = vector.shape_cast %get3A_190 : vector<1x1x16xf32> to vector<16xf32>
          %add3A_192 = arith.addf %while3A_140, %get3A_191 : vector<16xf32>
          %get3A_193 = arith.constant 1 : i32
          %get3A_194 = arith.index_cast %get3A_193 : i32 to index
          %get3A_195 = arith.index_cast %while3A_134 : i32 to index
          %get3A_196 = arith.constant 96 : index
          %get3A_197 = tpu.vector_load %arg6[%get3A_194, %get3A_195, %get3A_196] {strides = array<i32>} : memref<2x64x256xf32, #tpu.memory_space<vmem>>, vector<1x1x16xf32>,
          %get3A_198 = vector.shape_cast %get3A_197 : vector<1x1x16xf32> to vector<16xf32>
          %add3A_199 = arith.addf %while3A_141, %get3A_198 : vector<16xf32>
          %get3A_200 = arith.constant 1 : i32
          %get3A_201 = arith.index_cast %get3A_200 : i32 to index
          %get3A_202 = arith.index_cast %while3A_134 : i32 to index
          %get3A_203 = arith.constant 112 : index
          %get3A_204 = tpu.vector_load %arg6[%get3A_201, %get3A_202, %get3A_203] {strides = array<i32>} : memref<2x64x256xf32, #tpu.memory_space<vmem>>, vector<1x1x16xf32>,
          %get3A_205 = vector.shape_cast %get3A_204 : vector<1x1x16xf32> to vector<16xf32>
          %add3A_206 = arith.addf %while3A_142, %get3A_205 : vector<16xf32>
          %get3A_207 = arith.constant 1 : i32
          %get3A_208 = arith.index_cast %get3A_207 : i32 to index
          %get3A_209 = arith.index_cast %while3A_134 : i32 to index
          %get3A_210 = arith.constant 128 : index
          %get3A_211 = tpu.vector_load %arg6[%get3A_208, %get3A_209, %get3A_210] {strides = array<i32>} : memref<2x64x256xf32, #tpu.memory_space<vmem>>, vector<1x1x16xf32>,
          %get3A_212 = vector.shape_cast %get3A_211 : vector<1x1x16xf32> to vector<16xf32>
          %add3A_213 = arith.addf %while3A_143, %get3A_212 : vector<16xf32>
          %get3A_214 = arith.constant 1 : i32
          %get3A_215 = arith.index_cast %get3A_214 : i32 to index
          %get3A_216 = arith.index_cast %while3A_134 : i32 to index
          %get3A_217 = arith.constant 144 : index
          %get3A_218 = tpu.vector_load %arg6[%get3A_215, %get3A_216, %get3A_217] {strides = array<i32>} : memref<2x64x256xf32, #tpu.memory_space<vmem>>, vector<1x1x16xf32>,
          %get3A_219 = vector.shape_cast %get3A_218 : vector<1x1x16xf32> to vector<16xf32>
          %add3A_220 = arith.addf %while3A_144, %get3A_219 : vector<16xf32>
          %get3A_221 = arith.constant 1 : i32
          %get3A_222 = arith.index_cast %get3A_221 : i32 to index
          %get3A_223 = arith.index_cast %while3A_134 : i32 to index
          %get3A_224 = arith.constant 160 : index
          %get3A_225 = tpu.vector_load %arg6[%get3A_222, %get3A_223, %get3A_224] {strides = array<i32>} : memref<2x64x256xf32, #tpu.memory_space<vmem>>, vector<1x1x16xf32>,
          %get3A_226 = vector.shape_cast %get3A_225 : vector<1x1x16xf32> to vector<16xf32>
          %add3A_227 = arith.addf %while3A_145, %get3A_226 : vector<16xf32>
          %get3A_228 = arith.constant 1 : i32
          %get3A_229 = arith.index_cast %get3A_228 : i32 to index
          %get3A_230 = arith.index_cast %while3A_134 : i32 to index
          %get3A_231 = arith.constant 176 : index
          %get3A_232 = tpu.vector_load %arg6[%get3A_229, %get3A_230, %get3A_231] {strides = array<i32>} : memref<2x64x256xf32, #tpu.memory_space<vmem>>, vector<1x1x16xf32>,
          %get3A_233 = vector.shape_cast %get3A_232 : vector<1x1x16xf32> to vector<16xf32>
          %add3A_234 = arith.addf %while3A_146, %get3A_233 : vector<16xf32>
          %get3A_235 = arith.constant 1 : i32
          %get3A_236 = arith.index_cast %get3A_235 : i32 to index
          %get3A_237 = arith.index_cast %while3A_134 : i32 to index
          %get3A_238 = arith.constant 192 : index
          %get3A_239 = tpu.vector_load %arg6[%get3A_236, %get3A_237, %get3A_238] {strides = array<i32>} : memref<2x64x256xf32, #tpu.memory_space<vmem>>, vector<1x1x16xf32>,
          %get3A_240 = vector.shape_cast %get3A_239 : vector<1x1x16xf32> to vector<16xf32>
          %add3A_241 = arith.addf %while3A_147, %get3A_240 : vector<16xf32>
          %get3A_242 = arith.constant 1 : i32
          %get3A_243 = arith.index_cast %get3A_242 : i32 to index
          %get3A_244 = arith.index_cast %while3A_134 : i32 to index
          %get3A_245 = arith.constant 208 : index
          %get3A_246 = tpu.vector_load %arg6[%get3A_243, %get3A_244, %get3A_245] {strides = array<i32>} : memref<2x64x256xf32, #tpu.memory_space<vmem>>, vector<1x1x16xf32>,
          %get3A_247 = vector.shape_cast %get3A_246 : vector<1x1x16xf32> to vector<16xf32>
          %add3A_248 = arith.addf %while3A_148, %get3A_247 : vector<16xf32>
          %get3A_249 = arith.constant 1 : i32
          %get3A_250 = arith.index_cast %get3A_249 : i32 to index
          %get3A_251 = arith.index_cast %while3A_134 : i32 to index
          %get3A_252 = arith.constant 224 : index
          %get3A_253 = tpu.vector_load %arg6[%get3A_250, %get3A_251, %get3A_252] {strides = array<i32>} : memref<2x64x256xf32, #tpu.memory_space<vmem>>, vector<1x1x16xf32>,
          %get3A_254 = vector.shape_cast %get3A_253 : vector<1x1x16xf32> to vector<16xf32>
          %add3A_255 = arith.addf %while3A_149, %get3A_254 : vector<16xf32>
          %get3A_256 = arith.constant 1 : i32
          %get3A_257 = arith.index_cast %get3A_256 : i32 to index
          %get3A_258 = arith.index_cast %while3A_134 : i32 to index
          %get3A_259 = arith.constant 240 : index
          %get3A_260 = tpu.vector_load %arg6[%get3A_257, %get3A_258, %get3A_259] {strides = array<i32>} : memref<2x64x256xf32, #tpu.memory_space<vmem>>, vector<1x1x16xf32>,
          %get3A_261 = vector.shape_cast %get3A_260 : vector<1x1x16xf32> to vector<16xf32>
          %add3A_262 = arith.addf %while3A_150, %get3A_261 : vector<16xf32>
          scf.yield %add3A_157, %add3A_164, %add3A_171, %add3A_178, %add3A_185, %add3A_192, %add3A_199, %add3A_206, %add3A_213, %add3A_220, %add3A_227, %add3A_234, %add3A_241, %add3A_248, %add3A_255, %add3A_262 : vector<16xf32>, vector<16xf32>, vector<16xf32>, vector<16xf32>, vector<16xf32>, vector<16xf32>, vector<16xf32>, vector<16xf32>, vector<16xf32>, vector<16xf32>, vector<16xf32>, vector<16xf32>, vector<16xf32>, vector<16xf32>, vector<16xf32>, vector<16xf32>
        }
        %gt3A_130 = arith.cmpi sgt, %sub3A_119, %sub3A_117 : i32
        %convert_element_type3A_131 = arith.extui %gt3A_130 : i1 to i32
        %cond3A_132 = arith.constant 0 : i32
        %cond3A_133 = arith.cmpi ne, %convert_element_type3A_131, %cond3A_132 : i32
        scf.if %cond3A_133 {
          %swap3A = arith.index_cast %scan3A_109 : i32 to index
          %swap3A_134 = arith.constant 0 : index
          %swap3A_135 = tpu.vector_load %arg7[%swap3A, %swap3A_134] {strides = array<i32>} : memref<16x256xf32, #tpu.memory_space<vmem>>, vector<1x16xf32>,
          %swap3A_136 = vector.shape_cast %swap3A_135 : vector<1x16xf32> to vector<16xf32>
          %swap3A_137 = vector.shape_cast %while3A_129#0 : vector<16xf32> to vector<1x16xf32>
          tpu.vector_store %arg7[%swap3A, %swap3A_134], %swap3A_137 {add = true, strides = array<i32>} : memref<16x256xf32, #tpu.memory_space<vmem>>, vector<1x16xf32>,
          %swap3A_138 = arith.index_cast %scan3A_109 : i32 to index
          %swap3A_139 = arith.constant 16 : index
          %swap3A_140 = tpu.vector_load %arg7[%swap3A_138, %swap3A_139] {strides = array<i32>} : memref<16x256xf32, #tpu.memory_space<vmem>>, vector<1x16xf32>,
          %swap3A_141 = vector.shape_cast %swap3A_140 : vector<1x16xf32> to vector<16xf32>
          %swap3A_142 = vector.shape_cast %while3A_129#1 : vector<16xf32> to vector<1x16xf32>
          tpu.vector_store %arg7[%swap3A_138, %swap3A_139], %swap3A_142 {add = true, strides = array<i32>} : memref<16x256xf32, #tpu.memory_space<vmem>>, vector<1x16xf32>,
          %swap3A_143 = arith.index_cast %scan3A_109 : i32 to index
          %swap3A_144 = arith.constant 32 : index
          %swap3A_145 = tpu.vector_load %arg7[%swap3A_143, %swap3A_144] {strides = array<i32>} : memref<16x256xf32, #tpu.memory_space<vmem>>, vector<1x16xf32>,
          %swap3A_146 = vector.shape_cast %swap3A_145 : vector<1x16xf32> to vector<16xf32>
          %swap3A_147 = vector.shape_cast %while3A_129#2 : vector<16xf32> to vector<1x16xf32>
          tpu.vector_store %arg7[%swap3A_143, %swap3A_144], %swap3A_147 {add = true, strides = array<i32>} : memref<16x256xf32, #tpu.memory_space<vmem>>, vector<1x16xf32>,
          %swap3A_148 = arith.index_cast %scan3A_109 : i32 to index
          %swap3A_149 = arith.constant 48 : index
          %swap3A_150 = tpu.vector_load %arg7[%swap3A_148, %swap3A_149] {strides = array<i32>} : memref<16x256xf32, #tpu.memory_space<vmem>>, vector<1x16xf32>,
          %swap3A_151 = vector.shape_cast %swap3A_150 : vector<1x16xf32> to vector<16xf32>
          %swap3A_152 = vector.shape_cast %while3A_129#3 : vector<16xf32> to vector<1x16xf32>
          tpu.vector_store %arg7[%swap3A_148, %swap3A_149], %swap3A_152 {add = true, strides = array<i32>} : memref<16x256xf32, #tpu.memory_space<vmem>>, vector<1x16xf32>,
          %swap3A_153 = arith.index_cast %scan3A_109 : i32 to index
          %swap3A_154 = arith.constant 64 : index
          %swap3A_155 = tpu.vector_load %arg7[%swap3A_153, %swap3A_154] {strides = array<i32>} : memref<16x256xf32, #tpu.memory_space<vmem>>, vector<1x16xf32>,
          %swap3A_156 = vector.shape_cast %swap3A_155 : vector<1x16xf32> to vector<16xf32>
          %swap3A_157 = vector.shape_cast %while3A_129#4 : vector<16xf32> to vector<1x16xf32>
          tpu.vector_store %arg7[%swap3A_153, %swap3A_154], %swap3A_157 {add = true, strides = array<i32>} : memref<16x256xf32, #tpu.memory_space<vmem>>, vector<1x16xf32>,
          %swap3A_158 = arith.index_cast %scan3A_109 : i32 to index
          %swap3A_159 = arith.constant 80 : index
          %swap3A_160 = tpu.vector_load %arg7[%swap3A_158, %swap3A_159] {strides = array<i32>} : memref<16x256xf32, #tpu.memory_space<vmem>>, vector<1x16xf32>,
          %swap3A_161 = vector.shape_cast %swap3A_160 : vector<1x16xf32> to vector<16xf32>
          %swap3A_162 = vector.shape_cast %while3A_129#5 : vector<16xf32> to vector<1x16xf32>
          tpu.vector_store %arg7[%swap3A_158, %swap3A_159], %swap3A_162 {add = true, strides = array<i32>} : memref<16x256xf32, #tpu.memory_space<vmem>>, vector<1x16xf32>,
          %swap3A_163 = arith.index_cast %scan3A_109 : i32 to index
          %swap3A_164 = arith.constant 96 : index
          %swap3A_165 = tpu.vector_load %arg7[%swap3A_163, %swap3A_164] {strides = array<i32>} : memref<16x256xf32, #tpu.memory_space<vmem>>, vector<1x16xf32>,
          %swap3A_166 = vector.shape_cast %swap3A_165 : vector<1x16xf32> to vector<16xf32>
          %swap3A_167 = vector.shape_cast %while3A_129#6 : vector<16xf32> to vector<1x16xf32>
          tpu.vector_store %arg7[%swap3A_163, %swap3A_164], %swap3A_167 {add = true, strides = array<i32>} : memref<16x256xf32, #tpu.memory_space<vmem>>, vector<1x16xf32>,
          %swap3A_168 = arith.index_cast %scan3A_109 : i32 to index
          %swap3A_169 = arith.constant 112 : index
          %swap3A_170 = tpu.vector_load %arg7[%swap3A_168, %swap3A_169] {strides = array<i32>} : memref<16x256xf32, #tpu.memory_space<vmem>>, vector<1x16xf32>,
          %swap3A_171 = vector.shape_cast %swap3A_170 : vector<1x16xf32> to vector<16xf32>
          %swap3A_172 = vector.shape_cast %while3A_129#7 : vector<16xf32> to vector<1x16xf32>
          tpu.vector_store %arg7[%swap3A_168, %swap3A_169], %swap3A_172 {add = true, strides = array<i32>} : memref<16x256xf32, #tpu.memory_space<vmem>>, vector<1x16xf32>,
          %swap3A_173 = arith.index_cast %scan3A_109 : i32 to index
          %swap3A_174 = arith.constant 128 : index
          %swap3A_175 = tpu.vector_load %arg7[%swap3A_173, %swap3A_174] {strides = array<i32>} : memref<16x256xf32, #tpu.memory_space<vmem>>, vector<1x16xf32>,
          %swap3A_176 = vector.shape_cast %swap3A_175 : vector<1x16xf32> to vector<16xf32>
          %swap3A_177 = vector.shape_cast %while3A_129#8 : vector<16xf32> to vector<1x16xf32>
          tpu.vector_store %arg7[%swap3A_173, %swap3A_174], %swap3A_177 {add = true, strides = array<i32>} : memref<16x256xf32, #tpu.memory_space<vmem>>, vector<1x16xf32>,
          %swap3A_178 = arith.index_cast %scan3A_109 : i32 to index
          %swap3A_179 = arith.constant 144 : index
          %swap3A_180 = tpu.vector_load %arg7[%swap3A_178, %swap3A_179] {strides = array<i32>} : memref<16x256xf32, #tpu.memory_space<vmem>>, vector<1x16xf32>,
          %swap3A_181 = vector.shape_cast %swap3A_180 : vector<1x16xf32> to vector<16xf32>
          %swap3A_182 = vector.shape_cast %while3A_129#9 : vector<16xf32> to vector<1x16xf32>
          tpu.vector_store %arg7[%swap3A_178, %swap3A_179], %swap3A_182 {add = true, strides = array<i32>} : memref<16x256xf32, #tpu.memory_space<vmem>>, vector<1x16xf32>,
          %swap3A_183 = arith.index_cast %scan3A_109 : i32 to index
          %swap3A_184 = arith.constant 160 : index
          %swap3A_185 = tpu.vector_load %arg7[%swap3A_183, %swap3A_184] {strides = array<i32>} : memref<16x256xf32, #tpu.memory_space<vmem>>, vector<1x16xf32>,
          %swap3A_186 = vector.shape_cast %swap3A_185 : vector<1x16xf32> to vector<16xf32>
          %swap3A_187 = vector.shape_cast %while3A_129#10 : vector<16xf32> to vector<1x16xf32>
          tpu.vector_store %arg7[%swap3A_183, %swap3A_184], %swap3A_187 {add = true, strides = array<i32>} : memref<16x256xf32, #tpu.memory_space<vmem>>, vector<1x16xf32>,
          %swap3A_188 = arith.index_cast %scan3A_109 : i32 to index
          %swap3A_189 = arith.constant 176 : index
          %swap3A_190 = tpu.vector_load %arg7[%swap3A_188, %swap3A_189] {strides = array<i32>} : memref<16x256xf32, #tpu.memory_space<vmem>>, vector<1x16xf32>,
          %swap3A_191 = vector.shape_cast %swap3A_190 : vector<1x16xf32> to vector<16xf32>
          %swap3A_192 = vector.shape_cast %while3A_129#11 : vector<16xf32> to vector<1x16xf32>
          tpu.vector_store %arg7[%swap3A_188, %swap3A_189], %swap3A_192 {add = true, strides = array<i32>} : memref<16x256xf32, #tpu.memory_space<vmem>>, vector<1x16xf32>,
          %swap3A_193 = arith.index_cast %scan3A_109 : i32 to index
          %swap3A_194 = arith.constant 192 : index
          %swap3A_195 = tpu.vector_load %arg7[%swap3A_193, %swap3A_194] {strides = array<i32>} : memref<16x256xf32, #tpu.memory_space<vmem>>, vector<1x16xf32>,
          %swap3A_196 = vector.shape_cast %swap3A_195 : vector<1x16xf32> to vector<16xf32>
          %swap3A_197 = vector.shape_cast %while3A_129#12 : vector<16xf32> to vector<1x16xf32>
          tpu.vector_store %arg7[%swap3A_193, %swap3A_194], %swap3A_197 {add = true, strides = array<i32>} : memref<16x256xf32, #tpu.memory_space<vmem>>, vector<1x16xf32>,
          %swap3A_198 = arith.index_cast %scan3A_109 : i32 to index
          %swap3A_199 = arith.constant 208 : index
          %swap3A_200 = tpu.vector_load %arg7[%swap3A_198, %swap3A_199] {strides = array<i32>} : memref<16x256xf32, #tpu.memory_space<vmem>>, vector<1x16xf32>,
          %swap3A_201 = vector.shape_cast %swap3A_200 : vector<1x16xf32> to vector<16xf32>
          %swap3A_202 = vector.shape_cast %while3A_129#13 : vector<16xf32> to vector<1x16xf32>
          tpu.vector_store %arg7[%swap3A_198, %swap3A_199], %swap3A_202 {add = true, strides = array<i32>} : memref<16x256xf32, #tpu.memory_space<vmem>>, vector<1x16xf32>,
          %swap3A_203 = arith.index_cast %scan3A_109 : i32 to index
          %swap3A_204 = arith.constant 224 : index
          %swap3A_205 = tpu.vector_load %arg7[%swap3A_203, %swap3A_204] {strides = array<i32>} : memref<16x256xf32, #tpu.memory_space<vmem>>, vector<1x16xf32>,
          %swap3A_206 = vector.shape_cast %swap3A_205 : vector<1x16xf32> to vector<16xf32>
          %swap3A_207 = vector.shape_cast %while3A_129#14 : vector<16xf32> to vector<1x16xf32>
          tpu.vector_store %arg7[%swap3A_203, %swap3A_204], %swap3A_207 {add = true, strides = array<i32>} : memref<16x256xf32, #tpu.memory_space<vmem>>, vector<1x16xf32>,
          %swap3A_208 = arith.index_cast %scan3A_109 : i32 to index
          %swap3A_209 = arith.constant 240 : index
          %swap3A_210 = tpu.vector_load %arg7[%swap3A_208, %swap3A_209] {strides = array<i32>} : memref<16x256xf32, #tpu.memory_space<vmem>>, vector<1x16xf32>,
          %swap3A_211 = vector.shape_cast %swap3A_210 : vector<1x16xf32> to vector<16xf32>
          %swap3A_212 = vector.shape_cast %while3A_129#15 : vector<16xf32> to vector<1x16xf32>
          tpu.vector_store %arg7[%swap3A_208, %swap3A_209], %swap3A_212 {add = true, strides = array<i32>} : memref<16x256xf32, #tpu.memory_space<vmem>>, vector<1x16xf32>,
        } else {
        }
        scf.yield %add3A_116 : i32
      }
      %scan3A_108 = arith.constant 16 : i32
    }
    %mul3A_35 = arith.constant 2 : i32
    %mul3A_36 = arith.muli %add3A, %mul3A_35 : i32
    %add3A_37 = arith.constant 0 : i32
    %add3A_38 = arith.addi %mul3A_36, %add3A_37 : i32
    %mul3A_39 = arith.constant 16 : i32
    %mul3A_40 = arith.muli %add3A_38, %mul3A_39 : i32
    "tpu.region"() ({
      %run_scoped3A = tpu.sem_alloc : memref<!tpu.dma_semaphore, #tpu.memory_space<semaphore_mem>>
      %dma_start3A = arith.constant 0 : i32
      %dma_start3A_47 = arith.constant 0 : i32
      %dma_start3A_48 = tpu.memref_slice %arg7[%dma_start3A, %dma_start3A_47] : memref<16x256xf32, #tpu.memory_space<vmem>> -> memref<16x128xf32, #tpu.memory_space<vmem>>
      %dma_start3A_49 = arith.constant 0 : i32
      %dma_start3A_50 = tpu.memref_slice %arg4[%mul3A_40, %dma_start3A_49] : memref<1024x128xf32, #tpu.memory_space<hbm>> -> memref<16x128xf32, #tpu.memory_space<hbm>>
      %dma_start3A_51 = arith.constant 0 : i32
      %dma_start3A_52 = tpu.memref_slice %arg4[%mul3A_40, %dma_start3A_51] : memref<1024x128xf32, #tpu.memory_space<hbm>> -> memref<16x128xf32, #tpu.memory_space<hbm>>
      %dma_start3A_53 = arith.constant 0 : i32
      %dma_start3A_54 = arith.constant 0 : i32
      %dma_start3A_55 = tpu.memref_slice %arg7[%dma_start3A_53, %dma_start3A_54] : memref<16x256xf32, #tpu.memory_space<vmem>> -> memref<16x128xf32, #tpu.memory_space<vmem>>
      tpu.enqueue_dma source(%dma_start3A_55 : memref<16x128xf32, #tpu.memory_space<vmem>>) target(%dma_start3A_52 : memref<16x128xf32, #tpu.memory_space<hbm>>) target_semaphore(%run_scoped3A : memref<!tpu.dma_semaphore, #tpu.memory_space<semaphore_mem>>)
      %dma_wait3A = arith.constant 0 : i32
      %dma_wait3A_56 = arith.constant 0 : i32
      %dma_wait3A_57 = tpu.memref_slice %arg7[%dma_wait3A, %dma_wait3A_56] : memref<16x256xf32, #tpu.memory_space<vmem>> -> memref<16x128xf32, #tpu.memory_space<vmem>>
      %dma_wait3A_58 = arith.constant 0 : i32
      %dma_wait3A_59 = tpu.memref_slice %arg4[%mul3A_40, %dma_wait3A_58] : memref<1024x128xf32, #tpu.memory_space<hbm>> -> memref<16x128xf32, #tpu.memory_space<hbm>>
      %dma_wait3A_60 = arith.constant 0 : i32
      %dma_wait3A_61 = tpu.memref_slice %arg4[%mul3A_40, %dma_wait3A_60] : memref<1024x128xf32, #tpu.memory_space<hbm>> -> memref<16x128xf32, #tpu.memory_space<hbm>>
      %dma_wait3A_62 = arith.constant 0 : i32
      %dma_wait3A_63 = arith.constant 0 : i32
      %dma_wait3A_64 = tpu.memref_slice %arg7[%dma_wait3A_62, %dma_wait3A_63] : memref<16x256xf32, #tpu.memory_space<vmem>> -> memref<16x128xf32, #tpu.memory_space<vmem>>
      tpu.wait_dma2 semaphore(%run_scoped3A : memref<!tpu.dma_semaphore, #tpu.memory_space<semaphore_mem>>) src(%dma_wait3A_64 : memref<16x128xf32, #tpu.memory_space<vmem>>) dst(%dma_wait3A_61 : memref<16x128xf32, #tpu.memory_space<hbm>>)
      tpu.yield
    }) : () -> ()
    %mul3A_41 = arith.constant 2 : i32
    %mul3A_42 = arith.muli %add3A, %mul3A_41 : i32
    %add3A_43 = arith.constant 1 : i32
    %add3A_44 = arith.addi %mul3A_42, %add3A_43 : i32
    %mul3A_45 = arith.constant 16 : i32
    %mul3A_46 = arith.muli %add3A_44, %mul3A_45 : i32
    "tpu.region"() ({
      %run_scoped3A = tpu.sem_alloc : memref<!tpu.dma_semaphore, #tpu.memory_space<semaphore_mem>>
      %dma_start3A = arith.constant 0 : i32
      %dma_start3A_47 = arith.constant 128 : i32
      %dma_start3A_48 = tpu.memref_slice %arg7[%dma_start3A, %dma_start3A_47] : memref<16x256xf32, #tpu.memory_space<vmem>> -> memref<16x128xf32, #tpu.memory_space<vmem>>
      %dma_start3A_49 = arith.constant 0 : i32
      %dma_start3A_50 = tpu.memref_slice %arg4[%mul3A_46, %dma_start3A_49] : memref<1024x128xf32, #tpu.memory_space<hbm>> -> memref<16x128xf32, #tpu.memory_space<hbm>>
      %dma_start3A_51 = arith.constant 0 : i32
      %dma_start3A_52 = tpu.memref_slice %arg4[%mul3A_46, %dma_start3A_51] : memref<1024x128xf32, #tpu.memory_space<hbm>> -> memref<16x128xf32, #tpu.memory_space<hbm>>
      %dma_start3A_53 = arith.constant 0 : i32
      %dma_start3A_54 = arith.constant 128 : i32
      %dma_start3A_55 = tpu.memref_slice %arg7[%dma_start3A_53, %dma_start3A_54] : memref<16x256xf32, #tpu.memory_space<vmem>> -> memref<16x128xf32, #tpu.memory_space<vmem>>
      tpu.enqueue_dma source(%dma_start3A_55 : memref<16x128xf32, #tpu.memory_space<vmem>>) target(%dma_start3A_52 : memref<16x128xf32, #tpu.memory_space<hbm>>) target_semaphore(%run_scoped3A : memref<!tpu.dma_semaphore, #tpu.memory_space<semaphore_mem>>)
      %dma_wait3A = arith.constant 0 : i32
      %dma_wait3A_56 = arith.constant 128 : i32
      %dma_wait3A_57 = tpu.memref_slice %arg7[%dma_wait3A, %dma_wait3A_56] : memref<16x256xf32, #tpu.memory_space<vmem>> -> memref<16x128xf32, #tpu.memory_space<vmem>>
      %dma_wait3A_58 = arith.constant 0 : i32
      %dma_wait3A_59 = tpu.memref_slice %arg4[%mul3A_46, %dma_wait3A_58] : memref<1024x128xf32, #tpu.memory_space<hbm>> -> memref<16x128xf32, #tpu.memory_space<hbm>>
      %dma_wait3A_60 = arith.constant 0 : i32
      %dma_wait3A_61 = tpu.memref_slice %arg4[%mul3A_46, %dma_wait3A_60] : memref<1024x128xf32, #tpu.memory_space<hbm>> -> memref<16x128xf32, #tpu.memory_space<hbm>>
      %dma_wait3A_62 = arith.constant 0 : i32
      %dma_wait3A_63 = arith.constant 128 : i32
      %dma_wait3A_64 = tpu.memref_slice %arg7[%dma_wait3A_62, %dma_wait3A_63] : memref<16x256xf32, #tpu.memory_space<vmem>> -> memref<16x128xf32, #tpu.memory_space<vmem>>
      tpu.wait_dma2 semaphore(%run_scoped3A : memref<!tpu.dma_semaphore, #tpu.memory_space<semaphore_mem>>) src(%dma_wait3A_64 : memref<16x128xf32, #tpu.memory_space<vmem>>) dst(%dma_wait3A_61 : memref<16x128xf32, #tpu.memory_space<hbm>>)
      tpu.yield
    }) : () -> ()
    return
  }
}

module attributes {stable_mosaic.version = 14 : i64} {
  func.func @_partial_body(%arg0: i32, %arg1: memref<6xi32, #tpu.memory_space<smem>>, %arg2: memref<2048x512xf32, #tpu.memory_space<vmem>>, %arg3: memref<16x1xi32, #tpu.memory_space<vmem>>, %arg4: memref<16x1xi32, #tpu.memory_space<vmem>>, %arg5: memref<1024x512xf32, #tpu.memory_space<vmem>>, %arg6: memref<16x1024xf32, #tpu.memory_space<vmem>>, %arg7: memref<16x512xf32, #tpu.memory_space<vmem>>) attributes {dimension_semantics = [#tpu.dimension_semantics<arbitrary>], iteration_bounds = array<i64: 4>, scalar_prefetch = 1 : i64, scratch_operands = 1 : i64, tpu.core_type = #tpu.core_type<tc>, window_params = [{transform_indices = @transform_0, window_bounds = array<i64: 2048, 512>}, {pipeline_mode = #tpu.pipeline_mode<synchronous>, transform_indices = @transform_1, window_bounds = array<i64: 16, 1>}, {pipeline_mode = #tpu.pipeline_mode<synchronous>, transform_indices = @transform_2, window_bounds = array<i64: 16, 1>}, {pipeline_mode = #tpu.pipeline_mode<synchronous>, transform_indices = @transform_3, window_bounds = array<i64: 1024, 512>}, {pipeline_mode = #tpu.pipeline_mode<synchronous>, transform_indices = @transform_4, window_bounds = array<i64: 16, 1024>}]} {
    %get3A = arith.constant 4 : index
    %get3A_0 = memref.load %arg1[%get3A] : memref<6xi32, #tpu.memory_space<smem>>
    %mul3A = arith.constant 2048 : i32
    %mul3A_1 = arith.muli %arg0, %mul3A : i32
    %add3A = arith.addi %get3A_0, %mul3A_1 : i32
    %eq3A = arith.constant 0 : i32
    %eq3A_2 = arith.cmpi eq, %arg0, %eq3A : i32
    %convert_element_type3A = arith.extui %eq3A_2 : i1 to i32
    %cond3A = arith.constant 0 : i32
    %cond3A_3 = arith.cmpi ne, %convert_element_type3A, %cond3A : i32
    scf.if %cond3A_3 {
      %broadcast_in_dim3A = arith.constant 0.000000e+00 : f32
      %broadcast_in_dim3A_14 = vector.broadcast %broadcast_in_dim3A : f32 to vector<16x512xf32>
      %swap3A = arith.constant 0 : index
      %swap3A_15 = arith.constant 0 : index
      %swap3A_16 = vector.load %arg7[%swap3A, %swap3A_15] : memref<16x512xf32, #tpu.memory_space<vmem>>, vector<16x512xf32>
      tpu.vector_store %arg7[%swap3A, %swap3A_15], %broadcast_in_dim3A_14 {strides = array<i32>} : memref<16x512xf32, #tpu.memory_space<vmem>>, vector<16x512xf32>,
    } else {
    }
    %get3A_4 = arith.constant 5 : index
    %get3A_5 = memref.load %arg1[%get3A_4] : memref<6xi32, #tpu.memory_space<smem>>
    %lt3A = arith.cmpi slt, %add3A, %get3A_5 : i32
    %convert_element_type3A_6 = arith.extui %lt3A : i1 to i32
    %cond3A_7 = arith.constant 0 : i32
    %cond3A_8 = arith.cmpi ne, %convert_element_type3A_6, %cond3A_7 : i32
    scf.if %cond3A_8 {
      %iota3A = tpu.iota {dimensions = array<i32: 1>} : vector<16x2048xi32>
      %add3A_14 = vector.broadcast %add3A : i32 to vector<16x2048xi32>
      %add3A_15 = arith.addi %add3A_14, %iota3A : vector<16x2048xi32>
      %get3A_16 = arith.constant 0 : index
      %get3A_17 = arith.constant 0 : index
      %get3A_18 = vector.load %arg3[%get3A_16, %get3A_17] : memref<16x1xi32, #tpu.memory_space<vmem>>, vector<16x1xi32>
      %ge3A = vector.broadcast %get3A_18 : vector<16x1xi32> to vector<16x2048xi32>
      %ge3A_19 = arith.cmpi sge, %add3A_15, %ge3A : vector<16x2048xi32>
      %get3A_20 = arith.constant 0 : index
      %get3A_21 = arith.constant 0 : index
      %get3A_22 = vector.load %arg4[%get3A_20, %get3A_21] : memref<16x1xi32, #tpu.memory_space<vmem>>, vector<16x1xi32>
      %lt3A_23 = vector.broadcast %get3A_22 : vector<16x1xi32> to vector<16x2048xi32>
      %lt3A_24 = arith.cmpi slt, %add3A_15, %lt3A_23 : vector<16x2048xi32>
      %and3A = arith.andi %ge3A_19, %lt3A_24 : vector<16x2048xi1>
      %convert_element_type3A_25 = arith.extui %and3A : vector<16x2048xi1> to vector<16x2048xi32>
      %convert_element_type3A_26 = arith.sitofp %convert_element_type3A_25 : vector<16x2048xi32> to vector<16x2048xf32>
      %convert_element_type3A_27 = arith.truncf %convert_element_type3A_26 : vector<16x2048xf32> to vector<16x2048xbf16>
      %get3A_28 = arith.constant 0 : index
      %get3A_29 = arith.constant 0 : index
      %get3A_30 = vector.load %arg7[%get3A_28, %get3A_29] : memref<16x512xf32, #tpu.memory_space<vmem>>, vector<16x512xf32>
      %get3A_31 = arith.constant 0 : index
      %get3A_32 = arith.constant 0 : index
      %get3A_33 = vector.load %arg2[%get3A_31, %get3A_32] : memref<2048x512xf32, #tpu.memory_space<vmem>>, vector<2048x512xf32>
      %convert_element_type3A_34 = arith.truncf %get3A_33 : vector<2048x512xf32> to vector<2048x512xbf16>
      %dot_general3A = arith.constant dense<0.000000e+00> : vector<16x512xf32>
      %dot_general3A_35 = tpu.matmul %convert_element_type3A_27, %convert_element_type3A_34, %dot_general3A {dimension_numbers = #tpu.dot_dimension_numbers<[1], [0], [0], [1], [0, 0, 1, 1], [], []>, transpose_lhs_hint = false} : vector<16x2048xbf16>, vector<2048x512xbf16>, vector<16x512xf32> -> vector<16x512xf32>
      %add3A_36 = arith.addf %get3A_30, %dot_general3A_35 : vector<16x512xf32>
      %swap3A = arith.constant 0 : index
      %swap3A_37 = arith.constant 0 : index
      %swap3A_38 = vector.load %arg7[%swap3A, %swap3A_37] : memref<16x512xf32, #tpu.memory_space<vmem>>, vector<16x512xf32>
      tpu.vector_store %arg7[%swap3A, %swap3A_37], %add3A_36 {strides = array<i32>} : memref<16x512xf32, #tpu.memory_space<vmem>>, vector<16x512xf32>,
    } else {
    }
    %eq3A_9 = arith.constant 3 : i32
    %eq3A_10 = arith.cmpi eq, %arg0, %eq3A_9 : i32
    %convert_element_type3A_11 = arith.extui %eq3A_10 : i1 to i32
    %cond3A_12 = arith.constant 0 : i32
    %cond3A_13 = arith.cmpi ne, %convert_element_type3A_11, %cond3A_12 : i32
    scf.if %cond3A_13 {
      %get3A_14 = arith.constant 0 : index
      %get3A_15 = arith.constant 0 : index
      %get3A_16 = vector.load %arg7[%get3A_14, %get3A_15] : memref<16x512xf32, #tpu.memory_space<vmem>>, vector<16x512xf32>
      %get3A_17 = arith.constant 0 : index
      %get3A_18 = arith.constant 0 : index
      %get3A_19 = vector.load %arg5[%get3A_17, %get3A_18] : memref<1024x512xf32, #tpu.memory_space<vmem>>, vector<1024x512xf32>
      %dot_general3A = arith.constant dense<0.000000e+00> : vector<16x1024xf32>
      %dot_general3A_20 = tpu.matmul %get3A_16, %get3A_19, %dot_general3A {dimension_numbers = #tpu.dot_dimension_numbers<[1], [1], [0], [0], [0, 0, 1, 0], [], []>, transpose_lhs_hint = false} : vector<16x512xf32>, vector<1024x512xf32>, vector<16x1024xf32> -> vector<16x1024xf32>
      %swap3A = arith.constant 0 : index
      %swap3A_21 = arith.constant 0 : index
      %swap3A_22 = vector.load %arg6[%swap3A, %swap3A_21] : memref<16x1024xf32, #tpu.memory_space<vmem>>, vector<16x1024xf32>
      tpu.vector_store %arg6[%swap3A, %swap3A_21], %dot_general3A_20 {strides = array<i32>} : memref<16x1024xf32, #tpu.memory_space<vmem>>, vector<16x1024xf32>,
    } else {
    }
    return
  }
  func.func @transform_0(%arg0: i32, %arg1: memref<6xi32, #tpu.memory_space<smem>>) -> (i32, i32) {
    %get3A = arith.index_cast %arg0 : i32 to index
    %get3A_0 = memref.load %arg1[%get3A] : memref<6xi32, #tpu.memory_space<smem>>
    %c0_i32 = arith.constant 0 : i32
    %c0_i32_1 = arith.constant 0 : i32
    return %get3A_0, %c0_i32 : i32, i32
  }
  func.func @transform_1(%arg0: i32, %arg1: memref<6xi32, #tpu.memory_space<smem>>) -> (i32, i32) {
    %c0_i32 = arith.constant 0 : i32
    %c0_i32_0 = arith.constant 0 : i32
    %c0_i32_1 = arith.constant 0 : i32
    return %c0_i32, %c0_i32_0 : i32, i32
  }
  func.func @transform_2(%arg0: i32, %arg1: memref<6xi32, #tpu.memory_space<smem>>) -> (i32, i32) {
    %c0_i32 = arith.constant 0 : i32
    %c0_i32_0 = arith.constant 0 : i32
    %c0_i32_1 = arith.constant 0 : i32
    return %c0_i32, %c0_i32_0 : i32, i32
  }
  func.func @transform_3(%arg0: i32, %arg1: memref<6xi32, #tpu.memory_space<smem>>) -> (i32, i32) {
    %c0_i32 = arith.constant 0 : i32
    %c0_i32_0 = arith.constant 0 : i32
    %c0_i32_1 = arith.constant 0 : i32
    return %c0_i32, %c0_i32_0 : i32, i32
  }
  func.func @transform_4(%arg0: i32, %arg1: memref<6xi32, #tpu.memory_space<smem>>) -> (i32, i32) {
    %c0_i32 = arith.constant 0 : i32
    %c0_i32_0 = arith.constant 0 : i32
    %c0_i32_1 = arith.constant 0 : i32
    return %c0_i32, %c0_i32_0 : i32, i32
  }
}

module attributes {stable_mosaic.version = 14 : i64} {
  func.func @_tail_body(%arg0: memref<1024x128xf32, #tpu.memory_space<vmem>>, %arg1: memref<16x1024xf32, #tpu.memory_space<vmem>>, %arg2: memref<16x1xf32, #tpu.memory_space<vmem>>, %arg3: memref<1024x512xf32, #tpu.memory_space<vmem>>, %arg4: memref<1x1024xf32, #tpu.memory_space<vmem>>, %arg5: memref<1x1024xf32, #tpu.memory_space<vmem>>, %arg6: memref<1024x1024xf32, #tpu.memory_space<vmem>>, %arg7: memref<1x1024xf32, #tpu.memory_space<vmem>>, %arg8: memref<16x1024xf32, #tpu.memory_space<vmem>>) attributes {dimension_semantics = [], scalar_prefetch = 0 : i64, scratch_operands = 0 : i64, tpu.core_type = #tpu.core_type<tc>} {
    %get3A = arith.constant 0 : index
    %get3A_0 = arith.constant 0 : index
    %get3A_1 = vector.load %arg2[%get3A, %get3A_0] : memref<16x1xf32, #tpu.memory_space<vmem>>, vector<16x1xf32>
    %get3A_2 = arith.constant 0 : index
    %get3A_3 = arith.constant 0 : index
    %get3A_4 = vector.load %arg1[%get3A_2, %get3A_3] : memref<16x1024xf32, #tpu.memory_space<vmem>>, vector<16x1024xf32>
    %get3A_5 = arith.constant 0 : index
    %get3A_6 = arith.constant 0 : index
    %get3A_7 = vector.load %arg4[%get3A_5, %get3A_6] : memref<1x1024xf32, #tpu.memory_space<vmem>>, vector<1x1024xf32>
    %mul3A = vector.broadcast %get3A_1 : vector<16x1xf32> to vector<16x1024xf32>
    %mul3A_8 = vector.broadcast %get3A_7 : vector<1x1024xf32> to vector<16x1024xf32>
    %mul3A_9 = arith.mulf %mul3A, %mul3A_8 : vector<16x1024xf32>
    %add3A = arith.addf %get3A_4, %mul3A_9 : vector<16x1024xf32>
    %get3A_10 = arith.constant 0 : index
    %get3A_11 = arith.constant 0 : index
    %get3A_12 = vector.load %arg5[%get3A_10, %get3A_11] : memref<1x1024xf32, #tpu.memory_space<vmem>>, vector<1x1024xf32>
    %add3A_13 = vector.broadcast %get3A_12 : vector<1x1024xf32> to vector<16x1024xf32>
    %add3A_14 = arith.addf %add3A, %add3A_13 : vector<16x1024xf32>
    %broadcast_in_dim3A = arith.constant 0.000000e+00 : f32
    %broadcast_in_dim3A_15 = vector.broadcast %broadcast_in_dim3A : f32 to vector<16x128xf32>
    %get3A_16 = arith.constant 0 : index
    %get3A_17 = arith.constant 0 : index
    %get3A_18 = vector.load %arg0[%get3A_16, %get3A_17] : memref<1024x128xf32, #tpu.memory_space<vmem>>, vector<16x128xf32>
    %add3A_19 = arith.addf %broadcast_in_dim3A_15, %get3A_18 : vector<16x128xf32>
    %get3A_20 = arith.constant 64 : index
    %get3A_21 = arith.constant 0 : index
    %get3A_22 = vector.load %arg0[%get3A_20, %get3A_21] : memref<1024x128xf32, #tpu.memory_space<vmem>>, vector<16x128xf32>
    %add3A_23 = arith.addf %add3A_19, %get3A_22 : vector<16x128xf32>
    %get3A_24 = arith.constant 128 : index
    %get3A_25 = arith.constant 0 : index
    %get3A_26 = vector.load %arg0[%get3A_24, %get3A_25] : memref<1024x128xf32, #tpu.memory_space<vmem>>, vector<16x128xf32>
    %add3A_27 = arith.addf %add3A_23, %get3A_26 : vector<16x128xf32>
    %get3A_28 = arith.constant 192 : index
    %get3A_29 = arith.constant 0 : index
    %get3A_30 = vector.load %arg0[%get3A_28, %get3A_29] : memref<1024x128xf32, #tpu.memory_space<vmem>>, vector<16x128xf32>
    %add3A_31 = arith.addf %add3A_27, %get3A_30 : vector<16x128xf32>
    %get3A_32 = arith.constant 256 : index
    %get3A_33 = arith.constant 0 : index
    %get3A_34 = vector.load %arg0[%get3A_32, %get3A_33] : memref<1024x128xf32, #tpu.memory_space<vmem>>, vector<16x128xf32>
    %add3A_35 = arith.addf %add3A_31, %get3A_34 : vector<16x128xf32>
    %get3A_36 = arith.constant 320 : index
    %get3A_37 = arith.constant 0 : index
    %get3A_38 = vector.load %arg0[%get3A_36, %get3A_37] : memref<1024x128xf32, #tpu.memory_space<vmem>>, vector<16x128xf32>
    %add3A_39 = arith.addf %add3A_35, %get3A_38 : vector<16x128xf32>
    %get3A_40 = arith.constant 384 : index
    %get3A_41 = arith.constant 0 : index
    %get3A_42 = vector.load %arg0[%get3A_40, %get3A_41] : memref<1024x128xf32, #tpu.memory_space<vmem>>, vector<16x128xf32>
    %add3A_43 = arith.addf %add3A_39, %get3A_42 : vector<16x128xf32>
    %get3A_44 = arith.constant 448 : index
    %get3A_45 = arith.constant 0 : index
    %get3A_46 = vector.load %arg0[%get3A_44, %get3A_45] : memref<1024x128xf32, #tpu.memory_space<vmem>>, vector<16x128xf32>
    %add3A_47 = arith.addf %add3A_43, %get3A_46 : vector<16x128xf32>
    %get3A_48 = arith.constant 512 : index
    %get3A_49 = arith.constant 0 : index
    %get3A_50 = vector.load %arg0[%get3A_48, %get3A_49] : memref<1024x128xf32, #tpu.memory_space<vmem>>, vector<16x128xf32>
    %add3A_51 = arith.addf %add3A_47, %get3A_50 : vector<16x128xf32>
    %get3A_52 = arith.constant 576 : index
    %get3A_53 = arith.constant 0 : index
    %get3A_54 = vector.load %arg0[%get3A_52, %get3A_53] : memref<1024x128xf32, #tpu.memory_space<vmem>>, vector<16x128xf32>
    %add3A_55 = arith.addf %add3A_51, %get3A_54 : vector<16x128xf32>
    %get3A_56 = arith.constant 640 : index
    %get3A_57 = arith.constant 0 : index
    %get3A_58 = vector.load %arg0[%get3A_56, %get3A_57] : memref<1024x128xf32, #tpu.memory_space<vmem>>, vector<16x128xf32>
    %add3A_59 = arith.addf %add3A_55, %get3A_58 : vector<16x128xf32>
    %get3A_60 = arith.constant 704 : index
    %get3A_61 = arith.constant 0 : index
    %get3A_62 = vector.load %arg0[%get3A_60, %get3A_61] : memref<1024x128xf32, #tpu.memory_space<vmem>>, vector<16x128xf32>
    %add3A_63 = arith.addf %add3A_59, %get3A_62 : vector<16x128xf32>
    %get3A_64 = arith.constant 768 : index
    %get3A_65 = arith.constant 0 : index
    %get3A_66 = vector.load %arg0[%get3A_64, %get3A_65] : memref<1024x128xf32, #tpu.memory_space<vmem>>, vector<16x128xf32>
    %add3A_67 = arith.addf %add3A_63, %get3A_66 : vector<16x128xf32>
    %get3A_68 = arith.constant 832 : index
    %get3A_69 = arith.constant 0 : index
    %get3A_70 = vector.load %arg0[%get3A_68, %get3A_69] : memref<1024x128xf32, #tpu.memory_space<vmem>>, vector<16x128xf32>
    %add3A_71 = arith.addf %add3A_67, %get3A_70 : vector<16x128xf32>
    %get3A_72 = arith.constant 896 : index
    %get3A_73 = arith.constant 0 : index
    %get3A_74 = vector.load %arg0[%get3A_72, %get3A_73] : memref<1024x128xf32, #tpu.memory_space<vmem>>, vector<16x128xf32>
    %add3A_75 = arith.addf %add3A_71, %get3A_74 : vector<16x128xf32>
    %get3A_76 = arith.constant 960 : index
    %get3A_77 = arith.constant 0 : index
    %get3A_78 = vector.load %arg0[%get3A_76, %get3A_77] : memref<1024x128xf32, #tpu.memory_space<vmem>>, vector<16x128xf32>
    %add3A_79 = arith.addf %add3A_75, %get3A_78 : vector<16x128xf32>
    %get3A_80 = arith.constant 0 : index
    %get3A_81 = arith.constant 0 : index
    %get3A_82 = vector.load %arg3[%get3A_80, %get3A_81] : memref<1024x512xf32, #tpu.memory_space<vmem>>, vector<1024x128xf32>
    %dot_general3A = arith.constant dense<0.000000e+00> : vector<16x1024xf32>
    %dot_general3A_83 = tpu.matmul %add3A_79, %get3A_82, %dot_general3A {dimension_numbers = #tpu.dot_dimension_numbers<[1], [1], [0], [0], [0, 0, 1, 0], [], []>, transpose_lhs_hint = false} : vector<16x128xf32>, vector<1024x128xf32>, vector<16x1024xf32> -> vector<16x1024xf32>
    %add3A_84 = arith.addf %add3A_14, %dot_general3A_83 : vector<16x1024xf32>
    %broadcast_in_dim3A_85 = arith.constant 0.000000e+00 : f32
    %broadcast_in_dim3A_86 = vector.broadcast %broadcast_in_dim3A_85 : f32 to vector<16x128xf32>
    %get3A_87 = arith.constant 16 : index
    %get3A_88 = arith.constant 0 : index
    %get3A_89 = vector.load %arg0[%get3A_87, %get3A_88] : memref<1024x128xf32, #tpu.memory_space<vmem>>, vector<16x128xf32>
    %add3A_90 = arith.addf %broadcast_in_dim3A_86, %get3A_89 : vector<16x128xf32>
    %get3A_91 = arith.constant 80 : index
    %get3A_92 = arith.constant 0 : index
    %get3A_93 = vector.load %arg0[%get3A_91, %get3A_92] : memref<1024x128xf32, #tpu.memory_space<vmem>>, vector<16x128xf32>
    %add3A_94 = arith.addf %add3A_90, %get3A_93 : vector<16x128xf32>
    %get3A_95 = arith.constant 144 : index
    %get3A_96 = arith.constant 0 : index
    %get3A_97 = vector.load %arg0[%get3A_95, %get3A_96] : memref<1024x128xf32, #tpu.memory_space<vmem>>, vector<16x128xf32>
    %add3A_98 = arith.addf %add3A_94, %get3A_97 : vector<16x128xf32>
    %get3A_99 = arith.constant 208 : index
    %get3A_100 = arith.constant 0 : index
    %get3A_101 = vector.load %arg0[%get3A_99, %get3A_100] : memref<1024x128xf32, #tpu.memory_space<vmem>>, vector<16x128xf32>
    %add3A_102 = arith.addf %add3A_98, %get3A_101 : vector<16x128xf32>
    %get3A_103 = arith.constant 272 : index
    %get3A_104 = arith.constant 0 : index
    %get3A_105 = vector.load %arg0[%get3A_103, %get3A_104] : memref<1024x128xf32, #tpu.memory_space<vmem>>, vector<16x128xf32>
    %add3A_106 = arith.addf %add3A_102, %get3A_105 : vector<16x128xf32>
    %get3A_107 = arith.constant 336 : index
    %get3A_108 = arith.constant 0 : index
    %get3A_109 = vector.load %arg0[%get3A_107, %get3A_108] : memref<1024x128xf32, #tpu.memory_space<vmem>>, vector<16x128xf32>
    %add3A_110 = arith.addf %add3A_106, %get3A_109 : vector<16x128xf32>
    %get3A_111 = arith.constant 400 : index
    %get3A_112 = arith.constant 0 : index
    %get3A_113 = vector.load %arg0[%get3A_111, %get3A_112] : memref<1024x128xf32, #tpu.memory_space<vmem>>, vector<16x128xf32>
    %add3A_114 = arith.addf %add3A_110, %get3A_113 : vector<16x128xf32>
    %get3A_115 = arith.constant 464 : index
    %get3A_116 = arith.constant 0 : index
    %get3A_117 = vector.load %arg0[%get3A_115, %get3A_116] : memref<1024x128xf32, #tpu.memory_space<vmem>>, vector<16x128xf32>
    %add3A_118 = arith.addf %add3A_114, %get3A_117 : vector<16x128xf32>
    %get3A_119 = arith.constant 528 : index
    %get3A_120 = arith.constant 0 : index
    %get3A_121 = vector.load %arg0[%get3A_119, %get3A_120] : memref<1024x128xf32, #tpu.memory_space<vmem>>, vector<16x128xf32>
    %add3A_122 = arith.addf %add3A_118, %get3A_121 : vector<16x128xf32>
    %get3A_123 = arith.constant 592 : index
    %get3A_124 = arith.constant 0 : index
    %get3A_125 = vector.load %arg0[%get3A_123, %get3A_124] : memref<1024x128xf32, #tpu.memory_space<vmem>>, vector<16x128xf32>
    %add3A_126 = arith.addf %add3A_122, %get3A_125 : vector<16x128xf32>
    %get3A_127 = arith.constant 656 : index
    %get3A_128 = arith.constant 0 : index
    %get3A_129 = vector.load %arg0[%get3A_127, %get3A_128] : memref<1024x128xf32, #tpu.memory_space<vmem>>, vector<16x128xf32>
    %add3A_130 = arith.addf %add3A_126, %get3A_129 : vector<16x128xf32>
    %get3A_131 = arith.constant 720 : index
    %get3A_132 = arith.constant 0 : index
    %get3A_133 = vector.load %arg0[%get3A_131, %get3A_132] : memref<1024x128xf32, #tpu.memory_space<vmem>>, vector<16x128xf32>
    %add3A_134 = arith.addf %add3A_130, %get3A_133 : vector<16x128xf32>
    %get3A_135 = arith.constant 784 : index
    %get3A_136 = arith.constant 0 : index
    %get3A_137 = vector.load %arg0[%get3A_135, %get3A_136] : memref<1024x128xf32, #tpu.memory_space<vmem>>, vector<16x128xf32>
    %add3A_138 = arith.addf %add3A_134, %get3A_137 : vector<16x128xf32>
    %get3A_139 = arith.constant 848 : index
    %get3A_140 = arith.constant 0 : index
    %get3A_141 = vector.load %arg0[%get3A_139, %get3A_140] : memref<1024x128xf32, #tpu.memory_space<vmem>>, vector<16x128xf32>
    %add3A_142 = arith.addf %add3A_138, %get3A_141 : vector<16x128xf32>
    %get3A_143 = arith.constant 912 : index
    %get3A_144 = arith.constant 0 : index
    %get3A_145 = vector.load %arg0[%get3A_143, %get3A_144] : memref<1024x128xf32, #tpu.memory_space<vmem>>, vector<16x128xf32>
    %add3A_146 = arith.addf %add3A_142, %get3A_145 : vector<16x128xf32>
    %get3A_147 = arith.constant 976 : index
    %get3A_148 = arith.constant 0 : index
    %get3A_149 = vector.load %arg0[%get3A_147, %get3A_148] : memref<1024x128xf32, #tpu.memory_space<vmem>>, vector<16x128xf32>
    %add3A_150 = arith.addf %add3A_146, %get3A_149 : vector<16x128xf32>
    %get3A_151 = arith.constant 0 : index
    %get3A_152 = arith.constant 128 : index
    %get3A_153 = vector.load %arg3[%get3A_151, %get3A_152] : memref<1024x512xf32, #tpu.memory_space<vmem>>, vector<1024x128xf32>
    %dot_general3A_154 = arith.constant dense<0.000000e+00> : vector<16x1024xf32>
    %dot_general3A_155 = tpu.matmul %add3A_150, %get3A_153, %dot_general3A_154 {dimension_numbers = #tpu.dot_dimension_numbers<[1], [1], [0], [0], [0, 0, 1, 0], [], []>, transpose_lhs_hint = false} : vector<16x128xf32>, vector<1024x128xf32>, vector<16x1024xf32> -> vector<16x1024xf32>
    %add3A_156 = arith.addf %add3A_84, %dot_general3A_155 : vector<16x1024xf32>
    %broadcast_in_dim3A_157 = arith.constant 0.000000e+00 : f32
    %broadcast_in_dim3A_158 = vector.broadcast %broadcast_in_dim3A_157 : f32 to vector<16x128xf32>
    %get3A_159 = arith.constant 32 : index
    %get3A_160 = arith.constant 0 : index
    %get3A_161 = vector.load %arg0[%get3A_159, %get3A_160] : memref<1024x128xf32, #tpu.memory_space<vmem>>, vector<16x128xf32>
    %add3A_162 = arith.addf %broadcast_in_dim3A_158, %get3A_161 : vector<16x128xf32>
    %get3A_163 = arith.constant 96 : index
    %get3A_164 = arith.constant 0 : index
    %get3A_165 = vector.load %arg0[%get3A_163, %get3A_164] : memref<1024x128xf32, #tpu.memory_space<vmem>>, vector<16x128xf32>
    %add3A_166 = arith.addf %add3A_162, %get3A_165 : vector<16x128xf32>
    %get3A_167 = arith.constant 160 : index
    %get3A_168 = arith.constant 0 : index
    %get3A_169 = vector.load %arg0[%get3A_167, %get3A_168] : memref<1024x128xf32, #tpu.memory_space<vmem>>, vector<16x128xf32>
    %add3A_170 = arith.addf %add3A_166, %get3A_169 : vector<16x128xf32>
    %get3A_171 = arith.constant 224 : index
    %get3A_172 = arith.constant 0 : index
    %get3A_173 = vector.load %arg0[%get3A_171, %get3A_172] : memref<1024x128xf32, #tpu.memory_space<vmem>>, vector<16x128xf32>
    %add3A_174 = arith.addf %add3A_170, %get3A_173 : vector<16x128xf32>
    %get3A_175 = arith.constant 288 : index
    %get3A_176 = arith.constant 0 : index
    %get3A_177 = vector.load %arg0[%get3A_175, %get3A_176] : memref<1024x128xf32, #tpu.memory_space<vmem>>, vector<16x128xf32>
    %add3A_178 = arith.addf %add3A_174, %get3A_177 : vector<16x128xf32>
    %get3A_179 = arith.constant 352 : index
    %get3A_180 = arith.constant 0 : index
    %get3A_181 = vector.load %arg0[%get3A_179, %get3A_180] : memref<1024x128xf32, #tpu.memory_space<vmem>>, vector<16x128xf32>
    %add3A_182 = arith.addf %add3A_178, %get3A_181 : vector<16x128xf32>
    %get3A_183 = arith.constant 416 : index
    %get3A_184 = arith.constant 0 : index
    %get3A_185 = vector.load %arg0[%get3A_183, %get3A_184] : memref<1024x128xf32, #tpu.memory_space<vmem>>, vector<16x128xf32>
    %add3A_186 = arith.addf %add3A_182, %get3A_185 : vector<16x128xf32>
    %get3A_187 = arith.constant 480 : index
    %get3A_188 = arith.constant 0 : index
    %get3A_189 = vector.load %arg0[%get3A_187, %get3A_188] : memref<1024x128xf32, #tpu.memory_space<vmem>>, vector<16x128xf32>
    %add3A_190 = arith.addf %add3A_186, %get3A_189 : vector<16x128xf32>
    %get3A_191 = arith.constant 544 : index
    %get3A_192 = arith.constant 0 : index
    %get3A_193 = vector.load %arg0[%get3A_191, %get3A_192] : memref<1024x128xf32, #tpu.memory_space<vmem>>, vector<16x128xf32>
    %add3A_194 = arith.addf %add3A_190, %get3A_193 : vector<16x128xf32>
    %get3A_195 = arith.constant 608 : index
    %get3A_196 = arith.constant 0 : index
    %get3A_197 = vector.load %arg0[%get3A_195, %get3A_196] : memref<1024x128xf32, #tpu.memory_space<vmem>>, vector<16x128xf32>
    %add3A_198 = arith.addf %add3A_194, %get3A_197 : vector<16x128xf32>
    %get3A_199 = arith.constant 672 : index
    %get3A_200 = arith.constant 0 : index
    %get3A_201 = vector.load %arg0[%get3A_199, %get3A_200] : memref<1024x128xf32, #tpu.memory_space<vmem>>, vector<16x128xf32>
    %add3A_202 = arith.addf %add3A_198, %get3A_201 : vector<16x128xf32>
    %get3A_203 = arith.constant 736 : index
    %get3A_204 = arith.constant 0 : index
    %get3A_205 = vector.load %arg0[%get3A_203, %get3A_204] : memref<1024x128xf32, #tpu.memory_space<vmem>>, vector<16x128xf32>
    %add3A_206 = arith.addf %add3A_202, %get3A_205 : vector<16x128xf32>
    %get3A_207 = arith.constant 800 : index
    %get3A_208 = arith.constant 0 : index
    %get3A_209 = vector.load %arg0[%get3A_207, %get3A_208] : memref<1024x128xf32, #tpu.memory_space<vmem>>, vector<16x128xf32>
    %add3A_210 = arith.addf %add3A_206, %get3A_209 : vector<16x128xf32>
    %get3A_211 = arith.constant 864 : index
    %get3A_212 = arith.constant 0 : index
    %get3A_213 = vector.load %arg0[%get3A_211, %get3A_212] : memref<1024x128xf32, #tpu.memory_space<vmem>>, vector<16x128xf32>
    %add3A_214 = arith.addf %add3A_210, %get3A_213 : vector<16x128xf32>
    %get3A_215 = arith.constant 928 : index
    %get3A_216 = arith.constant 0 : index
    %get3A_217 = vector.load %arg0[%get3A_215, %get3A_216] : memref<1024x128xf32, #tpu.memory_space<vmem>>, vector<16x128xf32>
    %add3A_218 = arith.addf %add3A_214, %get3A_217 : vector<16x128xf32>
    %get3A_219 = arith.constant 992 : index
    %get3A_220 = arith.constant 0 : index
    %get3A_221 = vector.load %arg0[%get3A_219, %get3A_220] : memref<1024x128xf32, #tpu.memory_space<vmem>>, vector<16x128xf32>
    %add3A_222 = arith.addf %add3A_218, %get3A_221 : vector<16x128xf32>
    %get3A_223 = arith.constant 0 : index
    %get3A_224 = arith.constant 256 : index
    %get3A_225 = vector.load %arg3[%get3A_223, %get3A_224] : memref<1024x512xf32, #tpu.memory_space<vmem>>, vector<1024x128xf32>
    %dot_general3A_226 = arith.constant dense<0.000000e+00> : vector<16x1024xf32>
    %dot_general3A_227 = tpu.matmul %add3A_222, %get3A_225, %dot_general3A_226 {dimension_numbers = #tpu.dot_dimension_numbers<[1], [1], [0], [0], [0, 0, 1, 0], [], []>, transpose_lhs_hint = false} : vector<16x128xf32>, vector<1024x128xf32>, vector<16x1024xf32> -> vector<16x1024xf32>
    %add3A_228 = arith.addf %add3A_156, %dot_general3A_227 : vector<16x1024xf32>
    %broadcast_in_dim3A_229 = arith.constant 0.000000e+00 : f32
    %broadcast_in_dim3A_230 = vector.broadcast %broadcast_in_dim3A_229 : f32 to vector<16x128xf32>
    %get3A_231 = arith.constant 48 : index
    %get3A_232 = arith.constant 0 : index
    %get3A_233 = vector.load %arg0[%get3A_231, %get3A_232] : memref<1024x128xf32, #tpu.memory_space<vmem>>, vector<16x128xf32>
    %add3A_234 = arith.addf %broadcast_in_dim3A_230, %get3A_233 : vector<16x128xf32>
    %get3A_235 = arith.constant 112 : index
    %get3A_236 = arith.constant 0 : index
    %get3A_237 = vector.load %arg0[%get3A_235, %get3A_236] : memref<1024x128xf32, #tpu.memory_space<vmem>>, vector<16x128xf32>
    %add3A_238 = arith.addf %add3A_234, %get3A_237 : vector<16x128xf32>
    %get3A_239 = arith.constant 176 : index
    %get3A_240 = arith.constant 0 : index
    %get3A_241 = vector.load %arg0[%get3A_239, %get3A_240] : memref<1024x128xf32, #tpu.memory_space<vmem>>, vector<16x128xf32>
    %add3A_242 = arith.addf %add3A_238, %get3A_241 : vector<16x128xf32>
    %get3A_243 = arith.constant 240 : index
    %get3A_244 = arith.constant 0 : index
    %get3A_245 = vector.load %arg0[%get3A_243, %get3A_244] : memref<1024x128xf32, #tpu.memory_space<vmem>>, vector<16x128xf32>
    %add3A_246 = arith.addf %add3A_242, %get3A_245 : vector<16x128xf32>
    %get3A_247 = arith.constant 304 : index
    %get3A_248 = arith.constant 0 : index
    %get3A_249 = vector.load %arg0[%get3A_247, %get3A_248] : memref<1024x128xf32, #tpu.memory_space<vmem>>, vector<16x128xf32>
    %add3A_250 = arith.addf %add3A_246, %get3A_249 : vector<16x128xf32>
    %get3A_251 = arith.constant 368 : index
    %get3A_252 = arith.constant 0 : index
    %get3A_253 = vector.load %arg0[%get3A_251, %get3A_252] : memref<1024x128xf32, #tpu.memory_space<vmem>>, vector<16x128xf32>
    %add3A_254 = arith.addf %add3A_250, %get3A_253 : vector<16x128xf32>
    %get3A_255 = arith.constant 432 : index
    %get3A_256 = arith.constant 0 : index
    %get3A_257 = vector.load %arg0[%get3A_255, %get3A_256] : memref<1024x128xf32, #tpu.memory_space<vmem>>, vector<16x128xf32>
    %add3A_258 = arith.addf %add3A_254, %get3A_257 : vector<16x128xf32>
    %get3A_259 = arith.constant 496 : index
    %get3A_260 = arith.constant 0 : index
    %get3A_261 = vector.load %arg0[%get3A_259, %get3A_260] : memref<1024x128xf32, #tpu.memory_space<vmem>>, vector<16x128xf32>
    %add3A_262 = arith.addf %add3A_258, %get3A_261 : vector<16x128xf32>
    %get3A_263 = arith.constant 560 : index
    %get3A_264 = arith.constant 0 : index
    %get3A_265 = vector.load %arg0[%get3A_263, %get3A_264] : memref<1024x128xf32, #tpu.memory_space<vmem>>, vector<16x128xf32>
    %add3A_266 = arith.addf %add3A_262, %get3A_265 : vector<16x128xf32>
    %get3A_267 = arith.constant 624 : index
    %get3A_268 = arith.constant 0 : index
    %get3A_269 = vector.load %arg0[%get3A_267, %get3A_268] : memref<1024x128xf32, #tpu.memory_space<vmem>>, vector<16x128xf32>
    %add3A_270 = arith.addf %add3A_266, %get3A_269 : vector<16x128xf32>
    %get3A_271 = arith.constant 688 : index
    %get3A_272 = arith.constant 0 : index
    %get3A_273 = vector.load %arg0[%get3A_271, %get3A_272] : memref<1024x128xf32, #tpu.memory_space<vmem>>, vector<16x128xf32>
    %add3A_274 = arith.addf %add3A_270, %get3A_273 : vector<16x128xf32>
    %get3A_275 = arith.constant 752 : index
    %get3A_276 = arith.constant 0 : index
    %get3A_277 = vector.load %arg0[%get3A_275, %get3A_276] : memref<1024x128xf32, #tpu.memory_space<vmem>>, vector<16x128xf32>
    %add3A_278 = arith.addf %add3A_274, %get3A_277 : vector<16x128xf32>
    %get3A_279 = arith.constant 816 : index
    %get3A_280 = arith.constant 0 : index
    %get3A_281 = vector.load %arg0[%get3A_279, %get3A_280] : memref<1024x128xf32, #tpu.memory_space<vmem>>, vector<16x128xf32>
    %add3A_282 = arith.addf %add3A_278, %get3A_281 : vector<16x128xf32>
    %get3A_283 = arith.constant 880 : index
    %get3A_284 = arith.constant 0 : index
    %get3A_285 = vector.load %arg0[%get3A_283, %get3A_284] : memref<1024x128xf32, #tpu.memory_space<vmem>>, vector<16x128xf32>
    %add3A_286 = arith.addf %add3A_282, %get3A_285 : vector<16x128xf32>
    %get3A_287 = arith.constant 944 : index
    %get3A_288 = arith.constant 0 : index
    %get3A_289 = vector.load %arg0[%get3A_287, %get3A_288] : memref<1024x128xf32, #tpu.memory_space<vmem>>, vector<16x128xf32>
    %add3A_290 = arith.addf %add3A_286, %get3A_289 : vector<16x128xf32>
    %get3A_291 = arith.constant 1008 : index
    %get3A_292 = arith.constant 0 : index
    %get3A_293 = vector.load %arg0[%get3A_291, %get3A_292] : memref<1024x128xf32, #tpu.memory_space<vmem>>, vector<16x128xf32>
    %add3A_294 = arith.addf %add3A_290, %get3A_293 : vector<16x128xf32>
    %get3A_295 = arith.constant 0 : index
    %get3A_296 = arith.constant 384 : index
    %get3A_297 = vector.load %arg3[%get3A_295, %get3A_296] : memref<1024x512xf32, #tpu.memory_space<vmem>>, vector<1024x128xf32>
    %dot_general3A_298 = arith.constant dense<0.000000e+00> : vector<16x1024xf32>
    %dot_general3A_299 = tpu.matmul %add3A_294, %get3A_297, %dot_general3A_298 {dimension_numbers = #tpu.dot_dimension_numbers<[1], [1], [0], [0], [0, 0, 1, 0], [], []>, transpose_lhs_hint = false} : vector<16x128xf32>, vector<1024x128xf32>, vector<16x1024xf32> -> vector<16x1024xf32>
    %add3A_300 = arith.addf %add3A_228, %dot_general3A_299 : vector<16x1024xf32>
    %add3A_301 = arith.constant 1.000000e+00 : f32
    %add3A_302 = vector.broadcast %add3A_301 : f32 to vector<16x1xf32>
    %add3A_303 = arith.addf %get3A_1, %add3A_302 : vector<16x1xf32>
    %div3A = vector.broadcast %add3A_303 : vector<16x1xf32> to vector<16x1024xf32>
    %div3A_304 = arith.divf %add3A_300, %div3A : vector<16x1024xf32>
    %get3A_305 = arith.constant 0 : index
    %get3A_306 = arith.constant 0 : index
    %get3A_307 = vector.load %arg6[%get3A_305, %get3A_306] : memref<1024x1024xf32, #tpu.memory_space<vmem>>, vector<1024x1024xf32>
    %dot_general3A_308 = arith.constant dense<0.000000e+00> : vector<16x1024xf32>
    %dot_general3A_309 = tpu.matmul %div3A_304, %get3A_307, %dot_general3A_308 {dimension_numbers = #tpu.dot_dimension_numbers<[1], [1], [0], [0], [0, 0, 1, 0], [], []>, transpose_lhs_hint = false} : vector<16x1024xf32>, vector<1024x1024xf32>, vector<16x1024xf32> -> vector<16x1024xf32>
    %get3A_310 = arith.constant 0 : index
    %get3A_311 = arith.constant 0 : index
    %get3A_312 = vector.load %arg7[%get3A_310, %get3A_311] : memref<1x1024xf32, #tpu.memory_space<vmem>>, vector<1x1024xf32>
    %add3A_313 = vector.broadcast %get3A_312 : vector<1x1024xf32> to vector<16x1024xf32>
    %add3A_314 = arith.addf %dot_general3A_309, %add3A_313 : vector<16x1024xf32>
    %tanh3A = math.tanh %add3A_314 : vector<16x1024xf32>
    %swap3A = arith.constant 0 : index
    %swap3A_315 = arith.constant 0 : index
    %swap3A_316 = vector.load %arg8[%swap3A, %swap3A_315] : memref<16x1024xf32, #tpu.memory_space<vmem>>, vector<16x1024xf32>
    tpu.vector_store %arg8[%swap3A, %swap3A_315], %tanh3A {strides = array<i32>} : memref<16x1024xf32, #tpu.memory_space<vmem>>, vector<16x1024xf32>,
    return
  }
}

</mosaic_0001>

<sc_bundles>
// kernel: kernel.5.cloned.1.call-start
scs
__scs_entry_jumppad:
0x0: {  	(pc) =	sbr.rel $0x88, $3  }
0x1: {  	(tag) =	ssettag $0x0;
	lr =	simm.s32 $0x1  }
0x2: {  	[smem:$0x3F9A] =	sst lr;
	_ =	strace $0xD0000000  }
0x3: {  	_ = 	snop  }
0x4: {  	_ = 	snop  }
0x5: {  	_ = 	snop  }
0x6: {  	_ = 	snop  }
0x7: {  	_ = 	snop  }
__scs_overlays_trampoline_lowered:
0x8: {  	[smem:$0x3FA9] =	sst s0  }
0x9: {  	[smem:$0x3FAA] =	sst s1  }
0xa: {  	[smem:$0x3FAB] =	sst s2  }
0xb: {  	[smem:$0x3FAC] =	sst s3  }
0xc: {  	[smem:$0x3FAD] =	sst s4  }
0xd: {  	[smem:$0x3FAE] =	sst s5  }
0xe: {  	[smem:$0x3FAF] =	sst s6  }
0xf: {  	[smem:$0x3FB0] =	sst s7  }
0x10: {  	[smem:$0x3FB1] =	sst s8  }
0x11: {  	[smem:$0x3FB2] =	sst s9;
	s0 =	simm.s32 @!p0 $0x0  }
0x12: {  	s1 =	sld [smem:$0x3F98];
	s0 =	simm.s32 @p0 $0x1  }
0x13: {  	[smem:$0x3FB3] =	sst s0;
	s0 =	simm.s32 @!p1 $0x0  }
0x14: {  	s2 =	sld [smem:$0x3F97];
	s0 =	simm.s32 @p1 $0x1  }
0x15: {  	[smem:$0x3FB4] =	sst s0;
	s0 =	simm.s32 @!p2 $0x0  }
0x16: {  	s3 =	sld [smem:$0x3FDB];
	s0 =	simm.s32 @p2 $0x1  }
0x17: {  	s4 =	simm.s32 $0x1BF5;
	[smem:$0x3FB6] =	sst s0  }
0x18: {  	s0 =	sld [smem:$0x3F99];
	_ =	swait.ge [sflag:s4], $0x0  }
0x19: {  	s7 =	sld [smem:$0x3F9A]  }
0x1a: {  	s8 =	sadd.s32 $0xFFFFE003, lr  }
0x1b: {  	s9 =	sadd.s32 $0xFFFFFEF7, lr;
	s5 =	simm.s32 $0xFFFFFFFF;
	p2 =	slt.u32 s8, $0xFFFFF086  }
0x1c: {  	p1 =	slt.u32 s9, $0xF7A;
	s5 =	simm.s32 @!p2 $0x0  }
0x1d: {  	s5 =	simm.s32 @p1 $0x1;
	p0 =	seq.s32 s7, s2  }
0x1e: {  	s7 =	smul.u32 @!p0 $0xF7A, s2;
	p2 =	seq.s32 @!p0 s5, $0x0  }
0x1f: {  	s9 =	smul.u32 $0xF7A, s1;
	s8 =	simm.s32 @!p0 $0x1BF5;
	p2 =	por !p2, p0  }
0x20: {  	[sflag:s8] =	ssyncset.s32 @!p0 $0xFFFFF086;
	s6 =	sadd.s32 @!p0 s3, s7;
	s7 =	simm.s32 @!p0 $0x108  }
0x21: {  	s3 =	sadd.s32 s3, s9;
	s6 =	sadd.s32 @!p0 $0x88, s6;
	s7 =	simm.s32 @p2 $0x1082  }
0x22: {  	[simem:s7], [sflag:s8] =	dma.local @!p0 [hbm:s6], $0xF7A  }
0x23: {  	s9 =	sor.u32 $0xD0000000, s2;
	s6 =	simm.s32 $0x108;
	_ =	swait.ge @!p0 [sflag:s8], $0x0  }
0x24: {  	s3 =	sadd.s32 $0x88, s3;
	s6 =	simm.s32 @!p1 $0x1082;
	[sflag:s4] =	ssyncset.s32 $0xFFFFF086  }
0x25: {  	[simem:s6], [sflag:s4] =	dma.local [hbm:s3], $0xF7A  }
0x26: {  	[smem:$0x3F9A] =	sst s1;
	(tag) =	ssettag s2;
	_ =	strace s9  }
0x27: {  	s1 =	sld [smem:$0x3FAA]  }
0x28: {  	s2 =	sld [smem:$0x3FAB]  }
0x29: {  	s4 =	sld [smem:$0x3FAD]  }
0x2a: {  	p0 =	seq.s32 s5, $0x0;
	s5 =	sld [smem:$0x3FAE]  }
0x2b: {  	s6 =	sld [smem:$0x3FAF]  }
0x2c: {  	s7 =	sld [smem:$0x3FB0]  }
0x2d: {  	s3 =	simm.s32 $0x108;
	s8 =	sld [smem:$0x3FB1]  }
0x2e: {  	s3 =	simm.s32 @!p0 $0x1082;
	s9 =	sld [smem:$0x3FB2]  }
0x2f: {  	lr =	sadd.s32 s0, s3;
	s0 =	sld [smem:$0x3FA9]  }
0x30: {  	s3 =	sld [smem:$0x3FAC]  }
0x31: {  	[smem:$0x3FB5] =	sst s10  }
0x32: {  	s10 =	sld [smem:$0x3FB3];
	_ =	sdelay $0x3  }
0x33: {  	p0 =	seq.s32 s10, $0x1;
	s10 =	sld [smem:$0x3FB5];
	_ =	sdelay $0x3  }
0x34: {  	[smem:$0x3FB5] =	sst s10  }
0x35: {  	s10 =	sld [smem:$0x3FB4];
	_ =	sdelay $0x3  }
0x36: {  	p1 =	seq.s32 s10, $0x1;
	s10 =	sld [smem:$0x3FB5];
	_ =	sdelay $0x3  }
0x37: {  	[smem:$0x3FB5] =	sst s10  }
0x38: {  	s10 =	sld [smem:$0x3FB6]  }
0x39: {  	_ = 	snop;
	(pc) =	sbr.ind lr, $3  }
0x3a: {  	_ = 	snop  }
0x3b: {  	_ = 	snop  }
0x3c: {  	p2 =	seq.s32 s10, $0x1;
	s10 =	sld [smem:$0x3FB5]  }
0x3d: {  	_ =	shalt  }
0x3e: {  	_ =	shalt  }
0x3f: {  	_ =	shalt  }
0x40: {  	_ =	shalt  }
0x41: {  	_ =	shalt  }
0x42: {  	_ =	shalt  }
0x43: {  	_ =	shalt  }
0x44: {  	_ =	shalt  }
0x45: {  	_ =	shalt  }
0x46: {  	_ =	shalt  }
0x47: {  	_ =	shalt  }
0x48: {  	_ =	shalt  }
0x49: {  	_ =	shalt  }
0x4a: {  	_ =	shalt  }
0x4b: {  	_ =	shalt  }
0x4c: {  	_ =	shalt  }
0x4d: {  	_ =	shalt  }
0x4e: {  	_ =	shalt  }
0x4f: {  	_ =	shalt  }
0x50: {  	_ =	shalt  }
0x51: {  	_ =	shalt  }
0x52: {  	_ =	shalt  }
0x53: {  	_ =	shalt  }
0x54: {  	_ =	shalt  }
0x55: {  	_ =	shalt  }
0x56: {  	_ =	shalt  }
0x57: {  	_ =	shalt  }
0x58: {  	_ =	shalt  }
0x59: {  	_ =	shalt  }
0x5a: {  	_ =	shalt  }
0x5b: {  	_ =	shalt  }
0x5c: {  	_ =	shalt  }
0x5d: {  	_ =	shalt  }
0x5e: {  	_ =	shalt  }
0x5f: {  	_ =	shalt  }
0x60: {  	_ =	shalt  }
0x61: {  	_ =	shalt  }
0x62: {  	_ =	shalt  }
0x63: {  	_ =	shalt  }
0x64: {  	_ =	shalt  }
0x65: {  	_ =	shalt  }
0x66: {  	_ =	shalt  }
0x67: {  	_ =	shalt  }
0x68: {  	_ =	shalt  }
0x69: {  	_ =	shalt  }
0x6a: {  	_ =	shalt  }
0x6b: {  	_ =	shalt  }
0x6c: {  	_ =	shalt  }
0x6d: {  	_ =	shalt  }
0x6e: {  	_ =	shalt  }
0x6f: {  	_ =	shalt  }
0x70: {  	_ =	shalt  }
0x71: {  	_ =	shalt  }
0x72: {  	_ =	shalt  }
0x73: {  	_ =	shalt  }
0x74: {  	_ =	shalt  }
0x75: {  	_ =	shalt  }
0x76: {  	_ =	shalt  }
0x77: {  	_ =	shalt  }
0x78: {  	_ =	shalt  }
0x79: {  	_ =	shalt  }
0x7a: {  	_ =	shalt  }
0x7b: {  	_ =	shalt  }
0x7c: {  	_ =	shalt  }
0x7d: {  	_ =	shalt  }
0x7e: {  	_ =	shalt  }
0x7f: {  	_ =	shalt  }
0x80: {  	_ =	shalt  }
0x81: {  	_ =	shalt  }
0x82: {  	_ =	shalt  }
0x83: {  	_ =	shalt  }
0x84: {  	_ =	shalt  }
0x85: {  	_ =	shalt  }
0x86: {  	_ =	shalt  }
0x87: {  	_ =	shalt  }
.Lfunc_end0:
.L_simem_size_0:
called_computation_lowered:
.L_overlay_start_0:
0x88: {  	s2 =	sld [smem:$0x3FD9]  }
0x89: {  	s3 =	sld [smem:$0x3FFE];
	_ =	sdelay $0x1  }
0x8a: {  	s1 =	srdreg.scid  }
0x8b: {  	s0 =	sand.u32 $0x1, s1  }
0x8c: {  	s17 =	sshll.u32 s0, $0xA;
	s2 =	sadd.s32 s3, s2  }
0x8d: {  	s2 =	sadd.s32 s2, s17  }
0x8e: {  	[smem:$0x3FC1] =	sst s2  }
0x8f: {  	_ = 	snop  }
0x90: {  	s2 =	sld [smem:$0x3FC9];
	(tm) =	ssettm $0x1  }
0x91: {  	s18 =	sld [smem:$0x3FFB];
	_ =	sdelay $0x3  }
0x92: {  	_ =	strace s18  }
0x93: {  	s3 =	sld [smem:$0x3FFC];
	_ =	sdelay $0x3  }
0x94: {  	_ =	strace s3  }
0x95: {  	s3 =	sld [smem:$0x3FFD];
	_ =	sdelay $0x3  }
0x96: {  	_ =	strace s3  }
0x97: {  	_ =	strace $0x8FFFFFFF  }
0x98: {  	s19 =	sld [smem:$0x3FDB];
	_ =	sdelay $0x1  }
0x99: {  	s4 =	simm.s32 $_scs_section_size  }
0x9a: {  	s5 =	simm.s32 $_size__tile_overlayer_lowered;
	s6 =	simm.s32 $_tile_overlayer_lowered  }
0x9b: {  	s22 =	simm.s32 $0x1BFF;
	s21 =	sshll.u32 s6, $0x1;
	s3 =	sadd.s32 s4, s19  }
0x9c: {  	s7 =	simm.s32 $0x0;
	s20 =	sshll.u32 s5, $0x1;
	s5 =	sadd.s32 s21, s3  }
0x9d: {  	[timem:s7], [sflag:s22] =	dma.local [hbm:s5], s20  }
0x9e: {  	_ =	swait.ge [sflag:s22], s20  }
0x9f: {  	s4 =	ssub.s32 $0x0, s20;
	[sflag:s22] =	ssyncset.done $0x0  }
0xa0: {  	[sflag:s22] =	ssyncadd.s32 s4;
	_ =	sdelay $0x1  }
0xa1: {  	s23 =	simm.s32 $0x1B8B  }
0xa2: {  	_ =	swait.ge [sflag:s23], $0x1  }
0xa3: {  	[sflag:s23] =	ssyncset.done $0x0  }
0xa4: {  	s25 =	simm.s32 $0x1B8E;
	s24 =	sld [smem:$0x3FFE];
	[sflag:s23] =	ssyncadd.s32 $0xFFFFFFFF  }
0xa5: {  	s26 =	simm.s32 $execute0_lowered;
	[smem:$0x3FD2] =	sst s25  }
0xa6: {  	s5 =	sshll.u32 s26, $0x1;
	_ =	strace $0x80000046;
	[dreg:$0x1] =	wrdreg $0xFFFFFFFF  }
0xa7: {  	s28 =	simm.s32 $_size_execute0_lowered;
	s3 =	sadd.s32 s3, s5;
	[dreg:$0x0] =	wrdreg $0x0  }
0xa8: {  	s5 =	sshll.u32 s28, $0x1;
	[dreg:$0x2] =	wrdreg s3  }
0xa9: {  	[dreg:$0x3] =	wrdreg s5  }
0xaa: {  	[dreg:$0x4] =	wrdreg $0xC0  }
0xab: {  	_ =	task [dreg:s7], $0x5FFFF  }
0xac: {  	[dreg:$0x1] =	wrdreg $0xFFFFFFFF  }
0xad: {  	[dreg:$0x0] =	wrdreg $0x60  }
0xae: {  	[dreg:$0x2] =	wrdreg s2  }
0xaf: {  	[dreg:$0x3] =	wrdreg s24  }
0xb0: {  	[dreg:$0x4] =	wrdreg $0x9  }
0xb1: {  	_ =	task.clear_ibuf [dreg:s7], $0x5FFFF;
	_ =	strace $0x90000046  }
0xb2: {  	s29 =	simm.s32 $0x9;
	_ =	strace $0x80000048  }
0xb3: {  	_ =	swait.ge [sflag:s29], $0x1  }
0xb4: {  	[sflag:s29] =	ssyncadd.s32 $0xFFFFFFFF  }
0xb5: {  	_ =	strace $0x90000048  }
0xb6: {  	_ =	sfence  }
0xb7: {  	s30 =	sld [smem:$0x0];
	_ =	sdelay $0x2  }
0xb8: {  	s31 =	sshll.u32 s1, $0xD;
	s1 =	sshrl.u32 s1, $0x2  }
0xb9: {  	s3 =	sand.u32 $0x4000, s31;
	s1 =	sadd.s32 s1, s30  }
0xba: {  	s0 =	sor.u32 s3, s0;
	s1 =	sshll.u32 s1, $0x11  }
0xbb: {  	s0 =	sor.u32 s1, s0  }
0xbc: {  	s0 =	sadd.s32 $0x8F2B, s0  }
0xbd: {  	[sflag:s0] =	ssyncadd.remote.s32 $0x1  }
0xbe: {  	_ =	sfence.sel $0xFFFF  }
0xbf: {  	[dreg:$0x0] =	wrdreg $0xFFFFFFFF;
	(pc) =	sbr.abs _section_cstart, $3  }
0xc0: {  	[dreg:$0x1] =	wrdreg $0xFFFFFFFF  }
0xc1: {  	_ =	task.clear_ibuf [dreg:s7], $0x2FFFF;
	_ =	strace $0x9FFFFFFF  }
0xc2: {  	(tm) =	ssettm $0x7FFFFFFF  }
0xc3: {  	_ =	shalt  }
tec
execute0_lowered:
.L_overlay_start_1:
0x0: {  	(tag) =	ssettag $0x1  }
0x1: {  	s1 =	rddreg [dreg:$0x0]  }
0x2: {  	s0 =	rddreg [dreg:$0x1];
	s2 =	srdreg.scid  }
0x3: {  	s3 =	simm.s32 $0x0;
	s4 =	stileid.u32;
	s9 =	simm.s32 $0x3  }
0x4: {  	s10 =	simm.s32 $0x1;
	s2 =	sand.u32 $0x1, s2;
	[smem:$0x7FF] =	sst s3  }
0x5: {  	s4 =	sshll.u32 s4, $0xA;
	s6 =	sadd.s32 $0xC00, s0;
	s5 =	sshll.u32 s2, $0x9  }
.Ltmp0:
0x6: {  	s28 =	ssub.s32 $0x2, s2;
	s4 =	sor.u32 s5, s4;
	(pc) =	sbr.rel .LBB2_1-.Ltmp0, $4  }
0x7: {  	_ =	strace $0x80000047;
	s29 =	sshrl.u32 s28, $0x1;
	s0 =	sadd.s32 s4, s0  }
0x8: {  	[dreg:$0x3] =	wrdreg s6;
	s4 =	ssub.s32 s28, s29;
	s30 =	sadd.s32 $0xE00, s0  }
0x9: {  	s15 =	simm.s32 $0x0;
	s31 =	smax.u32 s4, $0x1;
	[dreg:$0x4] =	wrdreg s30  }
0xa: {  	v0 =	vimm.f32 $0.0e+00;
	s5 =	sshll.u32 s2, $0xB;
	s7 =	sadd.s32 $0xF00, s0;
	[dreg:$0x5] =	wrdreg s31  }
.LBB2_24:
0xb: {  	s0 =	rddreg [dreg:$0x4];
	s2 =	simm.s32 $0x8080  }
0xc: {  	[hbm4b:s0+s3] =	stream.linear.scatter [tilespmem:s2], [sflag:$0x3], $0x400, $0x38;
	[tilespmem:$0x9080] =	vst v63  }
0xd: {  	s26 =	simm.s32 $0x8880;
	s0 =	sadd.s32 $0x80, s0  }
0xe: {  	[hbm4b:s0+s3] =	stream.linear.scatter [tilespmem:s26], [sflag:$0x3], $0x400, $0x38;
	[tilespmem:$0x9080] =	vst v63  }
0xf: {  	_ =	swait.ge [sflag:s9], $0x800  }
0x10: {  	[sflag:s9] =	ssyncset.done $0x0  }
0x11: {  	s28 =	simm.s32 $0x8480;
	[sflag:s9] =	ssyncadd.s32 $0xFFFFF800  }
0x12: {  	[hbm4b:s7+s3] =	stream.linear.scatter [tilespmem:s28], [sflag:$0x3], $0x400, $0x38;
	[tilespmem:$0x9080] =	vst v63  }
0x13: {  	s29 =	sadd.s32 $0x80, s7;
	s30 =	simm.s32 $0x8C80  }
0x14: {  	[hbm4b:s29+s3] =	stream.linear.scatter [tilespmem:s30], [sflag:$0x3], $0x400, $0x38;
	[tilespmem:$0x9080] =	vst v63  }
0x15: {  	_ =	swait.ge [sflag:s9], $0x800  }
0x16: {  	s15 =	sadd.s32 $0x1, s15;
	s31 =	rddreg [dreg:$0x5]  }
0x17: {  	p0 =	sne.s32 s15, s31  }
.Ltmp1:
0x18: {  	_ = 	snop;
	(pc) =	sbr.rel @!p0 .LBB2_25-.Ltmp1, $3  }
0x19: {  	_ =	sdelay $0x1  }
0x1a: {  	[sflag:s9] =	ssyncset.done $0x0  }
0x1b: {  	[sflag:s9] =	ssyncadd.s32 $0xFFFFF800  }
.LBB2_1:
0x1c: {  	s0 =	rddreg [dreg:$0x3]  }
0x1d: {  	[tilespmem:s3], [sflag:$0x3] =	stream.linear.gather [hbm4b:s0+s3], $0x80, $0x38;
	[tilespmem:$0x9080] =	vst v63  }
0x1e: {  	_ =	swait.ge [sflag:s9], $0x80  }
0x1f: {  	s31 =	sand.u32 $0x800, s3;
	s2 =	sand.u32 $0x380, s3;
	[sflag:s9] =	ssyncset.done $0x0  }
0x20: {  	s0 =	sor.u32 s2, s31;
	[sflag:s9] =	ssyncadd.s32 $0xFFFFFF80  }
0x21: {  	v1 =	vld [tilespmem:$0x10];
	[tilespmem:s0+$0x84F0] =	vst v0  }
0x22: {  	[tilespmem:s0+$0x8080] =	vst v0  }
0x23: {  	[tilespmem:s0+$0x8090] =	vst v0  }
0x24: {  	[tilespmem:s0+$0x80A0] =	vst v0  }
0x25: {  	[tilespmem:s0+$0x80B0] =	vst v0  }
0x26: {  	[tilespmem:s0+$0x80C0] =	vst v0  }
0x27: {  	[tilespmem:s0+$0x80D0] =	vst v0  }
0x28: {  	[tilespmem:s0+$0x80E0] =	vst v0  }
0x29: {  	[tilespmem:s0+$0x80F0] =	vst v0  }
0x2a: {  	[tilespmem:s0+$0x8480] =	vst v0  }
0x2b: {  	[tilespmem:s0+$0x8490] =	vst v0  }
0x2c: {  	[tilespmem:s0+$0x84A0] =	vst v0  }
0x2d: {  	[tilespmem:s0+$0x84B0] =	vst v0  }
0x2e: {  	s4 =	simm.s32 $0x100;
	s2 =	simm.s32 $0x80;
	[tilespmem:s0+$0x84C0] =	vst v0  }
0x2f: {  	s6 =	sand.u32 $0x800, s4;
	s4 =	simm.s32 $0x200;
	s8 =	sand.u32 $0x380, s2;
	[tilespmem:s0+$0x84D0] =	vst v0  }
.LBB2_2:
0x30: {  	p0 =	sne.s32 s4, $0xF00;
	[tilespmem:s0+$0x84E0] =	vst v0;
	s0 =	sor.u32 s8, s6  }
0x31: {  	[tilespmem:s0+$0x84F0] =	vst v0  }
0x32: {  	[tilespmem:s0+$0x8080] =	vst v0  }
0x33: {  	[tilespmem:s0+$0x8090] =	vst v0  }
0x34: {  	[tilespmem:s0+$0x80A0] =	vst v0  }
0x35: {  	[tilespmem:s0+$0x80B0] =	vst v0  }
0x36: {  	[tilespmem:s0+$0x80C0] =	vst v0  }
0x37: {  	[tilespmem:s0+$0x80D0] =	vst v0  }
0x38: {  	[tilespmem:s0+$0x80E0] =	vst v0  }
0x39: {  	[tilespmem:s0+$0x80F0] =	vst v0  }
0x3a: {  	[tilespmem:s0+$0x8480] =	vst v0  }
.Ltmp2:
0x3b: {  	[tilespmem:s0+$0x8490] =	vst v0;
	(pc) =	sbr.rel @p0 .LBB2_2-.Ltmp2, $4  }
0x3c: {  	[tilespmem:s0+$0x84A0] =	vst v0  }
0x3d: {  	[tilespmem:s0+$0x84B0] =	vst v0  }
0x3e: {  	s2 =	sadd.s32 $0x80, s2;
	[tilespmem:s0+$0x84C0] =	vst v0  }
0x3f: {  	s6 =	sand.u32 $0x800, s4;
	s4 =	sadd.s32 $0x100, s4;
	s8 =	sand.u32 $0x380, s2;
	[tilespmem:s0+$0x84D0] =	vst v0  }
0x40: {  	(v2sf) =	vpush v1, $0x0;
	_ =	sdelay $0x9  }
0x41: {  	s2 =	sor.u32 s8, s6;
	[tilespmem:s0+$0x84E0] =	vst v0  }
0x42: {  	[tilespmem:s2+$0x84F0] =	vst v0  }
0x43: {  	[tilespmem:s2+$0x8080] =	vst v0  }
0x44: {  	[tilespmem:s2+$0x8090] =	vst v0  }
0x45: {  	[tilespmem:s2+$0x80A0] =	vst v0  }
0x46: {  	[tilespmem:s2+$0x80B0] =	vst v0;
	s29 =	spop (v2sf)  }
0x47: {  	[tilespmem:s2+$0x80C0] =	vst v0;
	s0 =	sshra.s32 s29, $0x4  }
0x48: {  	s30 =	stileid.u32;
	[tilespmem:s2+$0x80D0] =	vst v0;
	s4 =	sadd.s32 $0x3F, s0  }
0x49: {  	[tilespmem:s2+$0x80E0] =	vst v0;
	s16 =	smul.u32 s30, s0;
	s17 =	sshra.s32 s4, $0x6  }
0x4a: {  	[tilespmem:s2+$0x80F0] =	vst v0;
	p0 =	slt.s32 s17, $0x1  }
0x4b: {  	[tilespmem:s2+$0x8480] =	vst v0;
	p1 =	slt.s32 @!p0 s16, $0x3FC0  }
0x4c: {  	[tilespmem:s2+$0x8490] =	vst v0;
	s4 =	smov.u32 s16;
	p1 =	por !p1, p0  }
0x4d: {  	[tilespmem:s2+$0x84A0] =	vst v0;
	s4 =	simm.s32 @p1 $0x3FC0  }
0x4e: {  	[tilespmem:s2+$0x84B0] =	vst v0;
	s4 =	sshll.u32 @!p0 s4, $0x9  }
0x4f: {  	[tilespmem:s2+$0x84C0] =	vst v0;
	s4 =	sand.u32 @!p0 $0x7FFFF000, s4  }
0x50: {  	[tilespmem:s2+$0x84D0] =	vst v0;
	s31 =	sadd.s32 $0x1, s17;
	s4 =	sor.u32 @!p0 s5, s4  }
0x51: {  	[tilespmem:s2+$0x84E0] =	vst v0;
	s2 =	simm.s32 @!p0 $0x800;
	s6 =	simm.s32 @!p0 $0x1000;
	s4 =	sshrl.u32 @!p0 s4, $0x3  }
0x52: {  	s8 =	simm.s32 @!p0 $0x80;
	s18 =	sshra.s32 s31, $0x1;
	s4 =	sadd.s32 @!p0 s1, s4  }
0x53: {  	[tilespmem:s8], [sflag:$0x1] =	stream.strided.gather @!p0 [hbm4b:s4+s2], $0x4000, s6, s2, $0x38;
	[tilespmem:$0x9080] =	vst v63  }
0x54: {  	p0 =	slt.s32 s18, $0x1  }
.Ltmp3:
0x55: {  	_ = 	snop;
	(pc) =	sbr.rel @p0 .LBB2_24-.Ltmp3, $1  }
0x56: {  	_ =	sdelay $0x3  }
.Ltmp4:
0x57: {  	(pc) =	sbr.rel .LBB2_5-.Ltmp4, $3  }
0x58: {  	_ =	sdelay $0x1  }
0x59: {  	s19 =	sadd.s32 s0, s16  }
0x5a: {  	s20 =	sadd.s32 $0x40, s16;
	s21 =	simm.s32 $0x0;
	s22 =	smov.u32 s16  }
.LBB2_23:
0x5b: {  	s21 =	sadd.s32 $0x1, s21  }
0x5c: {  	p0 =	sne.s32 s21, s18  }
.Ltmp5:
0x5d: {  	_ = 	snop;
	(pc) =	sbr.rel @!p0 .LBB2_24-.Ltmp5, $2  }
0x5e: {  	_ =	sdelay $0x2  }
0x5f: {  	s22 =	sadd.s32 $0x80, s22;
	s20 =	sadd.s32 $0x80, s20  }
.LBB2_5:
0x60: {  	s25 =	sshllo.u32 s21, $0x1;
	p2 =	slt.s32 s20, $0x3FC0;
	s2 =	smov.u32 s20  }
0x61: {  	_ =	swait.ge [sflag:s10], $0x4000;
	s13 =	sshll.u32 s21, $0x7;
	s28 =	sshll.u32 s21, $0x1  }
0x62: {  	s31 =	smov.u32 s19;
	p0 =	sge.s32 s25, s17;
	s2 =	simm.s32 @!p2 $0x3FC0  }
0x63: {  	[sflag:s10] =	ssyncset.done $0x0;
	s29 =	sadd.s32 s16, s13;
	s0 =	sshll.u32 @!p0 s25, $0x6  }
0x64: {  	s4 =	sshll.u32 s2, $0x7;
	s2 =	sshll.u32 s2, $0x8;
	[sflag:s10] =	ssyncadd.s32 $0xFFFFC000  }
0x65: {  	s6 =	simm.s32 @!p0 $0x800;
	s8 =	simm.s32 @!p0 $0x1000;
	s11 =	simm.s32 @!p0 $0x4080  }
0x66: {  	s30 =	smov.u32 s29;
	s0 =	sadd.s32 @!p0 s16, s0;
	s23 =	ssub.s32 $0x0, s4  }
0x67: {  	s24 =	ssub.s32 $0x0, s2;
	s2 =	sadd.s32 $0x40, s29;
	p1 =	slt.s32 @!p0 s0, $0x3FC0  }
0x68: {  	s4 =	smov.u32 s22;
	p2 =	slt.s32 s2, s19;
	p1 =	por !p1, p0  }
0x69: {  	s31 =	smov.u32 @p2 s2;
	s0 =	simm.s32 @p1 $0x3FC0;
	p1 =	slt.s32 s22, $0x3FC0  }
0x6a: {  	s0 =	sshll.u32 @!p0 s0, $0x9;
	s4 =	simm.s32 @!p1 $0x3FC0;
	p1 =	slt.s32 s29, $0x3FC0  }
0x6b: {  	s0 =	sand.u32 @!p0 $0x7FFFF000, s0;
	s12 =	sshll.u32 s4, $0x7;
	s14 =	sshll.u32 s4, $0x8  }
.Ltmp6:
0x6c: {  	s30 =	simm.s32 @!p1 $0x3FC0;
	s0 =	sor.u32 @!p0 s5, s0;
	(pc) =	sbr.rel .LBB2_6-.Ltmp6, $4  }
0x6d: {  	p1 =	slt.s32 s28, s17;
	s26 =	ssub.s32 $0x0, s12;
	s0 =	sshrl.u32 @!p0 s0, $0x3  }
0x6e: {  	s29 =	simm.s32 @!p1 $0x0;
	s31 =	simm.s32 @!p1 $0x0;
	s0 =	sadd.s32 @!p0 s1, s0  }
0x6f: {  	[tilespmem:s11], [sflag:$0x2] =	stream.strided.gather @!p0 [hbm4b:s0+s6], $0x4000, s8, s6, $0x38;
	[tilespmem:$0x9080] =	vst v63  }
0x70: {  	s12 =	simm.s32 $0x0;
	s0 =	ssub.s32 $0x0, s14;
	s11 =	simm.s32 $0x0  }
.LBB2_8:
0x71: {  	v3 =	vimm.f32 $0.0e+00  }
0x72: {  	v4 =	vimm.f32 $0.0e+00;
	v5 =	vimm.f32 $0.0e+00;
	v13 =	vimm.f32 $0.0e+00  }
0x73: {  	v12 =	vimm.f32 $0.0e+00;
	v9 =	vimm.f32 $0.0e+00;
	v2 =	vimm.f32 $0.0e+00  }
0x74: {  	v14 =	vimm.f32 $0.0e+00;
	v10 =	vimm.f32 $0.0e+00;
	v6 =	vimm.f32 $0.0e+00  }
0x75: {  	v7 =	vimm.f32 $0.0e+00;
	v8 =	vimm.f32 $0.0e+00;
	v11 =	vimm.f32 $0.0e+00  }
0x76: {  	v15 =	vimm.f32 $0.0e+00;
	v16 =	vimm.f32 $0.0e+00;
	v17 =	vimm.f32 $0.0e+00  }
.LBB2_12:
0x77: {  	s2 =	sor.u32 s6, s4;
	v23 =	vld @p1 [tilespmem:s13+$0x4E0]  }
0x78: {  	v24 =	vld [tilespmem:s2+$0x4F0]  }
0x79: {  	v25 =	vld [tilespmem:s2+$0x80]  }
0x7a: {  	v26 =	vld [tilespmem:s2+$0x90]  }
0x7b: {  	v27 =	vld [tilespmem:s2+$0xA0]  }
0x7c: {  	v28 =	vld [tilespmem:s2+$0xB0]  }
0x7d: {  	v29 =	vld [tilespmem:s2+$0xC0]  }
0x7e: {  	v30 =	vld [tilespmem:s2+$0xD0]  }
0x7f: {  	v31 =	vld [tilespmem:s2+$0xE0]  }
0x80: {  	v32 =	vld [tilespmem:s2+$0xF0]  }
0x81: {  	v33 =	vld [tilespmem:s2+$0x480]  }
0x82: {  	v34 =	vld [tilespmem:s2+$0x490]  }
0x83: {  	v35 =	vld [tilespmem:s2+$0x4A0]  }
0x84: {  	v36 =	vld [tilespmem:s2+$0x4B0]  }
0x85: {  	s8 =	sshll.u32 s11, $0x8;
	s13 =	sshll.u32 s11, $0x7;
	v37 =	vld [tilespmem:s2+$0x4C0]  }
0x86: {  	v58 =	vld [tilespmem:s2+$0x4D0];
	s4 =	sand.u32 $0x800, s8;
	s6 =	sand.u32 $0x380, s13;
	v14 =	vadd.f32 v25, v14  }
0x87: {  	v59 =	vld [tilespmem:s2+$0x4E0];
	s14 =	sor.u32 s6, s4;
	v10 =	vadd.f32 v26, v10  }
0x88: {  	v6 =	vadd.f32 v27, v6;
	[tilespmem:s14+$0x8080] =	vst.add.f32.msk $0xffff, v14  }
0x89: {  	v7 =	vadd.f32 v28, v7;
	[tilespmem:s14+$0x8090] =	vst.add.f32.msk $0xffff, v10  }
0x8a: {  	v8 =	vadd.f32 v29, v8;
	[tilespmem:s14+$0x80A0] =	vst.add.f32.msk $0xffff, v6  }
0x8b: {  	v60 =	vadd.f32 v30, v11;
	[tilespmem:s14+$0x80B0] =	vst.add.f32.msk $0xffff, v7  }
0x8c: {  	v3 =	vadd.f32 @p1 v20, v3;
	v61 =	vadd.f32 v31, v15;
	[tilespmem:s14+$0x80C0] =	vst.add.f32.msk $0xffff, v8  }
0x8d: {  	v4 =	vadd.f32 @p1 v18, v4;
	v62 =	vadd.f32 v32, v16;
	[tilespmem:s14+$0x80D0] =	vst.add.f32.msk $0xffff, v60  }
0x8e: {  	v5 =	vadd.f32 @p1 v19, v5;
	v3 =	vpsel p1, v3, v1;
	v63 =	vadd.f32 v33, v17;
	[tilespmem:s14+$0x80E0] =	vst.add.f32.msk $0xffff, v61  }
0x8f: {  	v4 =	vpsel p1, v4, v1;
	v3 =	vadd.f32 v34, v3;
	[tilespmem:s14+$0x80F0] =	vst.add.f32.msk $0xffff, v62  }
0x90: {  	v5 =	vpsel p1, v5, v1;
	v4 =	vadd.f32 v35, v4;
	v7 =	vadd.f32 @p1 v21, v13;
	[tilespmem:s14+$0x8480] =	vst.add.f32.msk $0xffff, v63  }
0x91: {  	v5 =	vadd.f32 v36, v5;
	v8 =	vadd.f32 @p1 v22, v12;
	[tilespmem:s14+$0x8490] =	vst.add.f32.msk $0xffff, v3  }
0x92: {  	v2 =	vadd.f32 v24, v2;
	v6 =	vadd.f32 @p1 v23, v9;
	[tilespmem:s14+$0x84A0] =	vst.add.f32.msk $0xffff, v4;
	v7 =	vpsel p1, v7, v1  }
0x93: {  	[tilespmem:s14+$0x84B0] =	vst.add.f32.msk $0xffff, v5;
	v3 =	vpsel p1, v8, v1;
	v7 =	vadd.f32 v37, v7  }
0x94: {  	[tilespmem:s14+$0x84F0] =	vst.add.f32.msk $0xffff, v2;
	v1 =	vpsel p1, v6, v1;
	v3 =	vadd.f32 v58, v3  }
0x95: {  	v1 =	vadd.f32 v59, v1;
	[tilespmem:s14+$0x84C0] =	vst.add.f32.msk $0xffff, v7  }
0x96: {  	[tilespmem:s14+$0x84D0] =	vst.add.f32.msk $0xffff, v3  }
0x97: {  	[tilespmem:s14+$0x84E0] =	vst.add.f32.msk $0xffff, v1  }
.LBB2_13:
0x98: {  	s11 =	sadd.s32 $0x1, s11  }
0x99: {  	p1 =	sne.s32 s11, $0x10  }
.Ltmp7:
0x9a: {  	_ = 	snop;
	(pc) =	sbr.rel @!p1 .LBB2_14-.Ltmp7, $1  }
0x9b: {  	_ =	sdelay $0x3  }
.LBB2_6:
0x9c: {  	v1 =	vld [tilespmem:s11+$0x0];
	_ =	sdelay $0x4  }
0x9d: {  	(v2sf) =	vpush v1, $0x0;
	_ =	sdelay $0xe  }
0x9e: {  	s2 =	spop (v2sf)  }
0x9f: {  	s6 =	smov.u32 s12;
	s4 =	smov.u32 s31;
	s12 =	sadd.s32 s12, s2  }
0xa0: {  	p1 =	sgt.s32 s6, s29;
	s2 =	smov.u32 s29;
	p2 =	slt.s32 s12, s31  }
0xa1: {  	s2 =	smov.u32 @p1 s6;
	s4 =	smov.u32 @p2 s12  }
0xa2: {  	s6 =	ssub.s32 s2, s30;
	s8 =	ssub.s32 s4, s30  }
0xa3: {  	p1 =	sge.s32 s6, s8  }
.Ltmp8:
0xa4: {  	_ = 	snop;
	(pc) =	sbr.rel @p1 .LBB2_13-.Ltmp8, $1  }
0xa5: {  	_ =	sdelay $0x3  }
0xa6: {  	s8 =	ssub.s32 s4, s2  }
0xa7: {  	p2 =	sne.s32 s8, $0x1  }
.Ltmp9:
0xa8: {  	_ = 	snop;
	(pc) =	sbr.rel @!p2 .LBB2_8-.Ltmp9, $4  }
0xa9: {  	_ = 	snop  }
0xaa: {  	s6 =	sshll.u32 s2, $0x8;
	s13 =	sshll.u32 s2, $0x7  }
0xab: {  	p1 =	por $0x0, $0x0;
	s14 =	sadd.s32 s6, s0;
	s2 =	sadd.s32 s13, s26  }
0xac: {  	v1 =	vimm.f32 $0.0e+00;
	s8 =	sadd.s32 $0xFFFFFFFF, s8;
	s4 =	sand.u32 $0xFFFFF800, s14;
	s6 =	sand.u32 $0x380, s2  }
0xad: {  	s13 =	sor.u32 s6, s4  }
0xae: {  	v2 =	vld [tilespmem:s13+$0x4F0]  }
0xaf: {  	v3 =	vld [tilespmem:s13+$0x80]  }
0xb0: {  	v4 =	vld [tilespmem:s13+$0x90]  }
0xb1: {  	v5 =	vld [tilespmem:s13+$0xA0]  }
0xb2: {  	v7 =	vld [tilespmem:s13+$0xB0]  }
0xb3: {  	v8 =	vld [tilespmem:s13+$0xC0]  }
0xb4: {  	v9 =	vld [tilespmem:s13+$0xD0]  }
0xb5: {  	v12 =	vld [tilespmem:s13+$0xE0]  }
0xb6: {  	v13 =	vld [tilespmem:s13+$0xF0]  }
0xb7: {  	v17 =	vld [tilespmem:s13+$0x480]  }
0xb8: {  	v2 =	vadd.f32 v2, v1;
	v14 =	vadd.f32 v3, v1  }
0xb9: {  	p2 =	sne.s32 s8, $0x1;
	v10 =	vadd.f32 v4, v1;
	v6 =	vadd.f32 v5, v1  }
.Ltmp10:
0xba: {  	v20 =	vld [tilespmem:s13+$0x490];
	v7 =	vadd.f32 v7, v1;
	v8 =	vadd.f32 v8, v1;
	(pc) =	sbr.rel @!p2 .LBB2_10-.Ltmp10, $4  }
0xbb: {  	v18 =	vld [tilespmem:s13+$0x4A0];
	v11 =	vadd.f32 v9, v1;
	v15 =	vadd.f32 v12, v1  }
0xbc: {  	v19 =	vld [tilespmem:s13+$0x4B0];
	v16 =	vadd.f32 v13, v1;
	v17 =	vadd.f32 v17, v1  }
0xbd: {  	s14 =	sadd.s32 $0x100, s14;
	s2 =	sadd.s32 $0x80, s2;
	s8 =	sadd.s32 $0xFFFFFFFF, s8;
	v21 =	vld [tilespmem:s13+$0x4C0];
	v3 =	vimm.f32 $0.0e+00;
	v4 =	vimm.f32 $0.0e+00;
	v5 =	vimm.f32 $0.0e+00  }
0xbe: {  	p1 =	por $0x1, $0x1;
	s4 =	sand.u32 $0xFFFFF800, s14;
	s6 =	sand.u32 $0x380, s2;
	v22 =	vld [tilespmem:s13+$0x4D0];
	v13 =	vimm.f32 $0.0e+00;
	v12 =	vimm.f32 $0.0e+00;
	v9 =	vimm.f32 $0.0e+00  }
.LBB2_11:
0xbf: {  	p2 =	sne.s32 s8, $0x1;
	v3 =	vadd.f32 v20, v3;
	v20 =	vld [tilespmem:s13+$0x4E0];
	s13 =	sor.u32 s6, s4  }
0xc0: {  	v4 =	vadd.f32 v18, v4;
	v23 =	vld [tilespmem:s13+$0x4F0]  }
0xc1: {  	v5 =	vadd.f32 v19, v5;
	v18 =	vld [tilespmem:s13+$0x80]  }
0xc2: {  	v13 =	vadd.f32 v21, v13;
	v19 =	vld [tilespmem:s13+$0x90]  }
0xc3: {  	v12 =	vadd.f32 v22, v12;
	v21 =	vld [tilespmem:s13+$0xA0]  }
0xc4: {  	v22 =	vld [tilespmem:s13+$0xB0];
	v9 =	vadd.f32 v20, v9  }
0xc5: {  	v20 =	vld [tilespmem:s13+$0xC0];
	v2 =	vadd.f32 v23, v2  }
0xc6: {  	v14 =	vadd.f32 v18, v14;
	v18 =	vld [tilespmem:s13+$0xD0]  }
0xc7: {  	v10 =	vadd.f32 v19, v10;
	v19 =	vld [tilespmem:s13+$0xE0]  }
0xc8: {  	v6 =	vadd.f32 v21, v6;
	v21 =	vld [tilespmem:s13+$0xF0]  }
0xc9: {  	v7 =	vadd.f32 v22, v7;
	v22 =	vld [tilespmem:s13+$0x480]  }
.Ltmp11:
0xca: {  	v8 =	vadd.f32 v20, v8;
	v20 =	vld [tilespmem:s13+$0x490];
	(pc) =	sbr.rel @p2 .LBB2_11-.Ltmp11, $4  }
0xcb: {  	v11 =	vadd.f32 v18, v11;
	v18 =	vld [tilespmem:s13+$0x4A0]  }
0xcc: {  	v15 =	vadd.f32 v19, v15;
	v19 =	vld [tilespmem:s13+$0x4B0]  }
0xcd: {  	s2 =	sadd.s32 $0x80, s2;
	s14 =	sadd.s32 $0x100, s14;
	v16 =	vadd.f32 v21, v16;
	v21 =	vld [tilespmem:s13+$0x4C0]  }
0xce: {  	s8 =	sadd.s32 $0xFFFFFFFF, s8;
	s4 =	sand.u32 $0xFFFFF800, s14;
	s6 =	sand.u32 $0x380, s2;
	v17 =	vadd.f32 v22, v17;
	v22 =	vld [tilespmem:s13+$0x4D0]  }
.Ltmp12:
0xcf: {  	_ = 	snop;
	(pc) =	sbr.rel .LBB2_12-.Ltmp12, $1  }
0xd0: {  	_ =	sdelay $0x3  }
.LBB2_10:
.Ltmp13:
0xd1: {  	(pc) =	sbr.rel .LBB2_12-.Ltmp13, $3  }
0xd2: {  	_ =	sdelay $0x1  }
0xd3: {  	v3 =	vimm.f32 $0.0e+00;
	v4 =	vimm.f32 $0.0e+00;
	v5 =	vimm.f32 $0.0e+00  }
0xd4: {  	v13 =	vimm.f32 $0.0e+00;
	v12 =	vimm.f32 $0.0e+00;
	v9 =	vimm.f32 $0.0e+00  }
.LBB2_14:
0xd5: {  	s0 =	sadd.s32 $0x2, s28  }
0xd6: {  	p1 =	sge.s32 s0, s17  }
0xd7: {  	s0 =	sshll.u32 @!p1 s0, $0x6  }
0xd8: {  	s0 =	sadd.s32 @!p1 s16, s0  }
0xd9: {  	p2 =	slt.s32 @!p1 s0, $0x3FC0  }
0xda: {  	p2 =	por !p2, p1  }
0xdb: {  	s0 =	simm.s32 @p2 $0x3FC0  }
0xdc: {  	s2 =	simm.s32 @!p0 $0x2;
	s0 =	sshll.u32 @!p1 s0, $0x9  }
0xdd: {  	_ =	swait.ge @!p0 [sflag:s2], $0x4000;
	s0 =	sand.u32 @!p1 $0x7FFFF000, s0  }
0xde: {  	s31 =	sshll.u32 s25, $0x6;
	[sflag:s2] =	ssyncset.done @!p0 $0x0;
	s0 =	sor.u32 @!p1 s5, s0  }
0xdf: {  	s4 =	simm.s32 @!p1 $0x1000;
	s6 =	simm.s32 @!p1 $0x80;
	s0 =	sshrl.u32 @!p1 s0, $0x3  }
0xe0: {  	[sflag:s2] =	ssyncadd.s32 @!p0 $0xFFFFC000;
	s2 =	simm.s32 @!p1 $0x800;
	s0 =	sadd.s32 @!p1 s1, s0  }
0xe1: {  	[tilespmem:s6], [sflag:$0x1] =	stream.strided.gather @!p1 [hbm4b:s0+s2], $0x4000, s4, s2, $0x38;
	[tilespmem:$0x9080] =	vst v63  }
.Ltmp14:
0xe2: {  	s26 =	sadd.s32 s16, s31;
	(pc) =	sbr.rel .LBB2_15-.Ltmp14, $4  }
0xe3: {  	s28 =	smov.u32 s26;
	p0 =	slt.s32 s26, $0x3FC0;
	s2 =	sadd.s32 $0x40, s26  }
0xe4: {  	s28 =	simm.s32 @!p0 $0x3FC0;
	s0 =	smov.u32 s19;
	p0 =	slt.s32 s2, s19  }
0xe5: {  	s12 =	simm.s32 $0x0;
	p1 =	slt.s32 s25, s17;
	s0 =	smov.u32 @p0 s2  }
0xe6: {  	s11 =	simm.s32 $0x0;
	s26 =	simm.s32 @!p1 $0x0;
	s0 =	simm.s32 @!p1 $0x0  }
.LBB2_17:
0xe7: {  	v3 =	vimm.f32 $0.0e+00  }
0xe8: {  	v4 =	vimm.f32 $0.0e+00;
	v5 =	vimm.f32 $0.0e+00;
	v13 =	vimm.f32 $0.0e+00  }
0xe9: {  	v12 =	vimm.f32 $0.0e+00;
	v9 =	vimm.f32 $0.0e+00;
	v2 =	vimm.f32 $0.0e+00  }
0xea: {  	v14 =	vimm.f32 $0.0e+00;
	v10 =	vimm.f32 $0.0e+00;
	v6 =	vimm.f32 $0.0e+00  }
0xeb: {  	v7 =	vimm.f32 $0.0e+00;
	v8 =	vimm.f32 $0.0e+00;
	v11 =	vimm.f32 $0.0e+00  }
0xec: {  	v15 =	vimm.f32 $0.0e+00;
	v16 =	vimm.f32 $0.0e+00;
	v17 =	vimm.f32 $0.0e+00  }
.LBB2_21:
0xed: {  	s2 =	sor.u32 s6, s4;
	v23 =	vld @p0 [tilespmem:s13+$0x44E0]  }
0xee: {  	v24 =	vld [tilespmem:s2+$0x44F0]  }
0xef: {  	v25 =	vld [tilespmem:s2+$0x4080]  }
0xf0: {  	v26 =	vld [tilespmem:s2+$0x4090]  }
0xf1: {  	v27 =	vld [tilespmem:s2+$0x40A0]  }
0xf2: {  	v28 =	vld [tilespmem:s2+$0x40B0]  }
0xf3: {  	v29 =	vld [tilespmem:s2+$0x40C0]  }
0xf4: {  	v30 =	vld [tilespmem:s2+$0x40D0]  }
0xf5: {  	v31 =	vld [tilespmem:s2+$0x40E0]  }
0xf6: {  	v32 =	vld [tilespmem:s2+$0x40F0]  }
0xf7: {  	v33 =	vld [tilespmem:s2+$0x4480]  }
0xf8: {  	v34 =	vld [tilespmem:s2+$0x4490]  }
0xf9: {  	v35 =	vld [tilespmem:s2+$0x44A0]  }
0xfa: {  	v36 =	vld [tilespmem:s2+$0x44B0]  }
0xfb: {  	s29 =	sshll.u32 s11, $0x8;
	s30 =	sshll.u32 s11, $0x7;
	v37 =	vld [tilespmem:s2+$0x44C0]  }
0xfc: {  	v58 =	vld [tilespmem:s2+$0x44D0];
	s4 =	sand.u32 $0x800, s29;
	s6 =	sand.u32 $0x380, s30;
	v14 =	vadd.f32 v25, v14  }
0xfd: {  	v59 =	vld [tilespmem:s2+$0x44E0];
	s31 =	sor.u32 s6, s4;
	v10 =	vadd.f32 v26, v10  }
0xfe: {  	v6 =	vadd.f32 v27, v6;
	[tilespmem:s31+$0x8080] =	vst.add.f32.msk $0xffff, v14  }
0xff: {  	v7 =	vadd.f32 v28, v7;
	[tilespmem:s31+$0x8090] =	vst.add.f32.msk $0xffff, v10  }
0x100: {  	v8 =	vadd.f32 v29, v8;
	[tilespmem:s31+$0x80A0] =	vst.add.f32.msk $0xffff, v6  }
0x101: {  	v60 =	vadd.f32 v30, v11;
	[tilespmem:s31+$0x80B0] =	vst.add.f32.msk $0xffff, v7  }
0x102: {  	v3 =	vadd.f32 @p0 v20, v3;
	v61 =	vadd.f32 v31, v15;
	[tilespmem:s31+$0x80C0] =	vst.add.f32.msk $0xffff, v8  }
0x103: {  	v4 =	vadd.f32 @p0 v18, v4;
	v62 =	vadd.f32 v32, v16;
	[tilespmem:s31+$0x80D0] =	vst.add.f32.msk $0xffff, v60  }
0x104: {  	v5 =	vadd.f32 @p0 v19, v5;
	v3 =	vpsel p0, v3, v1;
	v63 =	vadd.f32 v33, v17;
	[tilespmem:s31+$0x80E0] =	vst.add.f32.msk $0xffff, v61  }
0x105: {  	v4 =	vpsel p0, v4, v1;
	v3 =	vadd.f32 v34, v3;
	[tilespmem:s31+$0x80F0] =	vst.add.f32.msk $0xffff, v62  }
0x106: {  	v5 =	vpsel p0, v5, v1;
	v4 =	vadd.f32 v35, v4;
	v7 =	vadd.f32 @p0 v21, v13;
	[tilespmem:s31+$0x8480] =	vst.add.f32.msk $0xffff, v63  }
0x107: {  	v5 =	vadd.f32 v36, v5;
	v8 =	vadd.f32 @p0 v22, v12;
	[tilespmem:s31+$0x8490] =	vst.add.f32.msk $0xffff, v3  }
0x108: {  	v2 =	vadd.f32 v24, v2;
	v6 =	vadd.f32 @p0 v23, v9;
	[tilespmem:s31+$0x84A0] =	vst.add.f32.msk $0xffff, v4;
	v7 =	vpsel p0, v7, v1  }
0x109: {  	[tilespmem:s31+$0x84B0] =	vst.add.f32.msk $0xffff, v5;
	v3 =	vpsel p0, v8, v1;
	v7 =	vadd.f32 v37, v7  }
0x10a: {  	[tilespmem:s31+$0x84F0] =	vst.add.f32.msk $0xffff, v2;
	v1 =	vpsel p0, v6, v1;
	v3 =	vadd.f32 v58, v3  }
0x10b: {  	v1 =	vadd.f32 v59, v1;
	[tilespmem:s31+$0x84C0] =	vst.add.f32.msk $0xffff, v7  }
0x10c: {  	[tilespmem:s31+$0x84D0] =	vst.add.f32.msk $0xffff, v3  }
0x10d: {  	[tilespmem:s31+$0x84E0] =	vst.add.f32.msk $0xffff, v1  }
.LBB2_22:
0x10e: {  	s11 =	sadd.s32 $0x1, s11  }
0x10f: {  	p0 =	sne.s32 s11, $0x10  }
.Ltmp15:
0x110: {  	_ = 	snop;
	(pc) =	sbr.rel @!p0 .LBB2_23-.Ltmp15, $1  }
0x111: {  	_ =	sdelay $0x3  }
.LBB2_15:
0x112: {  	v1 =	vld [tilespmem:s11+$0x0];
	_ =	sdelay $0x4  }
0x113: {  	(v2sf) =	vpush v1, $0x0;
	_ =	sdelay $0xe  }
0x114: {  	s2 =	spop (v2sf)  }
0x115: {  	s6 =	smov.u32 s12;
	s4 =	smov.u32 s0;
	s12 =	sadd.s32 s12, s2  }
0x116: {  	p0 =	sgt.s32 s6, s26;
	s2 =	smov.u32 s26;
	p1 =	slt.s32 s12, s0  }
0x117: {  	s2 =	smov.u32 @p0 s6;
	s4 =	smov.u32 @p1 s12  }
0x118: {  	s6 =	ssub.s32 s2, s28;
	s8 =	ssub.s32 s4, s28  }
0x119: {  	p0 =	sge.s32 s6, s8  }
.Ltmp16:
0x11a: {  	_ = 	snop;
	(pc) =	sbr.rel @p0 .LBB2_22-.Ltmp16, $1  }
0x11b: {  	_ =	sdelay $0x3  }
0x11c: {  	s8 =	ssub.s32 s4, s2  }
0x11d: {  	p1 =	sne.s32 s8, $0x1  }
.Ltmp17:
0x11e: {  	_ = 	snop;
	(pc) =	sbr.rel @!p1 .LBB2_17-.Ltmp17, $4  }
0x11f: {  	_ = 	snop  }
0x120: {  	s6 =	sshll.u32 s2, $0x8;
	s31 =	sshll.u32 s2, $0x7  }
0x121: {  	p0 =	por $0x0, $0x0;
	s14 =	sadd.s32 s6, s24;
	s2 =	sadd.s32 s31, s23  }
0x122: {  	v1 =	vimm.f32 $0.0e+00;
	s8 =	sadd.s32 $0xFFFFFFFF, s8;
	s4 =	sand.u32 $0xFFFFF800, s14;
	s6 =	sand.u32 $0x380, s2  }
0x123: {  	s13 =	sor.u32 s6, s4  }
0x124: {  	v2 =	vld [tilespmem:s13+$0x44F0]  }
0x125: {  	v3 =	vld [tilespmem:s13+$0x4080]  }
0x126: {  	v4 =	vld [tilespmem:s13+$0x4090]  }
0x127: {  	v5 =	vld [tilespmem:s13+$0x40A0]  }
0x128: {  	v7 =	vld [tilespmem:s13+$0x40B0]  }
0x129: {  	v8 =	vld [tilespmem:s13+$0x40C0]  }
0x12a: {  	v9 =	vld [tilespmem:s13+$0x40D0]  }
0x12b: {  	v12 =	vld [tilespmem:s13+$0x40E0]  }
0x12c: {  	v13 =	vld [tilespmem:s13+$0x40F0]  }
0x12d: {  	v17 =	vld [tilespmem:s13+$0x4480]  }
0x12e: {  	v2 =	vadd.f32 v2, v1;
	v14 =	vadd.f32 v3, v1  }
0x12f: {  	p1 =	sne.s32 s8, $0x1;
	v10 =	vadd.f32 v4, v1;
	v6 =	vadd.f32 v5, v1  }
.Ltmp18:
0x130: {  	v20 =	vld [tilespmem:s13+$0x4490];
	v7 =	vadd.f32 v7, v1;
	v8 =	vadd.f32 v8, v1;
	(pc) =	sbr.rel @!p1 .LBB2_19-.Ltmp18, $4  }
0x131: {  	v18 =	vld [tilespmem:s13+$0x44A0];
	v11 =	vadd.f32 v9, v1;
	v15 =	vadd.f32 v12, v1  }
0x132: {  	v19 =	vld [tilespmem:s13+$0x44B0];
	v16 =	vadd.f32 v13, v1;
	v17 =	vadd.f32 v17, v1  }
0x133: {  	s14 =	sadd.s32 $0x100, s14;
	s2 =	sadd.s32 $0x80, s2;
	s8 =	sadd.s32 $0xFFFFFFFF, s8;
	v21 =	vld [tilespmem:s13+$0x44C0];
	v3 =	vimm.f32 $0.0e+00;
	v4 =	vimm.f32 $0.0e+00;
	v5 =	vimm.f32 $0.0e+00  }
0x134: {  	p0 =	por $0x1, $0x1;
	s4 =	sand.u32 $0xFFFFF800, s14;
	s6 =	sand.u32 $0x380, s2;
	v22 =	vld [tilespmem:s13+$0x44D0];
	v13 =	vimm.f32 $0.0e+00;
	v12 =	vimm.f32 $0.0e+00;
	v9 =	vimm.f32 $0.0e+00  }
.LBB2_20:
0x135: {  	p1 =	sne.s32 s8, $0x1;
	v3 =	vadd.f32 v20, v3;
	v20 =	vld [tilespmem:s13+$0x44E0];
	s13 =	sor.u32 s6, s4  }
0x136: {  	v4 =	vadd.f32 v18, v4;
	v23 =	vld [tilespmem:s13+$0x44F0]  }
0x137: {  	v5 =	vadd.f32 v19, v5;
	v18 =	vld [tilespmem:s13+$0x4080]  }
0x138: {  	v13 =	vadd.f32 v21, v13;
	v19 =	vld [tilespmem:s13+$0x4090]  }
0x139: {  	v12 =	vadd.f32 v22, v12;
	v21 =	vld [tilespmem:s13+$0x40A0]  }
0x13a: {  	v22 =	vld [tilespmem:s13+$0x40B0];
	v9 =	vadd.f32 v20, v9  }
0x13b: {  	v20 =	vld [tilespmem:s13+$0x40C0];
	v2 =	vadd.f32 v23, v2  }
0x13c: {  	v14 =	vadd.f32 v18, v14;
	v18 =	vld [tilespmem:s13+$0x40D0]  }
0x13d: {  	v10 =	vadd.f32 v19, v10;
	v19 =	vld [tilespmem:s13+$0x40E0]  }
0x13e: {  	v6 =	vadd.f32 v21, v6;
	v21 =	vld [tilespmem:s13+$0x40F0]  }
0x13f: {  	v7 =	vadd.f32 v22, v7;
	v22 =	vld [tilespmem:s13+$0x4480]  }
.Ltmp19:
0x140: {  	v8 =	vadd.f32 v20, v8;
	v20 =	vld [tilespmem:s13+$0x4490];
	(pc) =	sbr.rel @p1 .LBB2_20-.Ltmp19, $4  }
0x141: {  	v11 =	vadd.f32 v18, v11;
	v18 =	vld [tilespmem:s13+$0x44A0]  }
0x142: {  	v15 =	vadd.f32 v19, v15;
	v19 =	vld [tilespmem:s13+$0x44B0]  }
0x143: {  	s2 =	sadd.s32 $0x80, s2;
	s14 =	sadd.s32 $0x100, s14;
	v16 =	vadd.f32 v21, v16;
	v21 =	vld [tilespmem:s13+$0x44C0]  }
0x144: {  	s8 =	sadd.s32 $0xFFFFFFFF, s8;
	s4 =	sand.u32 $0xFFFFF800, s14;
	s6 =	sand.u32 $0x380, s2;
	v17 =	vadd.f32 v22, v17;
	v22 =	vld [tilespmem:s13+$0x44D0]  }
.Ltmp20:
0x145: {  	_ = 	snop;
	(pc) =	sbr.rel .LBB2_21-.Ltmp20, $1  }
0x146: {  	_ =	sdelay $0x3  }
.LBB2_19:
.Ltmp21:
0x147: {  	(pc) =	sbr.rel .LBB2_21-.Ltmp21, $3  }
0x148: {  	_ =	sdelay $0x1  }
0x149: {  	v3 =	vimm.f32 $0.0e+00;
	v4 =	vimm.f32 $0.0e+00;
	v5 =	vimm.f32 $0.0e+00  }
0x14a: {  	v13 =	vimm.f32 $0.0e+00;
	v12 =	vimm.f32 $0.0e+00;
	v9 =	vimm.f32 $0.0e+00  }
.LBB2_25:
0x14b: {  	_ =	sfence.sel $0x180000  }
0x14c: {  	[bflag:$0x0] =	sbarrier.arrive $0xFFFF  }
0x14d: {  	_ =	strace $0x90000047  }
0x14e: {  	s0 =	stileid.u32;
	[bflag:$0x2] =	sbarrier.arrive $0xFFFF  }
0x14f: {  	p0 =	sne.s32 s0, $0x0;
	s0 =	rddreg [dreg:$0x2]  }
0x150: {  	s0 =	sadd.s32 @!p0 $0x100000, s0  }
0x151: {  	[sflag:s0] =	ssyncadd.tile.s32 @!p0 $0x1;
	_ =	shalt  }
.Lfunc_end2:
_tile_overlayer_lowered:
.L_overlay_start_2:
0x152: {  	(tag) =	ssettag $0x2  }
0x153: {  	s0 =	rddreg [dreg:$0x0];
	s2 =	stileid.u32  }
0x154: {  	s1 =	rddreg [dreg:$0x1];
	p0 =	sne.s32 s2, $0x0  }
0x155: {  	s3 =	rddreg [dreg:$0x2];
	[bflag:$0x3] =	sbarrier.arrive $0xFFFF;
	s2 =	simm.s32 @!p0 $0x1C03  }
0x156: {  	[timem:s3], [sflag:s2] =	dma.local @!p0 [hbm:s0], s1  }
0x157: {  	s0 =	simm.s32 @!p0 $0x3  }
0x158: {  	_ =	swait.ge @!p0 [sflag:s0], s1  }
0x159: {  	s1 =	ssub.s32 @!p0 $0x0, s1;
	[sflag:s0] =	ssyncset.done @!p0 $0x0  }
0x15a: {  	[sflag:s0] =	ssyncadd.s32 @!p0 s1  }
0x15b: {  	[bflag:$0x3] =	sbarrier.arrive $0xFFFF  }
0x15c: {  	_ =	shalt  }

</sc_bundles>
